<compile_context>
chip_gen: v7x
topology: tpu7x:2x2x1
jax: 0.10.2.dev20260603
libtpu: 0.0.44.dev20260713+nightly
codegen_flags: <defaults>
</compile_context>

<pallas_src>
import dataclasses

import jax
import jax.numpy as jnp
from jax import lax
from jax.experimental import pallas as pl
from jax.experimental.pallas import tpu as pltpu
from jax.experimental.pallas import tpu_sc as plsc

N_DEV = 10000
N_CAND = 10000
E = 160000
D = 256
H = 4
C = 256
HC = H * C
CH = C // 2

NPAD = 10240
BR = 512

NW = 32
EPAD = 163840
ECH_W = EPAD // NW
ECH_T = EPAD // 16
EB = 1024
NB2 = ECH_W // EB
NB3 = ECH_T // EB
NGB = EB // 16
NROWS_T = NPAD // 16


def _leaky(x, slope):
    return jnp.where(x >= 0, x, slope * x)


def _sc_params():
    cp = pltpu.CompilerParams()
    if "needs_layout_passes" in pltpu.CompilerParams.__dataclass_fields__:
        cp = dataclasses.replace(cp, needs_layout_passes=False)
    return cp


def _proj_body(dev_ref, cand_ref, Wl_ref, bl_ref, Wr_ref, br_ref, Wres_ref,
               xl_ref, xr_ref, res_ref):
    xl_ref[...] = (
        jnp.dot(dev_ref[...], Wl_ref[...], preferred_element_type=jnp.float32)
        + bl_ref[...]
    )
    xr_ref[...] = (
        jnp.dot(cand_ref[...], Wr_ref[...], preferred_element_type=jnp.float32)
        + br_ref[...]
    )
    res_ref[...] = jnp.dot(cand_ref[...], Wres_ref[...],
                           preferred_element_type=jnp.float32)


def _proj(dev, cand, Wl, bl, Wr, br, Wres):
    return pl.pallas_call(
        _proj_body,
        grid=(NPAD // BR,),
        in_specs=[
            pl.BlockSpec((BR, D), lambda i: (i, 0)),
            pl.BlockSpec((BR, D), lambda i: (i, 0)),
            pl.BlockSpec((D, HC), lambda i: (0, 0)),
            pl.BlockSpec((1, HC), lambda i: (0, 0)),
            pl.BlockSpec((D, HC), lambda i: (0, 0)),
            pl.BlockSpec((1, HC), lambda i: (0, 0)),
            pl.BlockSpec((D, C), lambda i: (0, 0)),
        ],
        out_specs=[
            pl.BlockSpec((BR, HC), lambda i: (i, 0)),
            pl.BlockSpec((BR, HC), lambda i: (i, 0)),
            pl.BlockSpec((BR, C), lambda i: (i, 0)),
        ],
        out_shape=[
            jax.ShapeDtypeStruct((NPAD, HC), jnp.float32),
            jax.ShapeDtypeStruct((NPAD, HC), jnp.float32),
            jax.ShapeDtypeStruct((NPAD, C), jnp.float32),
        ],
    )(dev, cand, Wl, bl, Wr, br, Wres)


def _p2_body(xl_hbm, xr_hbm, src_hbm, dst_hbm, att_hbm, zch_hbm,
             ex_hbm, den_hbm,
             srcb, dstb, exb, xlb, xrb, att_v, row_v, sbuf, dbuf, sem0,
             sem1, den_s):
    cid = lax.axis_index("c")
    sid = lax.axis_index("s")
    w = sid * 2 + cid
    base = w * ECH_W
    pltpu.sync_copy(att_hbm, att_v)
    pltpu.sync_copy(zch_hbm.at[pl.ds(sid * NROWS_T, NROWS_T)],
                    den_s.at[pl.ds(sid * NROWS_T, NROWS_T)])

    zeros16 = jnp.zeros((16,), jnp.float32)

    @pl.loop(0, 16)
    def _(i):
        for c8 in range(8):
            row_v[i, pl.ds(c8 * 16, 16)] = zeros16

    plsc.subcore_barrier()

    iota = lax.iota(jnp.int32, 16)

    @pl.loop(0, NB2)
    def _(b):
        bb = base + b * EB
        pltpu.sync_copy(src_hbm.at[pl.ds(bb, EB)], srcb)
        pltpu.sync_copy(dst_hbm.at[pl.ds(bb, EB)], dstb)

        @pl.loop(0, NGB)
        def _(g):
            sbuf[...] = srcb[pl.ds(g * 16, 16)]
            dbuf[...] = dstb[pl.ds(g * 16, 16)]
            cpa = pltpu.async_copy(xl_hbm.at[sbuf], xlb, sem0)
            cpb = pltpu.async_copy(xr_hbm.at[dbuf], xrb, sem1)
            cpa.wait()
            cpb.wait()
            for h in range(H):
                def cbody(cc, acc, h=h):
                    for p in range(2):
                        sub = jnp.full((16,), p * 4 + h, jnp.int32)
                        ccv = jnp.full((16,), cc, jnp.int32)
                        a = plsc.load_gather(xlb, [iota, sub, ccv])
                        bv = plsc.load_gather(xrb, [iota, sub, ccv])
                        av = plsc.load_gather(
                            att_v,
                            [jnp.full((16,), 0, jnp.int32)
                             + ((p * 4 + h) * 128 + cc)])
                        s = a + bv
                        acc = acc + jnp.maximum(s, 0.2 * s) * av
                    return acc

                acch = lax.fori_loop(0, 128, cbody, zeros16)
                exh = jnp.exp(acch)
                exb[pl.ds(h * EB + g * 16, 16)] = exh
                plsc.store_scatter(row_v,
                                   [iota, jnp.full((16,), h, jnp.int32)],
                                   exh)
            pltpu.sync_copy(row_v, den_s.at[dbuf], add=True)

        for h in range(H):
            pltpu.sync_copy(exb.at[pl.ds(h * EB, EB)],
                            ex_hbm.at[pl.ds(h * EPAD + bb, EB)])

    plsc.subcore_barrier()
    pltpu.sync_copy(den_s.at[pl.ds(sid * NROWS_T, NROWS_T)],
                    den_hbm.at[pl.ds(cid * NPAD + sid * NROWS_T, NROWS_T)])


def _p2(xl3, xr3, src, dst, attp, zch):
    mesh = plsc.VectorSubcoreMesh(core_axis_name="c", subcore_axis_name="s")
    k = pl.kernel(
        _p2_body,
        out_type=[
            jax.ShapeDtypeStruct((H * EPAD,), jnp.float32),
            jax.ShapeDtypeStruct((2 * NPAD, 128), jnp.float32),
        ],
        mesh=mesh,
        scratch_types=[
            pltpu.VMEM((EB,), jnp.int32),
            pltpu.VMEM((EB,), jnp.int32),
            pltpu.VMEM((H * EB,), jnp.float32),
            pltpu.VMEM((16, 8, 128), jnp.float32),
            pltpu.VMEM((16, 8, 128), jnp.float32),
            pltpu.VMEM((HC,), jnp.float32),
            pltpu.VMEM((16, 128), jnp.float32),
            pltpu.VMEM((16,), jnp.int32),
            pltpu.VMEM((16,), jnp.int32),
            pltpu.SemaphoreType.DMA,
            pltpu.SemaphoreType.DMA,
            pltpu.VMEM_SHARED((NPAD, 128), jnp.float32),
        ],
        compiler_params=_sc_params(),
    )
    return k(xl3, xr3, src, dst, attp, zch)


def _inv_body(den_ref, inv_ref):
    inv_ref[...] = 1.0 / (den_ref[0] + den_ref[1] + 1e-16)


def _inv(den):
    return pl.pallas_call(
        _inv_body,
        in_specs=[pl.BlockSpec((2, NPAD, 128), lambda: (0, 0, 0))],
        out_specs=pl.BlockSpec((NPAD, 128), lambda: (0, 0)),
        out_shape=jax.ShapeDtypeStruct((NPAD, 128), jnp.float32),
    )(den.reshape(2, NPAD, 128))


def _p3_body(xl2_hbm, src_hbm, dst_hbm, ex_hbm, inv_hbm, zch_hbm,
             agg_hbm,
             srcb, dstb, exb, rowb, invb, wb, outb, sbuf, dbuf, sem0,
             sem1, acc_s):
    cid = lax.axis_index("c")
    sid = lax.axis_index("s")
    rstart = sid * NROWS_T
    pltpu.sync_copy(zch_hbm.at[pl.ds(rstart, NROWS_T)],
                    acc_s.at[pl.ds(rstart, NROWS_T)])

    plsc.subcore_barrier()

    iota = lax.iota(jnp.int32, 16)

    @pl.loop(0, NB3)
    def _(b):
        bb = sid * ECH_T + b * EB
        pltpu.sync_copy(src_hbm.at[pl.ds(bb, EB)], srcb)
        pltpu.sync_copy(dst_hbm.at[pl.ds(bb, EB)], dstb)
        for h in range(H):
            pltpu.sync_copy(ex_hbm.at[pl.ds(h * EPAD + bb, EB)],
                            exb.at[pl.ds(h * EB, EB)])

        @pl.loop(0, NGB)
        def _(g):
            sbuf[...] = srcb[pl.ds(g * 16, 16)] * 2 + cid
            dbuf[...] = dstb[pl.ds(g * 16, 16)]
            cpa = pltpu.async_copy(xl2_hbm.at[sbuf], rowb, sem0)
            cpb = pltpu.async_copy(inv_hbm.at[dbuf], invb, sem1)
            cpa.wait()
            cpb.wait()
            for h in range(H):
                hv = jnp.full((16,), h, jnp.int32)
                exh = exb[pl.ds(h * EB + g * 16, 16)]
                invh = plsc.load_gather(invb, [iota, hv])
                plsc.store_scatter(wb, [iota, hv], exh * invh * 0.25)

            @pl.loop(0, 16)
            def _(j):
                jv = jnp.full((16,), j, jnp.int32)
                ws = [plsc.load_gather(wb,
                                       [jv, jnp.full((16,), h, jnp.int32)])
                      for h in range(H)]
                for c8 in range(CH // 16):
                    cv = c8 * 16 + iota
                    acc = ws[0] * plsc.load_gather(
                        rowb, [jv, jnp.full((16,), 0, jnp.int32), cv])
                    for h in range(1, H):
                        acc = acc + ws[h] * plsc.load_gather(
                            rowb, [jv, jnp.full((16,), h, jnp.int32), cv])
                    plsc.store_scatter(outb, [jv, cv], acc)

            pltpu.sync_copy(outb, acc_s.at[dbuf], add=True)

    plsc.subcore_barrier()
    pltpu.sync_copy(acc_s.at[pl.ds(rstart, NROWS_T)],
                    agg_hbm.at[pl.ds(cid * NPAD + rstart, NROWS_T)])


def _p3(xl2, src, dst, ex, inv, zch):
    mesh = plsc.VectorSubcoreMesh(core_axis_name="c", subcore_axis_name="s")
    k = pl.kernel(
        _p3_body,
        out_type=jax.ShapeDtypeStruct((2 * NPAD, 128), jnp.float32),
        mesh=mesh,
        scratch_types=[
            pltpu.VMEM((EB,), jnp.int32),
            pltpu.VMEM((EB,), jnp.int32),
            pltpu.VMEM((H * EB,), jnp.float32),
            pltpu.VMEM((16, 4, 128), jnp.float32),
            pltpu.VMEM((16, 128), jnp.float32),
            pltpu.VMEM((16, 16), jnp.float32),
            pltpu.VMEM((16, 128), jnp.float32),
            pltpu.VMEM((16,), jnp.int32),
            pltpu.VMEM((16,), jnp.int32),
            pltpu.SemaphoreType.DMA,
            pltpu.SemaphoreType.DMA,
            pltpu.VMEM_SHARED((NPAD, 128), jnp.float32),
        ],
        compiler_params=_sc_params(),
    )
    return k(xl2, src, dst, ex, inv, zch)


def _post_body(agg_ref, res_ref, cb_ref, g_ref, b_ref, Wout_ref, bout_ref,
               out_ref):
    x = (jnp.concatenate([agg_ref[0], agg_ref[1]], axis=-1)
         + res_ref[...] + cb_ref[...])
    mu = jnp.mean(x, axis=-1, keepdims=True)
    var = jnp.mean((x - mu) ** 2, axis=-1, keepdims=True)
    xn = (x - mu) * jax.lax.rsqrt(var + 1e-5) * g_ref[...] + b_ref[...]
    act = _leaky(xn, 0.01)
    out_ref[...] = (
        jnp.dot(act, Wout_ref[...], preferred_element_type=jnp.float32)
        + bout_ref[...]
    )


def _post(agg, res, conv_bias, ln_gamma, ln_beta, Wout, bout):
    return pl.pallas_call(
        _post_body,
        grid=(NPAD // BR,),
        in_specs=[
            pl.BlockSpec((2, BR, CH), lambda i: (0, i, 0)),
            pl.BlockSpec((BR, C), lambda i: (i, 0)),
            pl.BlockSpec((1, C), lambda i: (0, 0)),
            pl.BlockSpec((1, C), lambda i: (0, 0)),
            pl.BlockSpec((1, C), lambda i: (0, 0)),
            pl.BlockSpec((C, C), lambda i: (0, 0)),
            pl.BlockSpec((1, C), lambda i: (0, 0)),
        ],
        out_specs=pl.BlockSpec((BR, C), lambda i: (i, 0)),
        out_shape=jax.ShapeDtypeStruct((NPAD, C), jnp.float32),
    )(agg, res, conv_bias, ln_gamma, ln_beta, Wout, bout)


def kernel(device_embeddings, candidate_embedding, edge_index, Wl, bl, Wr, br,
           att, Wres, conv_bias, ln_gamma, ln_beta, Wout, bout):
    Wl_p = Wl.reshape(D, H, 2, CH).transpose(0, 2, 1, 3).reshape(D, HC)
    Wr_p = Wr.reshape(D, H, 2, CH).transpose(0, 2, 1, 3).reshape(D, HC)
    bl_p = bl.reshape(H, 2, CH).transpose(1, 0, 2).reshape(HC)
    br_p = br.reshape(H, 2, CH).transpose(1, 0, 2).reshape(HC)
    att_p = att.reshape(H, 2, CH).transpose(1, 0, 2).reshape(HC)

    dev_p = jnp.pad(device_embeddings, ((0, NPAD - N_DEV), (0, 0)))
    cand_p = jnp.pad(candidate_embedding, ((0, NPAD - N_CAND), (0, 0)))
    xl, xr, res = _proj(dev_p, cand_p, Wl_p, bl_p[None, :], Wr_p,
                        br_p[None, :], Wres)

    pad_idx = jnp.full((EPAD - E,), NPAD - 1, jnp.int32)
    src = jnp.concatenate([edge_index[0], pad_idx])
    dst = jnp.concatenate([edge_index[1], pad_idx])

    zch = jnp.zeros((NPAD, 128), jnp.float32)

    ex, den = _p2(xl.reshape(NPAD, 8, 128), xr.reshape(NPAD, 8, 128),
                  src, dst, att_p, zch)
    inv = _inv(den)
    agg = _p3(xl.reshape(NPAD * 2, 4, 128), src, dst, ex, inv, zch)
    agg = agg.reshape(2, NPAD, CH)

    out = _post(agg, res, conv_bias[None, :], ln_gamma[None, :],
                ln_beta[None, :], Wout, bout[None, :])
    return out[:N_CAND]

# --- scband reference (transcript-rebuilt; emitter-appended) ---
"""Pipeline reference for scband-device-candidate-gat-60318520705365 (READ-ONLY COPY).

The authoritative reference and input builder live on the scoring server;
editing this copy changes nothing except your own understanding.
"""

import jax, jax.numpy as jnp
import numpy as np

N_DEV = 10000
N_CAND = 10000
E = 160000
D = 256
H = 4
C = 256


def _leaky(x, slope):
    return jnp.where(x >= 0, x, slope * x)


def setup_inputs(seed: int = 0) -> dict:
    key = jax.random.key(seed)
    ks = jax.random.split(key, 16)
    dev = jax.random.normal(ks[0], (N_DEV, D), dtype=jnp.float32)
    cand = jax.random.normal(ks[1], (N_CAND, D), dtype=jnp.float32)
    edge_index = jax.random.randint(ks[2], (2, E), 0, N_CAND, dtype=jnp.int32)
    s_in = 1.0 / np.sqrt(D)
    s_hc = 1.0 / np.sqrt(C)
    Wl = jax.random.normal(ks[3], (D, H * C), dtype=jnp.float32) * s_in
    bl = jnp.zeros((H * C,), dtype=jnp.float32)
    Wr = jax.random.normal(ks[4], (D, H * C), dtype=jnp.float32) * s_in
    br = jnp.zeros((H * C,), dtype=jnp.float32)
    att = jax.random.normal(ks[5], (H, C), dtype=jnp.float32) * s_hc
    Wres = jax.random.normal(ks[6], (D, C), dtype=jnp.float32) * s_in
    conv_bias = jnp.zeros((C,), dtype=jnp.float32)
    ln_gamma = jnp.ones((C,), dtype=jnp.float32)
    ln_beta = jnp.zeros((C,), dtype=jnp.float32)
    Wout = jax.random.normal(ks[7], (C, C), dtype=jnp.float32) * s_hc
    bout = jnp.zeros((C,), dtype=jnp.float32)
    return {
        "device_embeddings": dev,
        "candidate_embedding": cand,
        "edge_index": edge_index,
        "Wl": Wl, "bl": bl, "Wr": Wr, "br": br,
        "att": att, "Wres": Wres, "conv_bias": conv_bias,
        "ln_gamma": ln_gamma, "ln_beta": ln_beta,
        "Wout": Wout, "bout": bout,
    }


def reference(device_embeddings, candidate_embedding, edge_index,
              Wl, bl, Wr, br, att, Wres, conv_bias,
              ln_gamma, ln_beta, Wout, bout):
    # GATv2Conv bipartite: (x_src=device, x_dst=candidate), heads=H,
    # concat=False, residual=True, add_self_loops=False, dropout=0
    xl = (device_embeddings @ Wl + bl).reshape(N_DEV, H, C)
    xr = (candidate_embedding @ Wr + br).reshape(N_CAND, H, C)
    src = edge_index[0]
    dst = edge_index[1]
    e = _leaky(xl[src] + xr[dst], 0.2)            # [E, H, C]
    logits = (e * att[None, :, :]).sum(-1)         # [E, H]
    m = jax.ops.segment_max(logits, dst, num_segments=N_CAND)
    m = jnp.where(jnp.isfinite(m), m, 0.0)
    ex = jnp.exp(logits - m[dst])
    denom = jax.ops.segment_sum(ex, dst, num_segments=N_CAND)
    alpha = ex / (denom[dst] + 1e-16)              # [E, H]
    out = jax.ops.segment_sum(alpha[:, :, None] * xl[src], dst, num_segments=N_CAND)
    out = out.mean(axis=1)                         # concat=False -> mean over heads
    out = out + candidate_embedding @ Wres         # residual (bias=False in PyG)
    out = out + conv_bias
    # LayerNorm
    mu = out.mean(-1, keepdims=True)
    var = ((out - mu) ** 2).mean(-1, keepdims=True)
    xn = (out - mu) / jnp.sqrt(var + 1e-5) * ln_gamma + ln_beta
    # LeakyReLU(0.01) then output Linear
    act = _leaky(xn, 0.01)
    return act @ Wout + bout

if __name__ == "__main__":
    import jax
    _d = setup_inputs()
    print(jax.jit(kernel)(*tuple(_d.values())))

</pallas_src>

<mosaic_0001>
#map = affine_map<(d0, d1) -> (0, 0, 0)>
#map1 = affine_map<(d0, d1) -> (0)>
#map2 = affine_map<(d0, d1) -> (0, 0)>
module attributes {stable_mosaic.version = 14 : i64} {
  func.func @_p3_body(%arg0: i32, %arg1: i32, %arg2: memref<20480x4x128xf32, #tpu.memory_space<hbm>>, %arg3: memref<163840xi32, #tpu.memory_space<hbm>>, %arg4: memref<163840xi32, #tpu.memory_space<hbm>>, %arg5: memref<655360xf32, #tpu.memory_space<hbm>>, %arg6: memref<10240x128xf32, #tpu.memory_space<hbm>>, %arg7: memref<10240x128xf32, #tpu.memory_space<hbm>>, %arg8: memref<20480x128xf32, #tpu.memory_space<hbm>>, %arg9: memref<1024xi32, #tpu.memory_space<vmem>>, %arg10: memref<1024xi32, #tpu.memory_space<vmem>>, %arg11: memref<4096xf32, #tpu.memory_space<vmem>>, %arg12: memref<16x4x128xf32, #tpu.memory_space<vmem>>, %arg13: memref<16x128xf32, #tpu.memory_space<vmem>>, %arg14: memref<16x16xf32, #tpu.memory_space<vmem>>, %arg15: memref<16x128xf32, #tpu.memory_space<vmem>>, %arg16: memref<16xi32, #tpu.memory_space<vmem>>, %arg17: memref<16xi32, #tpu.memory_space<vmem>>, %arg18: memref<!tpu.dma_semaphore, #tpu.memory_space<semaphore_mem>>, %arg19: memref<!tpu.dma_semaphore, #tpu.memory_space<semaphore_mem>>, %arg20: memref<10240x128xf32, #tpu.memory_space<vmem_shared>>) attributes {dimension_semantics = [#tpu.dimension_semantics<core_parallel>, #tpu.dimension_semantics<subcore_parallel>], iteration_bounds = array<i64: 2, 16>, scalar_prefetch = 0 : i64, scratch_operands = 12 : i64, tpu.core_type = #tpu.core_type<sc_vector_subcore>, window_params = [{transform_indices = #map}, {transform_indices = #map1}, {transform_indices = #map1}, {transform_indices = #map1}, {transform_indices = #map2}, {transform_indices = #map2}, {transform_indices = #map2}]} {
    %mul3A = arith.constant 640 : i32
    %mul3A_0 = arith.muli %arg1, %mul3A : i32
    "tpu.region"() ({
      %run_scoped3A = tpu.sem_alloc : memref<!tpu.dma_semaphore, #tpu.memory_space<semaphore_mem>>
      %dma_start3A = arith.constant 0 : i32
      %dma_start3A_8 = tpu.memref_slice %arg20[%mul3A_0, %dma_start3A] : memref<10240x128xf32, #tpu.memory_space<vmem_shared>> -> memref<640x128xf32, #tpu.memory_space<vmem_shared>>
      %dma_start3A_9 = arith.constant 0 : i32
      %dma_start3A_10 = tpu.memref_slice %arg7[%mul3A_0, %dma_start3A_9] : memref<10240x128xf32, #tpu.memory_space<hbm>> -> memref<640x128xf32, #tpu.memory_space<hbm>>
      tpu.enqueue_dma source(%dma_start3A_10 : memref<640x128xf32, #tpu.memory_space<hbm>>) target(%dma_start3A_8 : memref<640x128xf32, #tpu.memory_space<vmem_shared>>) target_semaphore(%run_scoped3A : memref<!tpu.dma_semaphore, #tpu.memory_space<semaphore_mem>>)
      %dma_wait3A = arith.constant 0 : i32
      %dma_wait3A_11 = tpu.memref_slice %arg20[%mul3A_0, %dma_wait3A] : memref<10240x128xf32, #tpu.memory_space<vmem_shared>> -> memref<640x128xf32, #tpu.memory_space<vmem_shared>>
      %dma_wait3A_12 = arith.constant 0 : i32
      %dma_wait3A_13 = tpu.memref_slice %arg7[%mul3A_0, %dma_wait3A_12] : memref<10240x128xf32, #tpu.memory_space<hbm>> -> memref<640x128xf32, #tpu.memory_space<hbm>>
      tpu.wait_dma2 semaphore(%run_scoped3A : memref<!tpu.dma_semaphore, #tpu.memory_space<semaphore_mem>>) src(%dma_wait3A_13 : memref<640x128xf32, #tpu.memory_space<hbm>>) dst(%dma_wait3A_11 : memref<640x128xf32, #tpu.memory_space<vmem_shared>>)
      tpu.yield
    }) : () -> ()
    %barrier3A = arith.constant 0 : index
    tpu.barrier barrier_id(%barrier3A)
    %iota3A = tpu.iota {dimensions = array<i32: 0>} : vector<16xi32>
    %scan3A = arith.constant 0 : i32
    %scan3A_1 = arith.constant 10 : i32
    %scan3A_2 = arith.addi %scan3A, %scan3A_1 : i32
    %scan3A_3 = arith.constant 1 : i32
    scf.for %scan3A_8 = %scan3A to %scan3A_2 step %scan3A_3  : i32 {
      %mul3A_9 = arith.constant 1 : i32
      %mul3A_10 = arith.muli %scan3A_8, %mul3A_9 : i32
      %add3A_11 = arith.constant 0 : i32
      %add3A_12 = arith.addi %add3A_11, %mul3A_10 : i32
      %mul3A_13 = arith.constant 10240 : i32
      %mul3A_14 = arith.muli %arg1, %mul3A_13 : i32
      %mul3A_15 = arith.constant 1024 : i32
      %mul3A_16 = arith.muli %add3A_12, %mul3A_15 : i32
      %add3A_17 = arith.addi %mul3A_14, %mul3A_16 : i32
      "tpu.region"() ({
        %run_scoped3A = tpu.sem_alloc : memref<!tpu.dma_semaphore, #tpu.memory_space<semaphore_mem>>
        %dma_start3A = tpu.memref_slice %arg3[%add3A_17] : memref<163840xi32, #tpu.memory_space<hbm>> -> memref<1024xi32, #tpu.memory_space<hbm>>
        %dma_start3A_31 = tpu.memref_slice %arg3[%add3A_17] : memref<163840xi32, #tpu.memory_space<hbm>> -> memref<1024xi32, #tpu.memory_space<hbm>>
        tpu.enqueue_dma source(%dma_start3A_31 : memref<1024xi32, #tpu.memory_space<hbm>>) target(%arg9 : memref<1024xi32, #tpu.memory_space<vmem>>) target_semaphore(%run_scoped3A : memref<!tpu.dma_semaphore, #tpu.memory_space<semaphore_mem>>)
        %dma_wait3A = tpu.memref_slice %arg3[%add3A_17] : memref<163840xi32, #tpu.memory_space<hbm>> -> memref<1024xi32, #tpu.memory_space<hbm>>
        %dma_wait3A_32 = tpu.memref_slice %arg3[%add3A_17] : memref<163840xi32, #tpu.memory_space<hbm>> -> memref<1024xi32, #tpu.memory_space<hbm>>
        tpu.wait_dma2 semaphore(%run_scoped3A : memref<!tpu.dma_semaphore, #tpu.memory_space<semaphore_mem>>) src(%dma_wait3A_32 : memref<1024xi32, #tpu.memory_space<hbm>>) dst(%arg9 : memref<1024xi32, #tpu.memory_space<vmem>>)
        tpu.yield
      }) : () -> ()
      "tpu.region"() ({
        %run_scoped3A = tpu.sem_alloc : memref<!tpu.dma_semaphore, #tpu.memory_space<semaphore_mem>>
        %dma_start3A = tpu.memref_slice %arg4[%add3A_17] : memref<163840xi32, #tpu.memory_space<hbm>> -> memref<1024xi32, #tpu.memory_space<hbm>>
        %dma_start3A_31 = tpu.memref_slice %arg4[%add3A_17] : memref<163840xi32, #tpu.memory_space<hbm>> -> memref<1024xi32, #tpu.memory_space<hbm>>
        tpu.enqueue_dma source(%dma_start3A_31 : memref<1024xi32, #tpu.memory_space<hbm>>) target(%arg10 : memref<1024xi32, #tpu.memory_space<vmem>>) target_semaphore(%run_scoped3A : memref<!tpu.dma_semaphore, #tpu.memory_space<semaphore_mem>>)
        %dma_wait3A = tpu.memref_slice %arg4[%add3A_17] : memref<163840xi32, #tpu.memory_space<hbm>> -> memref<1024xi32, #tpu.memory_space<hbm>>
        %dma_wait3A_32 = tpu.memref_slice %arg4[%add3A_17] : memref<163840xi32, #tpu.memory_space<hbm>> -> memref<1024xi32, #tpu.memory_space<hbm>>
        tpu.wait_dma2 semaphore(%run_scoped3A : memref<!tpu.dma_semaphore, #tpu.memory_space<semaphore_mem>>) src(%dma_wait3A_32 : memref<1024xi32, #tpu.memory_space<hbm>>) dst(%arg10 : memref<1024xi32, #tpu.memory_space<vmem>>)
        tpu.yield
      }) : () -> ()
      %add3A_18 = arith.constant 0 : i32
      %add3A_19 = arith.addi %add3A_18, %add3A_17 : i32
      "tpu.region"() ({
        %run_scoped3A = tpu.sem_alloc : memref<!tpu.dma_semaphore, #tpu.memory_space<semaphore_mem>>
        %dma_start3A = arith.constant 0 : i32
        %dma_start3A_31 = tpu.memref_slice %arg11[%dma_start3A] : memref<4096xf32, #tpu.memory_space<vmem>> -> memref<1024xf32, #tpu.memory_space<vmem>>
        %dma_start3A_32 = tpu.memref_slice %arg5[%add3A_19] : memref<655360xf32, #tpu.memory_space<hbm>> -> memref<1024xf32, #tpu.memory_space<hbm>>
        %dma_start3A_33 = arith.constant 0 : i32
        %dma_start3A_34 = tpu.memref_slice %arg11[%dma_start3A_33] : memref<4096xf32, #tpu.memory_space<vmem>> -> memref<1024xf32, #tpu.memory_space<vmem>>
        %dma_start3A_35 = tpu.memref_slice %arg5[%add3A_19] : memref<655360xf32, #tpu.memory_space<hbm>> -> memref<1024xf32, #tpu.memory_space<hbm>>
        tpu.enqueue_dma source(%dma_start3A_35 : memref<1024xf32, #tpu.memory_space<hbm>>) target(%dma_start3A_34 : memref<1024xf32, #tpu.memory_space<vmem>>) target_semaphore(%run_scoped3A : memref<!tpu.dma_semaphore, #tpu.memory_space<semaphore_mem>>)
        %dma_wait3A = arith.constant 0 : i32
        %dma_wait3A_36 = tpu.memref_slice %arg11[%dma_wait3A] : memref<4096xf32, #tpu.memory_space<vmem>> -> memref<1024xf32, #tpu.memory_space<vmem>>
        %dma_wait3A_37 = tpu.memref_slice %arg5[%add3A_19] : memref<655360xf32, #tpu.memory_space<hbm>> -> memref<1024xf32, #tpu.memory_space<hbm>>
        %dma_wait3A_38 = arith.constant 0 : i32
        %dma_wait3A_39 = tpu.memref_slice %arg11[%dma_wait3A_38] : memref<4096xf32, #tpu.memory_space<vmem>> -> memref<1024xf32, #tpu.memory_space<vmem>>
        %dma_wait3A_40 = tpu.memref_slice %arg5[%add3A_19] : memref<655360xf32, #tpu.memory_space<hbm>> -> memref<1024xf32, #tpu.memory_space<hbm>>
        tpu.wait_dma2 semaphore(%run_scoped3A : memref<!tpu.dma_semaphore, #tpu.memory_space<semaphore_mem>>) src(%dma_wait3A_40 : memref<1024xf32, #tpu.memory_space<hbm>>) dst(%dma_wait3A_39 : memref<1024xf32, #tpu.memory_space<vmem>>)
        tpu.yield
      }) : () -> ()
      %add3A_20 = arith.constant 163840 : i32
      %add3A_21 = arith.addi %add3A_20, %add3A_17 : i32
      "tpu.region"() ({
        %run_scoped3A = tpu.sem_alloc : memref<!tpu.dma_semaphore, #tpu.memory_space<semaphore_mem>>
        %dma_start3A = arith.constant 1024 : i32
        %dma_start3A_31 = tpu.memref_slice %arg11[%dma_start3A] : memref<4096xf32, #tpu.memory_space<vmem>> -> memref<1024xf32, #tpu.memory_space<vmem>>
        %dma_start3A_32 = tpu.memref_slice %arg5[%add3A_21] : memref<655360xf32, #tpu.memory_space<hbm>> -> memref<1024xf32, #tpu.memory_space<hbm>>
        %dma_start3A_33 = arith.constant 1024 : i32
        %dma_start3A_34 = tpu.memref_slice %arg11[%dma_start3A_33] : memref<4096xf32, #tpu.memory_space<vmem>> -> memref<1024xf32, #tpu.memory_space<vmem>>
        %dma_start3A_35 = tpu.memref_slice %arg5[%add3A_21] : memref<655360xf32, #tpu.memory_space<hbm>> -> memref<1024xf32, #tpu.memory_space<hbm>>
        tpu.enqueue_dma source(%dma_start3A_35 : memref<1024xf32, #tpu.memory_space<hbm>>) target(%dma_start3A_34 : memref<1024xf32, #tpu.memory_space<vmem>>) target_semaphore(%run_scoped3A : memref<!tpu.dma_semaphore, #tpu.memory_space<semaphore_mem>>)
        %dma_wait3A = arith.constant 1024 : i32
        %dma_wait3A_36 = tpu.memref_slice %arg11[%dma_wait3A] : memref<4096xf32, #tpu.memory_space<vmem>> -> memref<1024xf32, #tpu.memory_space<vmem>>
        %dma_wait3A_37 = tpu.memref_slice %arg5[%add3A_21] : memref<655360xf32, #tpu.memory_space<hbm>> -> memref<1024xf32, #tpu.memory_space<hbm>>
        %dma_wait3A_38 = arith.constant 1024 : i32
        %dma_wait3A_39 = tpu.memref_slice %arg11[%dma_wait3A_38] : memref<4096xf32, #tpu.memory_space<vmem>> -> memref<1024xf32, #tpu.memory_space<vmem>>
        %dma_wait3A_40 = tpu.memref_slice %arg5[%add3A_21] : memref<655360xf32, #tpu.memory_space<hbm>> -> memref<1024xf32, #tpu.memory_space<hbm>>
        tpu.wait_dma2 semaphore(%run_scoped3A : memref<!tpu.dma_semaphore, #tpu.memory_space<semaphore_mem>>) src(%dma_wait3A_40 : memref<1024xf32, #tpu.memory_space<hbm>>) dst(%dma_wait3A_39 : memref<1024xf32, #tpu.memory_space<vmem>>)
        tpu.yield
      }) : () -> ()
      %add3A_22 = arith.constant 327680 : i32
      %add3A_23 = arith.addi %add3A_22, %add3A_17 : i32
      "tpu.region"() ({
        %run_scoped3A = tpu.sem_alloc : memref<!tpu.dma_semaphore, #tpu.memory_space<semaphore_mem>>
        %dma_start3A = arith.constant 2048 : i32
        %dma_start3A_31 = tpu.memref_slice %arg11[%dma_start3A] : memref<4096xf32, #tpu.memory_space<vmem>> -> memref<1024xf32, #tpu.memory_space<vmem>>
        %dma_start3A_32 = tpu.memref_slice %arg5[%add3A_23] : memref<655360xf32, #tpu.memory_space<hbm>> -> memref<1024xf32, #tpu.memory_space<hbm>>
        %dma_start3A_33 = arith.constant 2048 : i32
        %dma_start3A_34 = tpu.memref_slice %arg11[%dma_start3A_33] : memref<4096xf32, #tpu.memory_space<vmem>> -> memref<1024xf32, #tpu.memory_space<vmem>>
        %dma_start3A_35 = tpu.memref_slice %arg5[%add3A_23] : memref<655360xf32, #tpu.memory_space<hbm>> -> memref<1024xf32, #tpu.memory_space<hbm>>
        tpu.enqueue_dma source(%dma_start3A_35 : memref<1024xf32, #tpu.memory_space<hbm>>) target(%dma_start3A_34 : memref<1024xf32, #tpu.memory_space<vmem>>) target_semaphore(%run_scoped3A : memref<!tpu.dma_semaphore, #tpu.memory_space<semaphore_mem>>)
        %dma_wait3A = arith.constant 2048 : i32
        %dma_wait3A_36 = tpu.memref_slice %arg11[%dma_wait3A] : memref<4096xf32, #tpu.memory_space<vmem>> -> memref<1024xf32, #tpu.memory_space<vmem>>
        %dma_wait3A_37 = tpu.memref_slice %arg5[%add3A_23] : memref<655360xf32, #tpu.memory_space<hbm>> -> memref<1024xf32, #tpu.memory_space<hbm>>
        %dma_wait3A_38 = arith.constant 2048 : i32
        %dma_wait3A_39 = tpu.memref_slice %arg11[%dma_wait3A_38] : memref<4096xf32, #tpu.memory_space<vmem>> -> memref<1024xf32, #tpu.memory_space<vmem>>
        %dma_wait3A_40 = tpu.memref_slice %arg5[%add3A_23] : memref<655360xf32, #tpu.memory_space<hbm>> -> memref<1024xf32, #tpu.memory_space<hbm>>
        tpu.wait_dma2 semaphore(%run_scoped3A : memref<!tpu.dma_semaphore, #tpu.memory_space<semaphore_mem>>) src(%dma_wait3A_40 : memref<1024xf32, #tpu.memory_space<hbm>>) dst(%dma_wait3A_39 : memref<1024xf32, #tpu.memory_space<vmem>>)
        tpu.yield
      }) : () -> ()
      %add3A_24 = arith.constant 491520 : i32
      %add3A_25 = arith.addi %add3A_24, %add3A_17 : i32
      "tpu.region"() ({
        %run_scoped3A = tpu.sem_alloc : memref<!tpu.dma_semaphore, #tpu.memory_space<semaphore_mem>>
        %dma_start3A = arith.constant 3072 : i32
        %dma_start3A_31 = tpu.memref_slice %arg11[%dma_start3A] : memref<4096xf32, #tpu.memory_space<vmem>> -> memref<1024xf32, #tpu.memory_space<vmem>>
        %dma_start3A_32 = tpu.memref_slice %arg5[%add3A_25] : memref<655360xf32, #tpu.memory_space<hbm>> -> memref<1024xf32, #tpu.memory_space<hbm>>
        %dma_start3A_33 = arith.constant 3072 : i32
        %dma_start3A_34 = tpu.memref_slice %arg11[%dma_start3A_33] : memref<4096xf32, #tpu.memory_space<vmem>> -> memref<1024xf32, #tpu.memory_space<vmem>>
        %dma_start3A_35 = tpu.memref_slice %arg5[%add3A_25] : memref<655360xf32, #tpu.memory_space<hbm>> -> memref<1024xf32, #tpu.memory_space<hbm>>
        tpu.enqueue_dma source(%dma_start3A_35 : memref<1024xf32, #tpu.memory_space<hbm>>) target(%dma_start3A_34 : memref<1024xf32, #tpu.memory_space<vmem>>) target_semaphore(%run_scoped3A : memref<!tpu.dma_semaphore, #tpu.memory_space<semaphore_mem>>)
        %dma_wait3A = arith.constant 3072 : i32
        %dma_wait3A_36 = tpu.memref_slice %arg11[%dma_wait3A] : memref<4096xf32, #tpu.memory_space<vmem>> -> memref<1024xf32, #tpu.memory_space<vmem>>
        %dma_wait3A_37 = tpu.memref_slice %arg5[%add3A_25] : memref<655360xf32, #tpu.memory_space<hbm>> -> memref<1024xf32, #tpu.memory_space<hbm>>
        %dma_wait3A_38 = arith.constant 3072 : i32
        %dma_wait3A_39 = tpu.memref_slice %arg11[%dma_wait3A_38] : memref<4096xf32, #tpu.memory_space<vmem>> -> memref<1024xf32, #tpu.memory_space<vmem>>
        %dma_wait3A_40 = tpu.memref_slice %arg5[%add3A_25] : memref<655360xf32, #tpu.memory_space<hbm>> -> memref<1024xf32, #tpu.memory_space<hbm>>
        tpu.wait_dma2 semaphore(%run_scoped3A : memref<!tpu.dma_semaphore, #tpu.memory_space<semaphore_mem>>) src(%dma_wait3A_40 : memref<1024xf32, #tpu.memory_space<hbm>>) dst(%dma_wait3A_39 : memref<1024xf32, #tpu.memory_space<vmem>>)
        tpu.yield
      }) : () -> ()
      %scan3A_26 = arith.constant 0 : i32
      %scan3A_27 = arith.constant 64 : i32
      %scan3A_28 = arith.addi %scan3A_26, %scan3A_27 : i32
      %scan3A_29 = arith.constant 1 : i32
      scf.for %scan3A_31 = %scan3A_26 to %scan3A_28 step %scan3A_29  : i32 {
        %mul3A_32 = arith.constant 1 : i32
        %mul3A_33 = arith.muli %scan3A_31, %mul3A_32 : i32
        %add3A_34 = arith.constant 0 : i32
        %add3A_35 = arith.addi %add3A_34, %mul3A_33 : i32
        %mul3A_36 = arith.constant 16 : i32
        %mul3A_37 = arith.muli %add3A_35, %mul3A_36 : i32
        %get3A = arith.index_cast %mul3A_37 : i32 to index
        %get3A_38 = tpu.vector_load %arg9[%get3A] {strides = array<i32>} : memref<1024xi32, #tpu.memory_space<vmem>>, vector<16xi32>,
        %mul3A_39 = arith.constant 2 : i32
        %mul3A_40 = vector.broadcast %mul3A_39 : i32 to vector<16xi32>
        %mul3A_41 = arith.muli %get3A_38, %mul3A_40 : vector<16xi32>
        %add3A_42 = vector.broadcast %arg0 : i32 to vector<16xi32>
        %add3A_43 = arith.addi %mul3A_41, %add3A_42 : vector<16xi32>
        %swap3A = arith.constant 0 : index
        %swap3A_44 = tpu.vector_load %arg16[%swap3A] {strides = array<i32>} : memref<16xi32, #tpu.memory_space<vmem>>, vector<16xi32>,
        tpu.vector_store %arg16[%swap3A], %add3A_43 {strides = array<i32>} : memref<16xi32, #tpu.memory_space<vmem>>, vector<16xi32>,
        %mul3A_45 = arith.constant 16 : i32
        %mul3A_46 = arith.muli %add3A_35, %mul3A_45 : i32
        %get3A_47 = arith.index_cast %mul3A_46 : i32 to index
        %get3A_48 = tpu.vector_load %arg10[%get3A_47] {strides = array<i32>} : memref<1024xi32, #tpu.memory_space<vmem>>, vector<16xi32>,
        %swap3A_49 = arith.constant 0 : index
        %swap3A_50 = tpu.vector_load %arg17[%swap3A_49] {strides = array<i32>} : memref<16xi32, #tpu.memory_space<vmem>>, vector<16xi32>,
        tpu.vector_store %arg17[%swap3A_49], %get3A_48 {strides = array<i32>} : memref<16xi32, #tpu.memory_space<vmem>>, vector<16xi32>,
        %dma_start3A = arith.constant 0 : i32
        %dma_start3A_51 = arith.constant 0 : i32
        %dma_start3A_52 = arith.constant 0 : i32
        %dma_start3A_53 = tpu.memref_slice %arg2[%dma_start3A, %dma_start3A_51, %dma_start3A_52] : memref<20480x4x128xf32, #tpu.memory_space<hbm>> -> memref<20480x4x128xf32, #tpu.memory_space<hbm>>
        tpu.enqueue_indirect_dma source(%dma_start3A_53 : memref<20480x4x128xf32, #tpu.memory_space<hbm>>) target(%arg12 : memref<16x4x128xf32, #tpu.memory_space<vmem>>) offsets(%arg16 : memref<16xi32, #tpu.memory_space<vmem>>) semaphore(%arg18 : memref<!tpu.dma_semaphore, #tpu.memory_space<semaphore_mem>>)
        %dma_start3A_54 = arith.constant 0 : i32
        %dma_start3A_55 = arith.constant 0 : i32
        %dma_start3A_56 = tpu.memref_slice %arg6[%dma_start3A_54, %dma_start3A_55] : memref<10240x128xf32, #tpu.memory_space<hbm>> -> memref<10240x128xf32, #tpu.memory_space<hbm>>
        tpu.enqueue_indirect_dma source(%dma_start3A_56 : memref<10240x128xf32, #tpu.memory_space<hbm>>) target(%arg13 : memref<16x128xf32, #tpu.memory_space<vmem>>) offsets(%arg17 : memref<16xi32, #tpu.memory_space<vmem>>) semaphore(%arg19 : memref<!tpu.dma_semaphore, #tpu.memory_space<semaphore_mem>>)
        %dma_wait3A = arith.constant 0 : i32
        %dma_wait3A_57 = arith.constant 0 : i32
        %dma_wait3A_58 = arith.constant 0 : i32
        %dma_wait3A_59 = tpu.memref_slice %arg2[%dma_wait3A, %dma_wait3A_57, %dma_wait3A_58] : memref<20480x4x128xf32, #tpu.memory_space<hbm>> -> memref<20480x4x128xf32, #tpu.memory_space<hbm>>
        tpu.wait_indirect_dma semaphore(%arg18 : memref<!tpu.dma_semaphore, #tpu.memory_space<semaphore_mem>>) src(%dma_wait3A_59 : memref<20480x4x128xf32, #tpu.memory_space<hbm>>) dst(%arg12 : memref<16x4x128xf32, #tpu.memory_space<vmem>>)
        %dma_wait3A_60 = arith.constant 0 : i32
        %dma_wait3A_61 = arith.constant 0 : i32
        %dma_wait3A_62 = tpu.memref_slice %arg6[%dma_wait3A_60, %dma_wait3A_61] : memref<10240x128xf32, #tpu.memory_space<hbm>> -> memref<10240x128xf32, #tpu.memory_space<hbm>>
        tpu.wait_indirect_dma semaphore(%arg19 : memref<!tpu.dma_semaphore, #tpu.memory_space<semaphore_mem>>) src(%dma_wait3A_62 : memref<10240x128xf32, #tpu.memory_space<hbm>>) dst(%arg13 : memref<16x128xf32, #tpu.memory_space<vmem>>)
        %broadcast_in_dim3A = arith.constant 0 : i32
        %broadcast_in_dim3A_63 = vector.broadcast %broadcast_in_dim3A : i32 to vector<16xi32>
        %mul3A_64 = arith.constant 16 : i32
        %mul3A_65 = arith.muli %add3A_35, %mul3A_64 : i32
        %add3A_66 = arith.constant 0 : i32
        %add3A_67 = arith.addi %add3A_66, %mul3A_65 : i32
        %get3A_68 = arith.index_cast %add3A_67 : i32 to index
        %get3A_69 = tpu.vector_load %arg11[%get3A_68] {strides = array<i32>} : memref<4096xf32, #tpu.memory_space<vmem>>, vector<16xf32>,
        %gather3A = tpu.vector_load_idx %arg13[%iota3A, %broadcast_in_dim3A_63] : memref<16x128xf32, #tpu.memory_space<vmem>>[vector<16xi32>, vector<16xi32>], vector<16xf32>,
        %mul3A_70 = arith.mulf %get3A_69, %gather3A : vector<16xf32>
        %mul3A_71 = arith.constant 2.500000e-01 : f32
        %mul3A_72 = vector.broadcast %mul3A_71 : f32 to vector<16xf32>
        %mul3A_73 = arith.mulf %mul3A_70, %mul3A_72 : vector<16xf32>
        tpu.vector_store_idx %arg14[%iota3A, %broadcast_in_dim3A_63], %mul3A_73 : memref<16x16xf32, #tpu.memory_space<vmem>>[vector<16xi32>, vector<16xi32>], vector<16xf32>,
        %broadcast_in_dim3A_74 = arith.constant 1 : i32
        %broadcast_in_dim3A_75 = vector.broadcast %broadcast_in_dim3A_74 : i32 to vector<16xi32>
        %mul3A_76 = arith.constant 16 : i32
        %mul3A_77 = arith.muli %add3A_35, %mul3A_76 : i32
        %add3A_78 = arith.constant 1024 : i32
        %add3A_79 = arith.addi %add3A_78, %mul3A_77 : i32
        %get3A_80 = arith.index_cast %add3A_79 : i32 to index
        %get3A_81 = tpu.vector_load %arg11[%get3A_80] {strides = array<i32>} : memref<4096xf32, #tpu.memory_space<vmem>>, vector<16xf32>,
        %gather3A_82 = tpu.vector_load_idx %arg13[%iota3A, %broadcast_in_dim3A_75] : memref<16x128xf32, #tpu.memory_space<vmem>>[vector<16xi32>, vector<16xi32>], vector<16xf32>,
        %mul3A_83 = arith.mulf %get3A_81, %gather3A_82 : vector<16xf32>
        %mul3A_84 = arith.constant 2.500000e-01 : f32
        %mul3A_85 = vector.broadcast %mul3A_84 : f32 to vector<16xf32>
        %mul3A_86 = arith.mulf %mul3A_83, %mul3A_85 : vector<16xf32>
        tpu.vector_store_idx %arg14[%iota3A, %broadcast_in_dim3A_75], %mul3A_86 : memref<16x16xf32, #tpu.memory_space<vmem>>[vector<16xi32>, vector<16xi32>], vector<16xf32>,
        %broadcast_in_dim3A_87 = arith.constant 2 : i32
        %broadcast_in_dim3A_88 = vector.broadcast %broadcast_in_dim3A_87 : i32 to vector<16xi32>
        %mul3A_89 = arith.constant 16 : i32
        %mul3A_90 = arith.muli %add3A_35, %mul3A_89 : i32
        %add3A_91 = arith.constant 2048 : i32
        %add3A_92 = arith.addi %add3A_91, %mul3A_90 : i32
        %get3A_93 = arith.index_cast %add3A_92 : i32 to index
        %get3A_94 = tpu.vector_load %arg11[%get3A_93] {strides = array<i32>} : memref<4096xf32, #tpu.memory_space<vmem>>, vector<16xf32>,
        %gather3A_95 = tpu.vector_load_idx %arg13[%iota3A, %broadcast_in_dim3A_88] : memref<16x128xf32, #tpu.memory_space<vmem>>[vector<16xi32>, vector<16xi32>], vector<16xf32>,
        %mul3A_96 = arith.mulf %get3A_94, %gather3A_95 : vector<16xf32>
        %mul3A_97 = arith.constant 2.500000e-01 : f32
        %mul3A_98 = vector.broadcast %mul3A_97 : f32 to vector<16xf32>
        %mul3A_99 = arith.mulf %mul3A_96, %mul3A_98 : vector<16xf32>
        tpu.vector_store_idx %arg14[%iota3A, %broadcast_in_dim3A_88], %mul3A_99 : memref<16x16xf32, #tpu.memory_space<vmem>>[vector<16xi32>, vector<16xi32>], vector<16xf32>,
        %broadcast_in_dim3A_100 = arith.constant 3 : i32
        %broadcast_in_dim3A_101 = vector.broadcast %broadcast_in_dim3A_100 : i32 to vector<16xi32>
        %mul3A_102 = arith.constant 16 : i32
        %mul3A_103 = arith.muli %add3A_35, %mul3A_102 : i32
        %add3A_104 = arith.constant 3072 : i32
        %add3A_105 = arith.addi %add3A_104, %mul3A_103 : i32
        %get3A_106 = arith.index_cast %add3A_105 : i32 to index
        %get3A_107 = tpu.vector_load %arg11[%get3A_106] {strides = array<i32>} : memref<4096xf32, #tpu.memory_space<vmem>>, vector<16xf32>,
        %gather3A_108 = tpu.vector_load_idx %arg13[%iota3A, %broadcast_in_dim3A_101] : memref<16x128xf32, #tpu.memory_space<vmem>>[vector<16xi32>, vector<16xi32>], vector<16xf32>,
        %mul3A_109 = arith.mulf %get3A_107, %gather3A_108 : vector<16xf32>
        %mul3A_110 = arith.constant 2.500000e-01 : f32
        %mul3A_111 = vector.broadcast %mul3A_110 : f32 to vector<16xf32>
        %mul3A_112 = arith.mulf %mul3A_109, %mul3A_111 : vector<16xf32>
        tpu.vector_store_idx %arg14[%iota3A, %broadcast_in_dim3A_101], %mul3A_112 : memref<16x16xf32, #tpu.memory_space<vmem>>[vector<16xi32>, vector<16xi32>], vector<16xf32>,
        %scan3A_113 = arith.constant 0 : i32
        %scan3A_114 = arith.constant 16 : i32
        %scan3A_115 = arith.addi %scan3A_113, %scan3A_114 : i32
        %scan3A_116 = arith.constant 1 : i32
        scf.for %scan3A_118 = %scan3A_113 to %scan3A_115 step %scan3A_116  : i32 {
          %mul3A_119 = arith.constant 1 : i32
          %mul3A_120 = arith.muli %scan3A_118, %mul3A_119 : i32
          %add3A_121 = arith.constant 0 : i32
          %add3A_122 = arith.addi %add3A_121, %mul3A_120 : i32
          %broadcast_in_dim3A_123 = vector.broadcast %add3A_122 : i32 to vector<16xi32>
          %broadcast_in_dim3A_124 = arith.constant 0 : i32
          %broadcast_in_dim3A_125 = vector.broadcast %broadcast_in_dim3A_124 : i32 to vector<16xi32>
          %gather3A_126 = tpu.vector_load_idx %arg14[%broadcast_in_dim3A_123, %broadcast_in_dim3A_125] : memref<16x16xf32, #tpu.memory_space<vmem>>[vector<16xi32>, vector<16xi32>], vector<16xf32>,
          %broadcast_in_dim3A_127 = arith.constant 1 : i32
          %broadcast_in_dim3A_128 = vector.broadcast %broadcast_in_dim3A_127 : i32 to vector<16xi32>
          %gather3A_129 = tpu.vector_load_idx %arg14[%broadcast_in_dim3A_123, %broadcast_in_dim3A_128] : memref<16x16xf32, #tpu.memory_space<vmem>>[vector<16xi32>, vector<16xi32>], vector<16xf32>,
          %broadcast_in_dim3A_130 = arith.constant 2 : i32
          %broadcast_in_dim3A_131 = vector.broadcast %broadcast_in_dim3A_130 : i32 to vector<16xi32>
          %gather3A_132 = tpu.vector_load_idx %arg14[%broadcast_in_dim3A_123, %broadcast_in_dim3A_131] : memref<16x16xf32, #tpu.memory_space<vmem>>[vector<16xi32>, vector<16xi32>], vector<16xf32>,
          %broadcast_in_dim3A_133 = arith.constant 3 : i32
          %broadcast_in_dim3A_134 = vector.broadcast %broadcast_in_dim3A_133 : i32 to vector<16xi32>
          %gather3A_135 = tpu.vector_load_idx %arg14[%broadcast_in_dim3A_123, %broadcast_in_dim3A_134] : memref<16x16xf32, #tpu.memory_space<vmem>>[vector<16xi32>, vector<16xi32>], vector<16xf32>,
          %add3A_136 = arith.constant 0 : i32
          %add3A_137 = vector.broadcast %add3A_136 : i32 to vector<16xi32>
          %add3A_138 = arith.addi %add3A_137, %iota3A : vector<16xi32>
          %broadcast_in_dim3A_139 = arith.constant 0 : i32
          %broadcast_in_dim3A_140 = vector.broadcast %broadcast_in_dim3A_139 : i32 to vector<16xi32>
          %gather3A_141 = tpu.vector_load_idx %arg12[%broadcast_in_dim3A_123, %broadcast_in_dim3A_140, %add3A_138] : memref<16x4x128xf32, #tpu.memory_space<vmem>>[vector<16xi32>, vector<16xi32>, vector<16xi32>], vector<16xf32>,
          %mul3A_142 = arith.mulf %gather3A_126, %gather3A_141 : vector<16xf32>
          %broadcast_in_dim3A_143 = arith.constant 1 : i32
          %broadcast_in_dim3A_144 = vector.broadcast %broadcast_in_dim3A_143 : i32 to vector<16xi32>
          %gather3A_145 = tpu.vector_load_idx %arg12[%broadcast_in_dim3A_123, %broadcast_in_dim3A_144, %add3A_138] : memref<16x4x128xf32, #tpu.memory_space<vmem>>[vector<16xi32>, vector<16xi32>, vector<16xi32>], vector<16xf32>,
          %mul3A_146 = arith.mulf %gather3A_129, %gather3A_145 : vector<16xf32>
          %add3A_147 = arith.addf %mul3A_142, %mul3A_146 : vector<16xf32>
          %broadcast_in_dim3A_148 = arith.constant 2 : i32
          %broadcast_in_dim3A_149 = vector.broadcast %broadcast_in_dim3A_148 : i32 to vector<16xi32>
          %gather3A_150 = tpu.vector_load_idx %arg12[%broadcast_in_dim3A_123, %broadcast_in_dim3A_149, %add3A_138] : memref<16x4x128xf32, #tpu.memory_space<vmem>>[vector<16xi32>, vector<16xi32>, vector<16xi32>], vector<16xf32>,
          %mul3A_151 = arith.mulf %gather3A_132, %gather3A_150 : vector<16xf32>
          %add3A_152 = arith.addf %add3A_147, %mul3A_151 : vector<16xf32>
          %broadcast_in_dim3A_153 = arith.constant 3 : i32
          %broadcast_in_dim3A_154 = vector.broadcast %broadcast_in_dim3A_153 : i32 to vector<16xi32>
          %gather3A_155 = tpu.vector_load_idx %arg12[%broadcast_in_dim3A_123, %broadcast_in_dim3A_154, %add3A_138] : memref<16x4x128xf32, #tpu.memory_space<vmem>>[vector<16xi32>, vector<16xi32>, vector<16xi32>], vector<16xf32>,
          %mul3A_156 = arith.mulf %gather3A_135, %gather3A_155 : vector<16xf32>
          %add3A_157 = arith.addf %add3A_152, %mul3A_156 : vector<16xf32>
          tpu.vector_store_idx %arg15[%broadcast_in_dim3A_123, %add3A_138], %add3A_157 : memref<16x128xf32, #tpu.memory_space<vmem>>[vector<16xi32>, vector<16xi32>], vector<16xf32>,
          %add3A_158 = arith.constant 16 : i32
          %add3A_159 = vector.broadcast %add3A_158 : i32 to vector<16xi32>
          %add3A_160 = arith.addi %add3A_159, %iota3A : vector<16xi32>
          %broadcast_in_dim3A_161 = arith.constant 0 : i32
          %broadcast_in_dim3A_162 = vector.broadcast %broadcast_in_dim3A_161 : i32 to vector<16xi32>
          %gather3A_163 = tpu.vector_load_idx %arg12[%broadcast_in_dim3A_123, %broadcast_in_dim3A_162, %add3A_160] : memref<16x4x128xf32, #tpu.memory_space<vmem>>[vector<16xi32>, vector<16xi32>, vector<16xi32>], vector<16xf32>,
          %mul3A_164 = arith.mulf %gather3A_126, %gather3A_163 : vector<16xf32>
          %broadcast_in_dim3A_165 = arith.constant 1 : i32
          %broadcast_in_dim3A_166 = vector.broadcast %broadcast_in_dim3A_165 : i32 to vector<16xi32>
          %gather3A_167 = tpu.vector_load_idx %arg12[%broadcast_in_dim3A_123, %broadcast_in_dim3A_166, %add3A_160] : memref<16x4x128xf32, #tpu.memory_space<vmem>>[vector<16xi32>, vector<16xi32>, vector<16xi32>], vector<16xf32>,
          %mul3A_168 = arith.mulf %gather3A_129, %gather3A_167 : vector<16xf32>
          %add3A_169 = arith.addf %mul3A_164, %mul3A_168 : vector<16xf32>
          %broadcast_in_dim3A_170 = arith.constant 2 : i32
          %broadcast_in_dim3A_171 = vector.broadcast %broadcast_in_dim3A_170 : i32 to vector<16xi32>
          %gather3A_172 = tpu.vector_load_idx %arg12[%broadcast_in_dim3A_123, %broadcast_in_dim3A_171, %add3A_160] : memref<16x4x128xf32, #tpu.memory_space<vmem>>[vector<16xi32>, vector<16xi32>, vector<16xi32>], vector<16xf32>,
          %mul3A_173 = arith.mulf %gather3A_132, %gather3A_172 : vector<16xf32>
          %add3A_174 = arith.addf %add3A_169, %mul3A_173 : vector<16xf32>
          %broadcast_in_dim3A_175 = arith.constant 3 : i32
          %broadcast_in_dim3A_176 = vector.broadcast %broadcast_in_dim3A_175 : i32 to vector<16xi32>
          %gather3A_177 = tpu.vector_load_idx %arg12[%broadcast_in_dim3A_123, %broadcast_in_dim3A_176, %add3A_160] : memref<16x4x128xf32, #tpu.memory_space<vmem>>[vector<16xi32>, vector<16xi32>, vector<16xi32>], vector<16xf32>,
          %mul3A_178 = arith.mulf %gather3A_135, %gather3A_177 : vector<16xf32>
          %add3A_179 = arith.addf %add3A_174, %mul3A_178 : vector<16xf32>
          tpu.vector_store_idx %arg15[%broadcast_in_dim3A_123, %add3A_160], %add3A_179 : memref<16x128xf32, #tpu.memory_space<vmem>>[vector<16xi32>, vector<16xi32>], vector<16xf32>,
          %add3A_180 = arith.constant 32 : i32
          %add3A_181 = vector.broadcast %add3A_180 : i32 to vector<16xi32>
          %add3A_182 = arith.addi %add3A_181, %iota3A : vector<16xi32>
          %broadcast_in_dim3A_183 = arith.constant 0 : i32
          %broadcast_in_dim3A_184 = vector.broadcast %broadcast_in_dim3A_183 : i32 to vector<16xi32>
          %gather3A_185 = tpu.vector_load_idx %arg12[%broadcast_in_dim3A_123, %broadcast_in_dim3A_184, %add3A_182] : memref<16x4x128xf32, #tpu.memory_space<vmem>>[vector<16xi32>, vector<16xi32>, vector<16xi32>], vector<16xf32>,
          %mul3A_186 = arith.mulf %gather3A_126, %gather3A_185 : vector<16xf32>
          %broadcast_in_dim3A_187 = arith.constant 1 : i32
          %broadcast_in_dim3A_188 = vector.broadcast %broadcast_in_dim3A_187 : i32 to vector<16xi32>
          %gather3A_189 = tpu.vector_load_idx %arg12[%broadcast_in_dim3A_123, %broadcast_in_dim3A_188, %add3A_182] : memref<16x4x128xf32, #tpu.memory_space<vmem>>[vector<16xi32>, vector<16xi32>, vector<16xi32>], vector<16xf32>,
          %mul3A_190 = arith.mulf %gather3A_129, %gather3A_189 : vector<16xf32>
          %add3A_191 = arith.addf %mul3A_186, %mul3A_190 : vector<16xf32>
          %broadcast_in_dim3A_192 = arith.constant 2 : i32
          %broadcast_in_dim3A_193 = vector.broadcast %broadcast_in_dim3A_192 : i32 to vector<16xi32>
          %gather3A_194 = tpu.vector_load_idx %arg12[%broadcast_in_dim3A_123, %broadcast_in_dim3A_193, %add3A_182] : memref<16x4x128xf32, #tpu.memory_space<vmem>>[vector<16xi32>, vector<16xi32>, vector<16xi32>], vector<16xf32>,
          %mul3A_195 = arith.mulf %gather3A_132, %gather3A_194 : vector<16xf32>
          %add3A_196 = arith.addf %add3A_191, %mul3A_195 : vector<16xf32>
          %broadcast_in_dim3A_197 = arith.constant 3 : i32
          %broadcast_in_dim3A_198 = vector.broadcast %broadcast_in_dim3A_197 : i32 to vector<16xi32>
          %gather3A_199 = tpu.vector_load_idx %arg12[%broadcast_in_dim3A_123, %broadcast_in_dim3A_198, %add3A_182] : memref<16x4x128xf32, #tpu.memory_space<vmem>>[vector<16xi32>, vector<16xi32>, vector<16xi32>], vector<16xf32>,
          %mul3A_200 = arith.mulf %gather3A_135, %gather3A_199 : vector<16xf32>
          %add3A_201 = arith.addf %add3A_196, %mul3A_200 : vector<16xf32>
          tpu.vector_store_idx %arg15[%broadcast_in_dim3A_123, %add3A_182], %add3A_201 : memref<16x128xf32, #tpu.memory_space<vmem>>[vector<16xi32>, vector<16xi32>], vector<16xf32>,
          %add3A_202 = arith.constant 48 : i32
          %add3A_203 = vector.broadcast %add3A_202 : i32 to vector<16xi32>
          %add3A_204 = arith.addi %add3A_203, %iota3A : vector<16xi32>
          %broadcast_in_dim3A_205 = arith.constant 0 : i32
          %broadcast_in_dim3A_206 = vector.broadcast %broadcast_in_dim3A_205 : i32 to vector<16xi32>
          %gather3A_207 = tpu.vector_load_idx %arg12[%broadcast_in_dim3A_123, %broadcast_in_dim3A_206, %add3A_204] : memref<16x4x128xf32, #tpu.memory_space<vmem>>[vector<16xi32>, vector<16xi32>, vector<16xi32>], vector<16xf32>,
          %mul3A_208 = arith.mulf %gather3A_126, %gather3A_207 : vector<16xf32>
          %broadcast_in_dim3A_209 = arith.constant 1 : i32
          %broadcast_in_dim3A_210 = vector.broadcast %broadcast_in_dim3A_209 : i32 to vector<16xi32>
          %gather3A_211 = tpu.vector_load_idx %arg12[%broadcast_in_dim3A_123, %broadcast_in_dim3A_210, %add3A_204] : memref<16x4x128xf32, #tpu.memory_space<vmem>>[vector<16xi32>, vector<16xi32>, vector<16xi32>], vector<16xf32>,
          %mul3A_212 = arith.mulf %gather3A_129, %gather3A_211 : vector<16xf32>
          %add3A_213 = arith.addf %mul3A_208, %mul3A_212 : vector<16xf32>
          %broadcast_in_dim3A_214 = arith.constant 2 : i32
          %broadcast_in_dim3A_215 = vector.broadcast %broadcast_in_dim3A_214 : i32 to vector<16xi32>
          %gather3A_216 = tpu.vector_load_idx %arg12[%broadcast_in_dim3A_123, %broadcast_in_dim3A_215, %add3A_204] : memref<16x4x128xf32, #tpu.memory_space<vmem>>[vector<16xi32>, vector<16xi32>, vector<16xi32>], vector<16xf32>,
          %mul3A_217 = arith.mulf %gather3A_132, %gather3A_216 : vector<16xf32>
          %add3A_218 = arith.addf %add3A_213, %mul3A_217 : vector<16xf32>
          %broadcast_in_dim3A_219 = arith.constant 3 : i32
          %broadcast_in_dim3A_220 = vector.broadcast %broadcast_in_dim3A_219 : i32 to vector<16xi32>
          %gather3A_221 = tpu.vector_load_idx %arg12[%broadcast_in_dim3A_123, %broadcast_in_dim3A_220, %add3A_204] : memref<16x4x128xf32, #tpu.memory_space<vmem>>[vector<16xi32>, vector<16xi32>, vector<16xi32>], vector<16xf32>,
          %mul3A_222 = arith.mulf %gather3A_135, %gather3A_221 : vector<16xf32>
          %add3A_223 = arith.addf %add3A_218, %mul3A_222 : vector<16xf32>
          tpu.vector_store_idx %arg15[%broadcast_in_dim3A_123, %add3A_204], %add3A_223 : memref<16x128xf32, #tpu.memory_space<vmem>>[vector<16xi32>, vector<16xi32>], vector<16xf32>,
          %add3A_224 = arith.constant 64 : i32
          %add3A_225 = vector.broadcast %add3A_224 : i32 to vector<16xi32>
          %add3A_226 = arith.addi %add3A_225, %iota3A : vector<16xi32>
          %broadcast_in_dim3A_227 = arith.constant 0 : i32
          %broadcast_in_dim3A_228 = vector.broadcast %broadcast_in_dim3A_227 : i32 to vector<16xi32>
          %gather3A_229 = tpu.vector_load_idx %arg12[%broadcast_in_dim3A_123, %broadcast_in_dim3A_228, %add3A_226] : memref<16x4x128xf32, #tpu.memory_space<vmem>>[vector<16xi32>, vector<16xi32>, vector<16xi32>], vector<16xf32>,
          %mul3A_230 = arith.mulf %gather3A_126, %gather3A_229 : vector<16xf32>
          %broadcast_in_dim3A_231 = arith.constant 1 : i32
          %broadcast_in_dim3A_232 = vector.broadcast %broadcast_in_dim3A_231 : i32 to vector<16xi32>
          %gather3A_233 = tpu.vector_load_idx %arg12[%broadcast_in_dim3A_123, %broadcast_in_dim3A_232, %add3A_226] : memref<16x4x128xf32, #tpu.memory_space<vmem>>[vector<16xi32>, vector<16xi32>, vector<16xi32>], vector<16xf32>,
          %mul3A_234 = arith.mulf %gather3A_129, %gather3A_233 : vector<16xf32>
          %add3A_235 = arith.addf %mul3A_230, %mul3A_234 : vector<16xf32>
          %broadcast_in_dim3A_236 = arith.constant 2 : i32
          %broadcast_in_dim3A_237 = vector.broadcast %broadcast_in_dim3A_236 : i32 to vector<16xi32>
          %gather3A_238 = tpu.vector_load_idx %arg12[%broadcast_in_dim3A_123, %broadcast_in_dim3A_237, %add3A_226] : memref<16x4x128xf32, #tpu.memory_space<vmem>>[vector<16xi32>, vector<16xi32>, vector<16xi32>], vector<16xf32>,
          %mul3A_239 = arith.mulf %gather3A_132, %gather3A_238 : vector<16xf32>
          %add3A_240 = arith.addf %add3A_235, %mul3A_239 : vector<16xf32>
          %broadcast_in_dim3A_241 = arith.constant 3 : i32
          %broadcast_in_dim3A_242 = vector.broadcast %broadcast_in_dim3A_241 : i32 to vector<16xi32>
          %gather3A_243 = tpu.vector_load_idx %arg12[%broadcast_in_dim3A_123, %broadcast_in_dim3A_242, %add3A_226] : memref<16x4x128xf32, #tpu.memory_space<vmem>>[vector<16xi32>, vector<16xi32>, vector<16xi32>], vector<16xf32>,
          %mul3A_244 = arith.mulf %gather3A_135, %gather3A_243 : vector<16xf32>
          %add3A_245 = arith.addf %add3A_240, %mul3A_244 : vector<16xf32>
          tpu.vector_store_idx %arg15[%broadcast_in_dim3A_123, %add3A_226], %add3A_245 : memref<16x128xf32, #tpu.memory_space<vmem>>[vector<16xi32>, vector<16xi32>], vector<16xf32>,
          %add3A_246 = arith.constant 80 : i32
          %add3A_247 = vector.broadcast %add3A_246 : i32 to vector<16xi32>
          %add3A_248 = arith.addi %add3A_247, %iota3A : vector<16xi32>
          %broadcast_in_dim3A_249 = arith.constant 0 : i32
          %broadcast_in_dim3A_250 = vector.broadcast %broadcast_in_dim3A_249 : i32 to vector<16xi32>
          %gather3A_251 = tpu.vector_load_idx %arg12[%broadcast_in_dim3A_123, %broadcast_in_dim3A_250, %add3A_248] : memref<16x4x128xf32, #tpu.memory_space<vmem>>[vector<16xi32>, vector<16xi32>, vector<16xi32>], vector<16xf32>,
          %mul3A_252 = arith.mulf %gather3A_126, %gather3A_251 : vector<16xf32>
          %broadcast_in_dim3A_253 = arith.constant 1 : i32
          %broadcast_in_dim3A_254 = vector.broadcast %broadcast_in_dim3A_253 : i32 to vector<16xi32>
          %gather3A_255 = tpu.vector_load_idx %arg12[%broadcast_in_dim3A_123, %broadcast_in_dim3A_254, %add3A_248] : memref<16x4x128xf32, #tpu.memory_space<vmem>>[vector<16xi32>, vector<16xi32>, vector<16xi32>], vector<16xf32>,
          %mul3A_256 = arith.mulf %gather3A_129, %gather3A_255 : vector<16xf32>
          %add3A_257 = arith.addf %mul3A_252, %mul3A_256 : vector<16xf32>
          %broadcast_in_dim3A_258 = arith.constant 2 : i32
          %broadcast_in_dim3A_259 = vector.broadcast %broadcast_in_dim3A_258 : i32 to vector<16xi32>
          %gather3A_260 = tpu.vector_load_idx %arg12[%broadcast_in_dim3A_123, %broadcast_in_dim3A_259, %add3A_248] : memref<16x4x128xf32, #tpu.memory_space<vmem>>[vector<16xi32>, vector<16xi32>, vector<16xi32>], vector<16xf32>,
          %mul3A_261 = arith.mulf %gather3A_132, %gather3A_260 : vector<16xf32>
          %add3A_262 = arith.addf %add3A_257, %mul3A_261 : vector<16xf32>
          %broadcast_in_dim3A_263 = arith.constant 3 : i32
          %broadcast_in_dim3A_264 = vector.broadcast %broadcast_in_dim3A_263 : i32 to vector<16xi32>
          %gather3A_265 = tpu.vector_load_idx %arg12[%broadcast_in_dim3A_123, %broadcast_in_dim3A_264, %add3A_248] : memref<16x4x128xf32, #tpu.memory_space<vmem>>[vector<16xi32>, vector<16xi32>, vector<16xi32>], vector<16xf32>,
          %mul3A_266 = arith.mulf %gather3A_135, %gather3A_265 : vector<16xf32>
          %add3A_267 = arith.addf %add3A_262, %mul3A_266 : vector<16xf32>
          tpu.vector_store_idx %arg15[%broadcast_in_dim3A_123, %add3A_248], %add3A_267 : memref<16x128xf32, #tpu.memory_space<vmem>>[vector<16xi32>, vector<16xi32>], vector<16xf32>,
          %add3A_268 = arith.constant 96 : i32
          %add3A_269 = vector.broadcast %add3A_268 : i32 to vector<16xi32>
          %add3A_270 = arith.addi %add3A_269, %iota3A : vector<16xi32>
          %broadcast_in_dim3A_271 = arith.constant 0 : i32
          %broadcast_in_dim3A_272 = vector.broadcast %broadcast_in_dim3A_271 : i32 to vector<16xi32>
          %gather3A_273 = tpu.vector_load_idx %arg12[%broadcast_in_dim3A_123, %broadcast_in_dim3A_272, %add3A_270] : memref<16x4x128xf32, #tpu.memory_space<vmem>>[vector<16xi32>, vector<16xi32>, vector<16xi32>], vector<16xf32>,
          %mul3A_274 = arith.mulf %gather3A_126, %gather3A_273 : vector<16xf32>
          %broadcast_in_dim3A_275 = arith.constant 1 : i32
          %broadcast_in_dim3A_276 = vector.broadcast %broadcast_in_dim3A_275 : i32 to vector<16xi32>
          %gather3A_277 = tpu.vector_load_idx %arg12[%broadcast_in_dim3A_123, %broadcast_in_dim3A_276, %add3A_270] : memref<16x4x128xf32, #tpu.memory_space<vmem>>[vector<16xi32>, vector<16xi32>, vector<16xi32>], vector<16xf32>,
          %mul3A_278 = arith.mulf %gather3A_129, %gather3A_277 : vector<16xf32>
          %add3A_279 = arith.addf %mul3A_274, %mul3A_278 : vector<16xf32>
          %broadcast_in_dim3A_280 = arith.constant 2 : i32
          %broadcast_in_dim3A_281 = vector.broadcast %broadcast_in_dim3A_280 : i32 to vector<16xi32>
          %gather3A_282 = tpu.vector_load_idx %arg12[%broadcast_in_dim3A_123, %broadcast_in_dim3A_281, %add3A_270] : memref<16x4x128xf32, #tpu.memory_space<vmem>>[vector<16xi32>, vector<16xi32>, vector<16xi32>], vector<16xf32>,
          %mul3A_283 = arith.mulf %gather3A_132, %gather3A_282 : vector<16xf32>
          %add3A_284 = arith.addf %add3A_279, %mul3A_283 : vector<16xf32>
          %broadcast_in_dim3A_285 = arith.constant 3 : i32
          %broadcast_in_dim3A_286 = vector.broadcast %broadcast_in_dim3A_285 : i32 to vector<16xi32>
          %gather3A_287 = tpu.vector_load_idx %arg12[%broadcast_in_dim3A_123, %broadcast_in_dim3A_286, %add3A_270] : memref<16x4x128xf32, #tpu.memory_space<vmem>>[vector<16xi32>, vector<16xi32>, vector<16xi32>], vector<16xf32>,
          %mul3A_288 = arith.mulf %gather3A_135, %gather3A_287 : vector<16xf32>
          %add3A_289 = arith.addf %add3A_284, %mul3A_288 : vector<16xf32>
          tpu.vector_store_idx %arg15[%broadcast_in_dim3A_123, %add3A_270], %add3A_289 : memref<16x128xf32, #tpu.memory_space<vmem>>[vector<16xi32>, vector<16xi32>], vector<16xf32>,
          %add3A_290 = arith.constant 112 : i32
          %add3A_291 = vector.broadcast %add3A_290 : i32 to vector<16xi32>
          %add3A_292 = arith.addi %add3A_291, %iota3A : vector<16xi32>
          %broadcast_in_dim3A_293 = arith.constant 0 : i32
          %broadcast_in_dim3A_294 = vector.broadcast %broadcast_in_dim3A_293 : i32 to vector<16xi32>
          %gather3A_295 = tpu.vector_load_idx %arg12[%broadcast_in_dim3A_123, %broadcast_in_dim3A_294, %add3A_292] : memref<16x4x128xf32, #tpu.memory_space<vmem>>[vector<16xi32>, vector<16xi32>, vector<16xi32>], vector<16xf32>,
          %mul3A_296 = arith.mulf %gather3A_126, %gather3A_295 : vector<16xf32>
          %broadcast_in_dim3A_297 = arith.constant 1 : i32
          %broadcast_in_dim3A_298 = vector.broadcast %broadcast_in_dim3A_297 : i32 to vector<16xi32>
          %gather3A_299 = tpu.vector_load_idx %arg12[%broadcast_in_dim3A_123, %broadcast_in_dim3A_298, %add3A_292] : memref<16x4x128xf32, #tpu.memory_space<vmem>>[vector<16xi32>, vector<16xi32>, vector<16xi32>], vector<16xf32>,
          %mul3A_300 = arith.mulf %gather3A_129, %gather3A_299 : vector<16xf32>
          %add3A_301 = arith.addf %mul3A_296, %mul3A_300 : vector<16xf32>
          %broadcast_in_dim3A_302 = arith.constant 2 : i32
          %broadcast_in_dim3A_303 = vector.broadcast %broadcast_in_dim3A_302 : i32 to vector<16xi32>
          %gather3A_304 = tpu.vector_load_idx %arg12[%broadcast_in_dim3A_123, %broadcast_in_dim3A_303, %add3A_292] : memref<16x4x128xf32, #tpu.memory_space<vmem>>[vector<16xi32>, vector<16xi32>, vector<16xi32>], vector<16xf32>,
          %mul3A_305 = arith.mulf %gather3A_132, %gather3A_304 : vector<16xf32>
          %add3A_306 = arith.addf %add3A_301, %mul3A_305 : vector<16xf32>
          %broadcast_in_dim3A_307 = arith.constant 3 : i32
          %broadcast_in_dim3A_308 = vector.broadcast %broadcast_in_dim3A_307 : i32 to vector<16xi32>
          %gather3A_309 = tpu.vector_load_idx %arg12[%broadcast_in_dim3A_123, %broadcast_in_dim3A_308, %add3A_292] : memref<16x4x128xf32, #tpu.memory_space<vmem>>[vector<16xi32>, vector<16xi32>, vector<16xi32>], vector<16xf32>,
          %mul3A_310 = arith.mulf %gather3A_135, %gather3A_309 : vector<16xf32>
          %add3A_311 = arith.addf %add3A_306, %mul3A_310 : vector<16xf32>
          tpu.vector_store_idx %arg15[%broadcast_in_dim3A_123, %add3A_292], %add3A_311 : memref<16x128xf32, #tpu.memory_space<vmem>>[vector<16xi32>, vector<16xi32>], vector<16xf32>,
        }
        %scan3A_117 = arith.constant 16 : i32
        "tpu.region"() ({
          %run_scoped3A = tpu.sem_alloc : memref<!tpu.dma_semaphore, #tpu.memory_space<semaphore_mem>>
          %dma_start3A_118 = arith.constant 0 : i32
          %dma_start3A_119 = arith.constant 0 : i32
          %dma_start3A_120 = tpu.memref_slice %arg20[%dma_start3A_118, %dma_start3A_119] : memref<10240x128xf32, #tpu.memory_space<vmem_shared>> -> memref<10240x128xf32, #tpu.memory_space<vmem_shared>>
          tpu.enqueue_indirect_dma source(%arg15 : memref<16x128xf32, #tpu.memory_space<vmem>>) target(%dma_start3A_120 : memref<10240x128xf32, #tpu.memory_space<vmem_shared>>) offsets(%arg17 : memref<16xi32, #tpu.memory_space<vmem>>) semaphore(%run_scoped3A : memref<!tpu.dma_semaphore, #tpu.memory_space<semaphore_mem>>) {add = true}
          %dma_wait3A_121 = arith.constant 0 : i32
          %dma_wait3A_122 = arith.constant 0 : i32
          %dma_wait3A_123 = tpu.memref_slice %arg20[%dma_wait3A_121, %dma_wait3A_122] : memref<10240x128xf32, #tpu.memory_space<vmem_shared>> -> memref<10240x128xf32, #tpu.memory_space<vmem_shared>>
          tpu.wait_indirect_dma semaphore(%run_scoped3A : memref<!tpu.dma_semaphore, #tpu.memory_space<semaphore_mem>>) src(%arg15 : memref<16x128xf32, #tpu.memory_space<vmem>>) dst(%dma_wait3A_123 : memref<10240x128xf32, #tpu.memory_space<vmem_shared>>)
          tpu.yield
        }) : () -> ()
      }
      %scan3A_30 = arith.constant 64 : i32
    }
    %scan3A_4 = arith.constant 10 : i32
    %barrier3A_5 = arith.constant 0 : index
    tpu.barrier barrier_id(%barrier3A_5)
    %mul3A_6 = arith.constant 10240 : i32
    %mul3A_7 = arith.muli %arg0, %mul3A_6 : i32
    %add3A = arith.addi %mul3A_7, %mul3A_0 : i32
    "tpu.region"() ({
      %run_scoped3A = tpu.sem_alloc : memref<!tpu.dma_semaphore, #tpu.memory_space<semaphore_mem>>
      %dma_start3A = arith.constant 0 : i32
      %dma_start3A_8 = tpu.memref_slice %arg8[%add3A, %dma_start3A] : memref<20480x128xf32, #tpu.memory_space<hbm>> -> memref<640x128xf32, #tpu.memory_space<hbm>>
      %dma_start3A_9 = arith.constant 0 : i32
      %dma_start3A_10 = tpu.memref_slice %arg20[%mul3A_0, %dma_start3A_9] : memref<10240x128xf32, #tpu.memory_space<vmem_shared>> -> memref<640x128xf32, #tpu.memory_space<vmem_shared>>
      tpu.enqueue_dma source(%dma_start3A_10 : memref<640x128xf32, #tpu.memory_space<vmem_shared>>) target(%dma_start3A_8 : memref<640x128xf32, #tpu.memory_space<hbm>>) target_semaphore(%run_scoped3A : memref<!tpu.dma_semaphore, #tpu.memory_space<semaphore_mem>>)
      %dma_wait3A = arith.constant 0 : i32
      %dma_wait3A_11 = tpu.memref_slice %arg8[%add3A, %dma_wait3A] : memref<20480x128xf32, #tpu.memory_space<hbm>> -> memref<640x128xf32, #tpu.memory_space<hbm>>
      %dma_wait3A_12 = arith.constant 0 : i32
      %dma_wait3A_13 = tpu.memref_slice %arg20[%mul3A_0, %dma_wait3A_12] : memref<10240x128xf32, #tpu.memory_space<vmem_shared>> -> memref<640x128xf32, #tpu.memory_space<vmem_shared>>
      tpu.wait_dma2 semaphore(%run_scoped3A : memref<!tpu.dma_semaphore, #tpu.memory_space<semaphore_mem>>) src(%dma_wait3A_13 : memref<640x128xf32, #tpu.memory_space<vmem_shared>>) dst(%dma_wait3A_11 : memref<640x128xf32, #tpu.memory_space<hbm>>)
      tpu.yield
    }) : () -> ()
    return
  }
}

#map = affine_map<(d0, d1) -> (0, 0, 0)>
#map1 = affine_map<(d0, d1) -> (0)>
#map2 = affine_map<(d0, d1) -> (0, 0)>
module attributes {stable_mosaic.version = 14 : i64} {
  func.func @_p2_body(%arg0: i32, %arg1: i32, %arg2: memref<10240x8x128xf32, #tpu.memory_space<hbm>>, %arg3: memref<10240x8x128xf32, #tpu.memory_space<hbm>>, %arg4: memref<163840xi32, #tpu.memory_space<hbm>>, %arg5: memref<163840xi32, #tpu.memory_space<hbm>>, %arg6: memref<1024xf32, #tpu.memory_space<hbm>>, %arg7: memref<10240x128xf32, #tpu.memory_space<hbm>>, %arg8: memref<655360xf32, #tpu.memory_space<hbm>>, %arg9: memref<20480x128xf32, #tpu.memory_space<hbm>>, %arg10: memref<1024xi32, #tpu.memory_space<vmem>>, %arg11: memref<1024xi32, #tpu.memory_space<vmem>>, %arg12: memref<4096xf32, #tpu.memory_space<vmem>>, %arg13: memref<16x8x128xf32, #tpu.memory_space<vmem>>, %arg14: memref<16x8x128xf32, #tpu.memory_space<vmem>>, %arg15: memref<1024xf32, #tpu.memory_space<vmem>>, %arg16: memref<16x128xf32, #tpu.memory_space<vmem>>, %arg17: memref<16xi32, #tpu.memory_space<vmem>>, %arg18: memref<16xi32, #tpu.memory_space<vmem>>, %arg19: memref<!tpu.dma_semaphore, #tpu.memory_space<semaphore_mem>>, %arg20: memref<!tpu.dma_semaphore, #tpu.memory_space<semaphore_mem>>, %arg21: memref<10240x128xf32, #tpu.memory_space<vmem_shared>>) attributes {dimension_semantics = [#tpu.dimension_semantics<core_parallel>, #tpu.dimension_semantics<subcore_parallel>], iteration_bounds = array<i64: 2, 16>, scalar_prefetch = 0 : i64, scratch_operands = 12 : i64, tpu.core_type = #tpu.core_type<sc_vector_subcore>, window_params = [{transform_indices = #map}, {transform_indices = #map}, {transform_indices = #map1}, {transform_indices = #map1}, {transform_indices = #map1}, {transform_indices = #map2}, {transform_indices = #map1}, {transform_indices = #map2}]} {
    %mul3A = arith.constant 2 : i32
    %mul3A_0 = arith.muli %arg1, %mul3A : i32
    %add3A = arith.addi %mul3A_0, %arg0 : i32
    %mul3A_1 = arith.constant 5120 : i32
    %mul3A_2 = arith.muli %add3A, %mul3A_1 : i32
    "tpu.region"() ({
      %run_scoped3A = tpu.sem_alloc : memref<!tpu.dma_semaphore, #tpu.memory_space<semaphore_mem>>
      tpu.enqueue_dma source(%arg6 : memref<1024xf32, #tpu.memory_space<hbm>>) target(%arg15 : memref<1024xf32, #tpu.memory_space<vmem>>) target_semaphore(%run_scoped3A : memref<!tpu.dma_semaphore, #tpu.memory_space<semaphore_mem>>)
      tpu.wait_dma2 semaphore(%run_scoped3A : memref<!tpu.dma_semaphore, #tpu.memory_space<semaphore_mem>>) src(%arg6 : memref<1024xf32, #tpu.memory_space<hbm>>) dst(%arg15 : memref<1024xf32, #tpu.memory_space<vmem>>)
      tpu.yield
    }) : () -> ()
    %mul3A_3 = arith.constant 640 : i32
    %mul3A_4 = arith.muli %arg1, %mul3A_3 : i32
    %mul3A_5 = arith.constant 640 : i32
    %mul3A_6 = arith.muli %arg1, %mul3A_5 : i32
    "tpu.region"() ({
      %run_scoped3A = tpu.sem_alloc : memref<!tpu.dma_semaphore, #tpu.memory_space<semaphore_mem>>
      %dma_start3A = arith.constant 0 : i32
      %dma_start3A_25 = tpu.memref_slice %arg21[%mul3A_6, %dma_start3A] : memref<10240x128xf32, #tpu.memory_space<vmem_shared>> -> memref<640x128xf32, #tpu.memory_space<vmem_shared>>
      %dma_start3A_26 = arith.constant 0 : i32
      %dma_start3A_27 = tpu.memref_slice %arg7[%mul3A_4, %dma_start3A_26] : memref<10240x128xf32, #tpu.memory_space<hbm>> -> memref<640x128xf32, #tpu.memory_space<hbm>>
      tpu.enqueue_dma source(%dma_start3A_27 : memref<640x128xf32, #tpu.memory_space<hbm>>) target(%dma_start3A_25 : memref<640x128xf32, #tpu.memory_space<vmem_shared>>) target_semaphore(%run_scoped3A : memref<!tpu.dma_semaphore, #tpu.memory_space<semaphore_mem>>)
      %dma_wait3A = arith.constant 0 : i32
      %dma_wait3A_28 = tpu.memref_slice %arg21[%mul3A_6, %dma_wait3A] : memref<10240x128xf32, #tpu.memory_space<vmem_shared>> -> memref<640x128xf32, #tpu.memory_space<vmem_shared>>
      %dma_wait3A_29 = arith.constant 0 : i32
      %dma_wait3A_30 = tpu.memref_slice %arg7[%mul3A_4, %dma_wait3A_29] : memref<10240x128xf32, #tpu.memory_space<hbm>> -> memref<640x128xf32, #tpu.memory_space<hbm>>
      tpu.wait_dma2 semaphore(%run_scoped3A : memref<!tpu.dma_semaphore, #tpu.memory_space<semaphore_mem>>) src(%dma_wait3A_30 : memref<640x128xf32, #tpu.memory_space<hbm>>) dst(%dma_wait3A_28 : memref<640x128xf32, #tpu.memory_space<vmem_shared>>)
      tpu.yield
    }) : () -> ()
    %broadcast_in_dim3A = arith.constant 0.000000e+00 : f32
    %broadcast_in_dim3A_7 = vector.broadcast %broadcast_in_dim3A : f32 to vector<16xf32>
    %scan3A = arith.constant 0 : i32
    %scan3A_8 = arith.constant 16 : i32
    %scan3A_9 = arith.addi %scan3A, %scan3A_8 : i32
    %scan3A_10 = arith.constant 1 : i32
    scf.for %scan3A_25 = %scan3A to %scan3A_9 step %scan3A_10  : i32 {
      %mul3A_26 = arith.constant 1 : i32
      %mul3A_27 = arith.muli %scan3A_25, %mul3A_26 : i32
      %add3A_28 = arith.constant 0 : i32
      %add3A_29 = arith.addi %add3A_28, %mul3A_27 : i32
      %swap3A = arith.index_cast %add3A_29 : i32 to index
      %swap3A_30 = arith.constant 0 : index
      %swap3A_31 = tpu.vector_load %arg16[%swap3A, %swap3A_30] {strides = array<i32>} : memref<16x128xf32, #tpu.memory_space<vmem>>, vector<16xf32>,
      tpu.vector_store %arg16[%swap3A, %swap3A_30], %broadcast_in_dim3A_7 {strides = array<i32>} : memref<16x128xf32, #tpu.memory_space<vmem>>, vector<16xf32>,
      %swap3A_32 = arith.index_cast %add3A_29 : i32 to index
      %swap3A_33 = arith.constant 16 : index
      %swap3A_34 = tpu.vector_load %arg16[%swap3A_32, %swap3A_33] {strides = array<i32>} : memref<16x128xf32, #tpu.memory_space<vmem>>, vector<16xf32>,
      tpu.vector_store %arg16[%swap3A_32, %swap3A_33], %broadcast_in_dim3A_7 {strides = array<i32>} : memref<16x128xf32, #tpu.memory_space<vmem>>, vector<16xf32>,
      %swap3A_35 = arith.index_cast %add3A_29 : i32 to index
      %swap3A_36 = arith.constant 32 : index
      %swap3A_37 = tpu.vector_load %arg16[%swap3A_35, %swap3A_36] {strides = array<i32>} : memref<16x128xf32, #tpu.memory_space<vmem>>, vector<16xf32>,
      tpu.vector_store %arg16[%swap3A_35, %swap3A_36], %broadcast_in_dim3A_7 {strides = array<i32>} : memref<16x128xf32, #tpu.memory_space<vmem>>, vector<16xf32>,
      %swap3A_38 = arith.index_cast %add3A_29 : i32 to index
      %swap3A_39 = arith.constant 48 : index
      %swap3A_40 = tpu.vector_load %arg16[%swap3A_38, %swap3A_39] {strides = array<i32>} : memref<16x128xf32, #tpu.memory_space<vmem>>, vector<16xf32>,
      tpu.vector_store %arg16[%swap3A_38, %swap3A_39], %broadcast_in_dim3A_7 {strides = array<i32>} : memref<16x128xf32, #tpu.memory_space<vmem>>, vector<16xf32>,
      %swap3A_41 = arith.index_cast %add3A_29 : i32 to index
      %swap3A_42 = arith.constant 64 : index
      %swap3A_43 = tpu.vector_load %arg16[%swap3A_41, %swap3A_42] {strides = array<i32>} : memref<16x128xf32, #tpu.memory_space<vmem>>, vector<16xf32>,
      tpu.vector_store %arg16[%swap3A_41, %swap3A_42], %broadcast_in_dim3A_7 {strides = array<i32>} : memref<16x128xf32, #tpu.memory_space<vmem>>, vector<16xf32>,
      %swap3A_44 = arith.index_cast %add3A_29 : i32 to index
      %swap3A_45 = arith.constant 80 : index
      %swap3A_46 = tpu.vector_load %arg16[%swap3A_44, %swap3A_45] {strides = array<i32>} : memref<16x128xf32, #tpu.memory_space<vmem>>, vector<16xf32>,
      tpu.vector_store %arg16[%swap3A_44, %swap3A_45], %broadcast_in_dim3A_7 {strides = array<i32>} : memref<16x128xf32, #tpu.memory_space<vmem>>, vector<16xf32>,
      %swap3A_47 = arith.index_cast %add3A_29 : i32 to index
      %swap3A_48 = arith.constant 96 : index
      %swap3A_49 = tpu.vector_load %arg16[%swap3A_47, %swap3A_48] {strides = array<i32>} : memref<16x128xf32, #tpu.memory_space<vmem>>, vector<16xf32>,
      tpu.vector_store %arg16[%swap3A_47, %swap3A_48], %broadcast_in_dim3A_7 {strides = array<i32>} : memref<16x128xf32, #tpu.memory_space<vmem>>, vector<16xf32>,
      %swap3A_50 = arith.index_cast %add3A_29 : i32 to index
      %swap3A_51 = arith.constant 112 : index
      %swap3A_52 = tpu.vector_load %arg16[%swap3A_50, %swap3A_51] {strides = array<i32>} : memref<16x128xf32, #tpu.memory_space<vmem>>, vector<16xf32>,
      tpu.vector_store %arg16[%swap3A_50, %swap3A_51], %broadcast_in_dim3A_7 {strides = array<i32>} : memref<16x128xf32, #tpu.memory_space<vmem>>, vector<16xf32>,
    }
    %scan3A_11 = arith.constant 16 : i32
    %barrier3A = arith.constant 0 : index
    tpu.barrier barrier_id(%barrier3A)
    %iota3A = tpu.iota {dimensions = array<i32: 0>} : vector<16xi32>
    %scan3A_12 = arith.constant 0 : i32
    %scan3A_13 = arith.constant 5 : i32
    %scan3A_14 = arith.addi %scan3A_12, %scan3A_13 : i32
    %scan3A_15 = arith.constant 1 : i32
    scf.for %scan3A_25 = %scan3A_12 to %scan3A_14 step %scan3A_15  : i32 {
      %mul3A_26 = arith.constant 1 : i32
      %mul3A_27 = arith.muli %scan3A_25, %mul3A_26 : i32
      %add3A_28 = arith.constant 0 : i32
      %add3A_29 = arith.addi %add3A_28, %mul3A_27 : i32
      %mul3A_30 = arith.constant 1024 : i32
      %mul3A_31 = arith.muli %add3A_29, %mul3A_30 : i32
      %add3A_32 = arith.addi %mul3A_2, %mul3A_31 : i32
      "tpu.region"() ({
        %run_scoped3A = tpu.sem_alloc : memref<!tpu.dma_semaphore, #tpu.memory_space<semaphore_mem>>
        %dma_start3A = tpu.memref_slice %arg4[%add3A_32] : memref<163840xi32, #tpu.memory_space<hbm>> -> memref<1024xi32, #tpu.memory_space<hbm>>
        %dma_start3A_46 = tpu.memref_slice %arg4[%add3A_32] : memref<163840xi32, #tpu.memory_space<hbm>> -> memref<1024xi32, #tpu.memory_space<hbm>>
        tpu.enqueue_dma source(%dma_start3A_46 : memref<1024xi32, #tpu.memory_space<hbm>>) target(%arg10 : memref<1024xi32, #tpu.memory_space<vmem>>) target_semaphore(%run_scoped3A : memref<!tpu.dma_semaphore, #tpu.memory_space<semaphore_mem>>)
        %dma_wait3A = tpu.memref_slice %arg4[%add3A_32] : memref<163840xi32, #tpu.memory_space<hbm>> -> memref<1024xi32, #tpu.memory_space<hbm>>
        %dma_wait3A_47 = tpu.memref_slice %arg4[%add3A_32] : memref<163840xi32, #tpu.memory_space<hbm>> -> memref<1024xi32, #tpu.memory_space<hbm>>
        tpu.wait_dma2 semaphore(%run_scoped3A : memref<!tpu.dma_semaphore, #tpu.memory_space<semaphore_mem>>) src(%dma_wait3A_47 : memref<1024xi32, #tpu.memory_space<hbm>>) dst(%arg10 : memref<1024xi32, #tpu.memory_space<vmem>>)
        tpu.yield
      }) : () -> ()
      "tpu.region"() ({
        %run_scoped3A = tpu.sem_alloc : memref<!tpu.dma_semaphore, #tpu.memory_space<semaphore_mem>>
        %dma_start3A = tpu.memref_slice %arg5[%add3A_32] : memref<163840xi32, #tpu.memory_space<hbm>> -> memref<1024xi32, #tpu.memory_space<hbm>>
        %dma_start3A_46 = tpu.memref_slice %arg5[%add3A_32] : memref<163840xi32, #tpu.memory_space<hbm>> -> memref<1024xi32, #tpu.memory_space<hbm>>
        tpu.enqueue_dma source(%dma_start3A_46 : memref<1024xi32, #tpu.memory_space<hbm>>) target(%arg11 : memref<1024xi32, #tpu.memory_space<vmem>>) target_semaphore(%run_scoped3A : memref<!tpu.dma_semaphore, #tpu.memory_space<semaphore_mem>>)
        %dma_wait3A = tpu.memref_slice %arg5[%add3A_32] : memref<163840xi32, #tpu.memory_space<hbm>> -> memref<1024xi32, #tpu.memory_space<hbm>>
        %dma_wait3A_47 = tpu.memref_slice %arg5[%add3A_32] : memref<163840xi32, #tpu.memory_space<hbm>> -> memref<1024xi32, #tpu.memory_space<hbm>>
        tpu.wait_dma2 semaphore(%run_scoped3A : memref<!tpu.dma_semaphore, #tpu.memory_space<semaphore_mem>>) src(%dma_wait3A_47 : memref<1024xi32, #tpu.memory_space<hbm>>) dst(%arg11 : memref<1024xi32, #tpu.memory_space<vmem>>)
        tpu.yield
      }) : () -> ()
      %scan3A_33 = arith.constant 0 : i32
      %scan3A_34 = arith.constant 64 : i32
      %scan3A_35 = arith.addi %scan3A_33, %scan3A_34 : i32
      %scan3A_36 = arith.constant 1 : i32
      scf.for %scan3A_46 = %scan3A_33 to %scan3A_35 step %scan3A_36  : i32 {
        %mul3A_47 = arith.constant 1 : i32
        %mul3A_48 = arith.muli %scan3A_46, %mul3A_47 : i32
        %add3A_49 = arith.constant 0 : i32
        %add3A_50 = arith.addi %add3A_49, %mul3A_48 : i32
        %mul3A_51 = arith.constant 16 : i32
        %mul3A_52 = arith.muli %add3A_50, %mul3A_51 : i32
        %get3A = arith.index_cast %mul3A_52 : i32 to index
        %get3A_53 = tpu.vector_load %arg10[%get3A] {strides = array<i32>} : memref<1024xi32, #tpu.memory_space<vmem>>, vector<16xi32>,
        %swap3A = arith.constant 0 : index
        %swap3A_54 = tpu.vector_load %arg17[%swap3A] {strides = array<i32>} : memref<16xi32, #tpu.memory_space<vmem>>, vector<16xi32>,
        tpu.vector_store %arg17[%swap3A], %get3A_53 {strides = array<i32>} : memref<16xi32, #tpu.memory_space<vmem>>, vector<16xi32>,
        %mul3A_55 = arith.constant 16 : i32
        %mul3A_56 = arith.muli %add3A_50, %mul3A_55 : i32
        %get3A_57 = arith.index_cast %mul3A_56 : i32 to index
        %get3A_58 = tpu.vector_load %arg11[%get3A_57] {strides = array<i32>} : memref<1024xi32, #tpu.memory_space<vmem>>, vector<16xi32>,
        %swap3A_59 = arith.constant 0 : index
        %swap3A_60 = tpu.vector_load %arg18[%swap3A_59] {strides = array<i32>} : memref<16xi32, #tpu.memory_space<vmem>>, vector<16xi32>,
        tpu.vector_store %arg18[%swap3A_59], %get3A_58 {strides = array<i32>} : memref<16xi32, #tpu.memory_space<vmem>>, vector<16xi32>,
        %dma_start3A = arith.constant 0 : i32
        %dma_start3A_61 = arith.constant 0 : i32
        %dma_start3A_62 = arith.constant 0 : i32
        %dma_start3A_63 = tpu.memref_slice %arg2[%dma_start3A, %dma_start3A_61, %dma_start3A_62] : memref<10240x8x128xf32, #tpu.memory_space<hbm>> -> memref<10240x8x128xf32, #tpu.memory_space<hbm>>
        tpu.enqueue_indirect_dma source(%dma_start3A_63 : memref<10240x8x128xf32, #tpu.memory_space<hbm>>) target(%arg13 : memref<16x8x128xf32, #tpu.memory_space<vmem>>) offsets(%arg17 : memref<16xi32, #tpu.memory_space<vmem>>) semaphore(%arg19 : memref<!tpu.dma_semaphore, #tpu.memory_space<semaphore_mem>>)
        %dma_start3A_64 = arith.constant 0 : i32
        %dma_start3A_65 = arith.constant 0 : i32
        %dma_start3A_66 = arith.constant 0 : i32
        %dma_start3A_67 = tpu.memref_slice %arg3[%dma_start3A_64, %dma_start3A_65, %dma_start3A_66] : memref<10240x8x128xf32, #tpu.memory_space<hbm>> -> memref<10240x8x128xf32, #tpu.memory_space<hbm>>
        tpu.enqueue_indirect_dma source(%dma_start3A_67 : memref<10240x8x128xf32, #tpu.memory_space<hbm>>) target(%arg14 : memref<16x8x128xf32, #tpu.memory_space<vmem>>) offsets(%arg18 : memref<16xi32, #tpu.memory_space<vmem>>) semaphore(%arg20 : memref<!tpu.dma_semaphore, #tpu.memory_space<semaphore_mem>>)
        %dma_wait3A = arith.constant 0 : i32
        %dma_wait3A_68 = arith.constant 0 : i32
        %dma_wait3A_69 = arith.constant 0 : i32
        %dma_wait3A_70 = tpu.memref_slice %arg2[%dma_wait3A, %dma_wait3A_68, %dma_wait3A_69] : memref<10240x8x128xf32, #tpu.memory_space<hbm>> -> memref<10240x8x128xf32, #tpu.memory_space<hbm>>
        tpu.wait_indirect_dma semaphore(%arg19 : memref<!tpu.dma_semaphore, #tpu.memory_space<semaphore_mem>>) src(%dma_wait3A_70 : memref<10240x8x128xf32, #tpu.memory_space<hbm>>) dst(%arg13 : memref<16x8x128xf32, #tpu.memory_space<vmem>>)
        %dma_wait3A_71 = arith.constant 0 : i32
        %dma_wait3A_72 = arith.constant 0 : i32
        %dma_wait3A_73 = arith.constant 0 : i32
        %dma_wait3A_74 = tpu.memref_slice %arg3[%dma_wait3A_71, %dma_wait3A_72, %dma_wait3A_73] : memref<10240x8x128xf32, #tpu.memory_space<hbm>> -> memref<10240x8x128xf32, #tpu.memory_space<hbm>>
        tpu.wait_indirect_dma semaphore(%arg20 : memref<!tpu.dma_semaphore, #tpu.memory_space<semaphore_mem>>) src(%dma_wait3A_74 : memref<10240x8x128xf32, #tpu.memory_space<hbm>>) dst(%arg14 : memref<16x8x128xf32, #tpu.memory_space<vmem>>)
        %scan3A_75 = arith.constant 0 : i32
        %scan3A_76 = arith.constant 128 : i32
        %scan3A_77 = arith.addi %scan3A_75, %scan3A_76 : i32
        %scan3A_78 = arith.constant 1 : i32
        %scan3A_79 = scf.for %scan3A_134 = %scan3A_75 to %scan3A_77 step %scan3A_78 iter_args(%scan3A_135 = %broadcast_in_dim3A_7) -> (vector<16xf32>)  : i32 {
          %broadcast_in_dim3A_136 = arith.constant 0 : i32
          %broadcast_in_dim3A_137 = vector.broadcast %broadcast_in_dim3A_136 : i32 to vector<16xi32>
          %broadcast_in_dim3A_138 = vector.broadcast %scan3A_134 : i32 to vector<16xi32>
          %gather3A = tpu.vector_load_idx %arg13[%iota3A, %broadcast_in_dim3A_137, %broadcast_in_dim3A_138] : memref<16x8x128xf32, #tpu.memory_space<vmem>>[vector<16xi32>, vector<16xi32>, vector<16xi32>], vector<16xf32>,
          %gather3A_139 = tpu.vector_load_idx %arg14[%iota3A, %broadcast_in_dim3A_137, %broadcast_in_dim3A_138] : memref<16x8x128xf32, #tpu.memory_space<vmem>>[vector<16xi32>, vector<16xi32>, vector<16xi32>], vector<16xf32>,
          %broadcast_in_dim3A_140 = arith.constant 0 : i32
          %broadcast_in_dim3A_141 = vector.broadcast %broadcast_in_dim3A_140 : i32 to vector<16xi32>
          %add3A_142 = arith.constant 0 : i32
          %add3A_143 = arith.addi %add3A_142, %scan3A_134 : i32
          %add3A_144 = vector.broadcast %add3A_143 : i32 to vector<16xi32>
          %add3A_145 = arith.addi %broadcast_in_dim3A_141, %add3A_144 : vector<16xi32>
          %gather3A_146 = tpu.vector_load_idx %arg15[%add3A_145] : memref<1024xf32, #tpu.memory_space<vmem>>[vector<16xi32>], vector<16xf32>,
          %add3A_147 = arith.addf %gather3A, %gather3A_139 : vector<16xf32>
          %mul3A_148 = arith.constant 2.000000e-01 : f32
          %mul3A_149 = vector.broadcast %mul3A_148 : f32 to vector<16xf32>
          %mul3A_150 = arith.mulf %mul3A_149, %add3A_147 : vector<16xf32>
          %max3A = arith.maximumf %add3A_147, %mul3A_150 : vector<16xf32>
          %mul3A_151 = arith.mulf %max3A, %gather3A_146 : vector<16xf32>
          %add3A_152 = arith.addf %scan3A_135, %mul3A_151 : vector<16xf32>
          %broadcast_in_dim3A_153 = arith.constant 4 : i32
          %broadcast_in_dim3A_154 = vector.broadcast %broadcast_in_dim3A_153 : i32 to vector<16xi32>
          %broadcast_in_dim3A_155 = vector.broadcast %scan3A_134 : i32 to vector<16xi32>
          %gather3A_156 = tpu.vector_load_idx %arg13[%iota3A, %broadcast_in_dim3A_154, %broadcast_in_dim3A_155] : memref<16x8x128xf32, #tpu.memory_space<vmem>>[vector<16xi32>, vector<16xi32>, vector<16xi32>], vector<16xf32>,
          %gather3A_157 = tpu.vector_load_idx %arg14[%iota3A, %broadcast_in_dim3A_154, %broadcast_in_dim3A_155] : memref<16x8x128xf32, #tpu.memory_space<vmem>>[vector<16xi32>, vector<16xi32>, vector<16xi32>], vector<16xf32>,
          %broadcast_in_dim3A_158 = arith.constant 0 : i32
          %broadcast_in_dim3A_159 = vector.broadcast %broadcast_in_dim3A_158 : i32 to vector<16xi32>
          %add3A_160 = arith.constant 512 : i32
          %add3A_161 = arith.addi %add3A_160, %scan3A_134 : i32
          %add3A_162 = vector.broadcast %add3A_161 : i32 to vector<16xi32>
          %add3A_163 = arith.addi %broadcast_in_dim3A_159, %add3A_162 : vector<16xi32>
          %gather3A_164 = tpu.vector_load_idx %arg15[%add3A_163] : memref<1024xf32, #tpu.memory_space<vmem>>[vector<16xi32>], vector<16xf32>,
          %add3A_165 = arith.addf %gather3A_156, %gather3A_157 : vector<16xf32>
          %mul3A_166 = arith.constant 2.000000e-01 : f32
          %mul3A_167 = vector.broadcast %mul3A_166 : f32 to vector<16xf32>
          %mul3A_168 = arith.mulf %mul3A_167, %add3A_165 : vector<16xf32>
          %max3A_169 = arith.maximumf %add3A_165, %mul3A_168 : vector<16xf32>
          %mul3A_170 = arith.mulf %max3A_169, %gather3A_164 : vector<16xf32>
          %add3A_171 = arith.addf %add3A_152, %mul3A_170 : vector<16xf32>
          scf.yield %add3A_171 : vector<16xf32>
        }
        %scan3A_80 = arith.constant 128 : i32
        %exp3A = math.exp %scan3A_79 : vector<16xf32>
        %mul3A_81 = arith.constant 16 : i32
        %mul3A_82 = arith.muli %add3A_50, %mul3A_81 : i32
        %add3A_83 = arith.constant 0 : i32
        %add3A_84 = arith.addi %add3A_83, %mul3A_82 : i32
        %swap3A_85 = arith.index_cast %add3A_84 : i32 to index
        %swap3A_86 = tpu.vector_load %arg12[%swap3A_85] {strides = array<i32>} : memref<4096xf32, #tpu.memory_space<vmem>>, vector<16xf32>,
        tpu.vector_store %arg12[%swap3A_85], %exp3A {strides = array<i32>} : memref<4096xf32, #tpu.memory_space<vmem>>, vector<16xf32>,
        %broadcast_in_dim3A_87 = arith.constant 0 : i32
        %broadcast_in_dim3A_88 = vector.broadcast %broadcast_in_dim3A_87 : i32 to vector<16xi32>
        tpu.vector_store_idx %arg16[%iota3A, %broadcast_in_dim3A_88], %exp3A : memref<16x128xf32, #tpu.memory_space<vmem>>[vector<16xi32>, vector<16xi32>], vector<16xf32>,
        %scan3A_89 = arith.constant 0 : i32
        %scan3A_90 = arith.constant 128 : i32
        %scan3A_91 = arith.addi %scan3A_89, %scan3A_90 : i32
        %scan3A_92 = arith.constant 1 : i32
        %scan3A_93 = scf.for %scan3A_134 = %scan3A_89 to %scan3A_91 step %scan3A_92 iter_args(%scan3A_135 = %broadcast_in_dim3A_7) -> (vector<16xf32>)  : i32 {
          %broadcast_in_dim3A_136 = arith.constant 1 : i32
          %broadcast_in_dim3A_137 = vector.broadcast %broadcast_in_dim3A_136 : i32 to vector<16xi32>
          %broadcast_in_dim3A_138 = vector.broadcast %scan3A_134 : i32 to vector<16xi32>
          %gather3A = tpu.vector_load_idx %arg13[%iota3A, %broadcast_in_dim3A_137, %broadcast_in_dim3A_138] : memref<16x8x128xf32, #tpu.memory_space<vmem>>[vector<16xi32>, vector<16xi32>, vector<16xi32>], vector<16xf32>,
          %gather3A_139 = tpu.vector_load_idx %arg14[%iota3A, %broadcast_in_dim3A_137, %broadcast_in_dim3A_138] : memref<16x8x128xf32, #tpu.memory_space<vmem>>[vector<16xi32>, vector<16xi32>, vector<16xi32>], vector<16xf32>,
          %broadcast_in_dim3A_140 = arith.constant 0 : i32
          %broadcast_in_dim3A_141 = vector.broadcast %broadcast_in_dim3A_140 : i32 to vector<16xi32>
          %add3A_142 = arith.constant 128 : i32
          %add3A_143 = arith.addi %add3A_142, %scan3A_134 : i32
          %add3A_144 = vector.broadcast %add3A_143 : i32 to vector<16xi32>
          %add3A_145 = arith.addi %broadcast_in_dim3A_141, %add3A_144 : vector<16xi32>
          %gather3A_146 = tpu.vector_load_idx %arg15[%add3A_145] : memref<1024xf32, #tpu.memory_space<vmem>>[vector<16xi32>], vector<16xf32>,
          %add3A_147 = arith.addf %gather3A, %gather3A_139 : vector<16xf32>
          %mul3A_148 = arith.constant 2.000000e-01 : f32
          %mul3A_149 = vector.broadcast %mul3A_148 : f32 to vector<16xf32>
          %mul3A_150 = arith.mulf %mul3A_149, %add3A_147 : vector<16xf32>
          %max3A = arith.maximumf %add3A_147, %mul3A_150 : vector<16xf32>
          %mul3A_151 = arith.mulf %max3A, %gather3A_146 : vector<16xf32>
          %add3A_152 = arith.addf %scan3A_135, %mul3A_151 : vector<16xf32>
          %broadcast_in_dim3A_153 = arith.constant 5 : i32
          %broadcast_in_dim3A_154 = vector.broadcast %broadcast_in_dim3A_153 : i32 to vector<16xi32>
          %broadcast_in_dim3A_155 = vector.broadcast %scan3A_134 : i32 to vector<16xi32>
          %gather3A_156 = tpu.vector_load_idx %arg13[%iota3A, %broadcast_in_dim3A_154, %broadcast_in_dim3A_155] : memref<16x8x128xf32, #tpu.memory_space<vmem>>[vector<16xi32>, vector<16xi32>, vector<16xi32>], vector<16xf32>,
          %gather3A_157 = tpu.vector_load_idx %arg14[%iota3A, %broadcast_in_dim3A_154, %broadcast_in_dim3A_155] : memref<16x8x128xf32, #tpu.memory_space<vmem>>[vector<16xi32>, vector<16xi32>, vector<16xi32>], vector<16xf32>,
          %broadcast_in_dim3A_158 = arith.constant 0 : i32
          %broadcast_in_dim3A_159 = vector.broadcast %broadcast_in_dim3A_158 : i32 to vector<16xi32>
          %add3A_160 = arith.constant 640 : i32
          %add3A_161 = arith.addi %add3A_160, %scan3A_134 : i32
          %add3A_162 = vector.broadcast %add3A_161 : i32 to vector<16xi32>
          %add3A_163 = arith.addi %broadcast_in_dim3A_159, %add3A_162 : vector<16xi32>
          %gather3A_164 = tpu.vector_load_idx %arg15[%add3A_163] : memref<1024xf32, #tpu.memory_space<vmem>>[vector<16xi32>], vector<16xf32>,
          %add3A_165 = arith.addf %gather3A_156, %gather3A_157 : vector<16xf32>
          %mul3A_166 = arith.constant 2.000000e-01 : f32
          %mul3A_167 = vector.broadcast %mul3A_166 : f32 to vector<16xf32>
          %mul3A_168 = arith.mulf %mul3A_167, %add3A_165 : vector<16xf32>
          %max3A_169 = arith.maximumf %add3A_165, %mul3A_168 : vector<16xf32>
          %mul3A_170 = arith.mulf %max3A_169, %gather3A_164 : vector<16xf32>
          %add3A_171 = arith.addf %add3A_152, %mul3A_170 : vector<16xf32>
          scf.yield %add3A_171 : vector<16xf32>
        }
        %scan3A_94 = arith.constant 128 : i32
        %exp3A_95 = math.exp %scan3A_93 : vector<16xf32>
        %mul3A_96 = arith.constant 16 : i32
        %mul3A_97 = arith.muli %add3A_50, %mul3A_96 : i32
        %add3A_98 = arith.constant 1024 : i32
        %add3A_99 = arith.addi %add3A_98, %mul3A_97 : i32
        %swap3A_100 = arith.index_cast %add3A_99 : i32 to index
        %swap3A_101 = tpu.vector_load %arg12[%swap3A_100] {strides = array<i32>} : memref<4096xf32, #tpu.memory_space<vmem>>, vector<16xf32>,
        tpu.vector_store %arg12[%swap3A_100], %exp3A_95 {strides = array<i32>} : memref<4096xf32, #tpu.memory_space<vmem>>, vector<16xf32>,
        %broadcast_in_dim3A_102 = arith.constant 1 : i32
        %broadcast_in_dim3A_103 = vector.broadcast %broadcast_in_dim3A_102 : i32 to vector<16xi32>
        tpu.vector_store_idx %arg16[%iota3A, %broadcast_in_dim3A_103], %exp3A_95 : memref<16x128xf32, #tpu.memory_space<vmem>>[vector<16xi32>, vector<16xi32>], vector<16xf32>,
        %scan3A_104 = arith.constant 0 : i32
        %scan3A_105 = arith.constant 128 : i32
        %scan3A_106 = arith.addi %scan3A_104, %scan3A_105 : i32
        %scan3A_107 = arith.constant 1 : i32
        %scan3A_108 = scf.for %scan3A_134 = %scan3A_104 to %scan3A_106 step %scan3A_107 iter_args(%scan3A_135 = %broadcast_in_dim3A_7) -> (vector<16xf32>)  : i32 {
          %broadcast_in_dim3A_136 = arith.constant 2 : i32
          %broadcast_in_dim3A_137 = vector.broadcast %broadcast_in_dim3A_136 : i32 to vector<16xi32>
          %broadcast_in_dim3A_138 = vector.broadcast %scan3A_134 : i32 to vector<16xi32>
          %gather3A = tpu.vector_load_idx %arg13[%iota3A, %broadcast_in_dim3A_137, %broadcast_in_dim3A_138] : memref<16x8x128xf32, #tpu.memory_space<vmem>>[vector<16xi32>, vector<16xi32>, vector<16xi32>], vector<16xf32>,
          %gather3A_139 = tpu.vector_load_idx %arg14[%iota3A, %broadcast_in_dim3A_137, %broadcast_in_dim3A_138] : memref<16x8x128xf32, #tpu.memory_space<vmem>>[vector<16xi32>, vector<16xi32>, vector<16xi32>], vector<16xf32>,
          %broadcast_in_dim3A_140 = arith.constant 0 : i32
          %broadcast_in_dim3A_141 = vector.broadcast %broadcast_in_dim3A_140 : i32 to vector<16xi32>
          %add3A_142 = arith.constant 256 : i32
          %add3A_143 = arith.addi %add3A_142, %scan3A_134 : i32
          %add3A_144 = vector.broadcast %add3A_143 : i32 to vector<16xi32>
          %add3A_145 = arith.addi %broadcast_in_dim3A_141, %add3A_144 : vector<16xi32>
          %gather3A_146 = tpu.vector_load_idx %arg15[%add3A_145] : memref<1024xf32, #tpu.memory_space<vmem>>[vector<16xi32>], vector<16xf32>,
          %add3A_147 = arith.addf %gather3A, %gather3A_139 : vector<16xf32>
          %mul3A_148 = arith.constant 2.000000e-01 : f32
          %mul3A_149 = vector.broadcast %mul3A_148 : f32 to vector<16xf32>
          %mul3A_150 = arith.mulf %mul3A_149, %add3A_147 : vector<16xf32>
          %max3A = arith.maximumf %add3A_147, %mul3A_150 : vector<16xf32>
          %mul3A_151 = arith.mulf %max3A, %gather3A_146 : vector<16xf32>
          %add3A_152 = arith.addf %scan3A_135, %mul3A_151 : vector<16xf32>
          %broadcast_in_dim3A_153 = arith.constant 6 : i32
          %broadcast_in_dim3A_154 = vector.broadcast %broadcast_in_dim3A_153 : i32 to vector<16xi32>
          %broadcast_in_dim3A_155 = vector.broadcast %scan3A_134 : i32 to vector<16xi32>
          %gather3A_156 = tpu.vector_load_idx %arg13[%iota3A, %broadcast_in_dim3A_154, %broadcast_in_dim3A_155] : memref<16x8x128xf32, #tpu.memory_space<vmem>>[vector<16xi32>, vector<16xi32>, vector<16xi32>], vector<16xf32>,
          %gather3A_157 = tpu.vector_load_idx %arg14[%iota3A, %broadcast_in_dim3A_154, %broadcast_in_dim3A_155] : memref<16x8x128xf32, #tpu.memory_space<vmem>>[vector<16xi32>, vector<16xi32>, vector<16xi32>], vector<16xf32>,
          %broadcast_in_dim3A_158 = arith.constant 0 : i32
          %broadcast_in_dim3A_159 = vector.broadcast %broadcast_in_dim3A_158 : i32 to vector<16xi32>
          %add3A_160 = arith.constant 768 : i32
          %add3A_161 = arith.addi %add3A_160, %scan3A_134 : i32
          %add3A_162 = vector.broadcast %add3A_161 : i32 to vector<16xi32>
          %add3A_163 = arith.addi %broadcast_in_dim3A_159, %add3A_162 : vector<16xi32>
          %gather3A_164 = tpu.vector_load_idx %arg15[%add3A_163] : memref<1024xf32, #tpu.memory_space<vmem>>[vector<16xi32>], vector<16xf32>,
          %add3A_165 = arith.addf %gather3A_156, %gather3A_157 : vector<16xf32>
          %mul3A_166 = arith.constant 2.000000e-01 : f32
          %mul3A_167 = vector.broadcast %mul3A_166 : f32 to vector<16xf32>
          %mul3A_168 = arith.mulf %mul3A_167, %add3A_165 : vector<16xf32>
          %max3A_169 = arith.maximumf %add3A_165, %mul3A_168 : vector<16xf32>
          %mul3A_170 = arith.mulf %max3A_169, %gather3A_164 : vector<16xf32>
          %add3A_171 = arith.addf %add3A_152, %mul3A_170 : vector<16xf32>
          scf.yield %add3A_171 : vector<16xf32>
        }
        %scan3A_109 = arith.constant 128 : i32
        %exp3A_110 = math.exp %scan3A_108 : vector<16xf32>
        %mul3A_111 = arith.constant 16 : i32
        %mul3A_112 = arith.muli %add3A_50, %mul3A_111 : i32
        %add3A_113 = arith.constant 2048 : i32
        %add3A_114 = arith.addi %add3A_113, %mul3A_112 : i32
        %swap3A_115 = arith.index_cast %add3A_114 : i32 to index
        %swap3A_116 = tpu.vector_load %arg12[%swap3A_115] {strides = array<i32>} : memref<4096xf32, #tpu.memory_space<vmem>>, vector<16xf32>,
        tpu.vector_store %arg12[%swap3A_115], %exp3A_110 {strides = array<i32>} : memref<4096xf32, #tpu.memory_space<vmem>>, vector<16xf32>,
        %broadcast_in_dim3A_117 = arith.constant 2 : i32
        %broadcast_in_dim3A_118 = vector.broadcast %broadcast_in_dim3A_117 : i32 to vector<16xi32>
        tpu.vector_store_idx %arg16[%iota3A, %broadcast_in_dim3A_118], %exp3A_110 : memref<16x128xf32, #tpu.memory_space<vmem>>[vector<16xi32>, vector<16xi32>], vector<16xf32>,
        %scan3A_119 = arith.constant 0 : i32
        %scan3A_120 = arith.constant 128 : i32
        %scan3A_121 = arith.addi %scan3A_119, %scan3A_120 : i32
        %scan3A_122 = arith.constant 1 : i32
        %scan3A_123 = scf.for %scan3A_134 = %scan3A_119 to %scan3A_121 step %scan3A_122 iter_args(%scan3A_135 = %broadcast_in_dim3A_7) -> (vector<16xf32>)  : i32 {
          %broadcast_in_dim3A_136 = arith.constant 3 : i32
          %broadcast_in_dim3A_137 = vector.broadcast %broadcast_in_dim3A_136 : i32 to vector<16xi32>
          %broadcast_in_dim3A_138 = vector.broadcast %scan3A_134 : i32 to vector<16xi32>
          %gather3A = tpu.vector_load_idx %arg13[%iota3A, %broadcast_in_dim3A_137, %broadcast_in_dim3A_138] : memref<16x8x128xf32, #tpu.memory_space<vmem>>[vector<16xi32>, vector<16xi32>, vector<16xi32>], vector<16xf32>,
          %gather3A_139 = tpu.vector_load_idx %arg14[%iota3A, %broadcast_in_dim3A_137, %broadcast_in_dim3A_138] : memref<16x8x128xf32, #tpu.memory_space<vmem>>[vector<16xi32>, vector<16xi32>, vector<16xi32>], vector<16xf32>,
          %broadcast_in_dim3A_140 = arith.constant 0 : i32
          %broadcast_in_dim3A_141 = vector.broadcast %broadcast_in_dim3A_140 : i32 to vector<16xi32>
          %add3A_142 = arith.constant 384 : i32
          %add3A_143 = arith.addi %add3A_142, %scan3A_134 : i32
          %add3A_144 = vector.broadcast %add3A_143 : i32 to vector<16xi32>
          %add3A_145 = arith.addi %broadcast_in_dim3A_141, %add3A_144 : vector<16xi32>
          %gather3A_146 = tpu.vector_load_idx %arg15[%add3A_145] : memref<1024xf32, #tpu.memory_space<vmem>>[vector<16xi32>], vector<16xf32>,
          %add3A_147 = arith.addf %gather3A, %gather3A_139 : vector<16xf32>
          %mul3A_148 = arith.constant 2.000000e-01 : f32
          %mul3A_149 = vector.broadcast %mul3A_148 : f32 to vector<16xf32>
          %mul3A_150 = arith.mulf %mul3A_149, %add3A_147 : vector<16xf32>
          %max3A = arith.maximumf %add3A_147, %mul3A_150 : vector<16xf32>
          %mul3A_151 = arith.mulf %max3A, %gather3A_146 : vector<16xf32>
          %add3A_152 = arith.addf %scan3A_135, %mul3A_151 : vector<16xf32>
          %broadcast_in_dim3A_153 = arith.constant 7 : i32
          %broadcast_in_dim3A_154 = vector.broadcast %broadcast_in_dim3A_153 : i32 to vector<16xi32>
          %broadcast_in_dim3A_155 = vector.broadcast %scan3A_134 : i32 to vector<16xi32>
          %gather3A_156 = tpu.vector_load_idx %arg13[%iota3A, %broadcast_in_dim3A_154, %broadcast_in_dim3A_155] : memref<16x8x128xf32, #tpu.memory_space<vmem>>[vector<16xi32>, vector<16xi32>, vector<16xi32>], vector<16xf32>,
          %gather3A_157 = tpu.vector_load_idx %arg14[%iota3A, %broadcast_in_dim3A_154, %broadcast_in_dim3A_155] : memref<16x8x128xf32, #tpu.memory_space<vmem>>[vector<16xi32>, vector<16xi32>, vector<16xi32>], vector<16xf32>,
          %broadcast_in_dim3A_158 = arith.constant 0 : i32
          %broadcast_in_dim3A_159 = vector.broadcast %broadcast_in_dim3A_158 : i32 to vector<16xi32>
          %add3A_160 = arith.constant 896 : i32
          %add3A_161 = arith.addi %add3A_160, %scan3A_134 : i32
          %add3A_162 = vector.broadcast %add3A_161 : i32 to vector<16xi32>
          %add3A_163 = arith.addi %broadcast_in_dim3A_159, %add3A_162 : vector<16xi32>
          %gather3A_164 = tpu.vector_load_idx %arg15[%add3A_163] : memref<1024xf32, #tpu.memory_space<vmem>>[vector<16xi32>], vector<16xf32>,
          %add3A_165 = arith.addf %gather3A_156, %gather3A_157 : vector<16xf32>
          %mul3A_166 = arith.constant 2.000000e-01 : f32
          %mul3A_167 = vector.broadcast %mul3A_166 : f32 to vector<16xf32>
          %mul3A_168 = arith.mulf %mul3A_167, %add3A_165 : vector<16xf32>
          %max3A_169 = arith.maximumf %add3A_165, %mul3A_168 : vector<16xf32>
          %mul3A_170 = arith.mulf %max3A_169, %gather3A_164 : vector<16xf32>
          %add3A_171 = arith.addf %add3A_152, %mul3A_170 : vector<16xf32>
          scf.yield %add3A_171 : vector<16xf32>
        }
        %scan3A_124 = arith.constant 128 : i32
        %exp3A_125 = math.exp %scan3A_123 : vector<16xf32>
        %mul3A_126 = arith.constant 16 : i32
        %mul3A_127 = arith.muli %add3A_50, %mul3A_126 : i32
        %add3A_128 = arith.constant 3072 : i32
        %add3A_129 = arith.addi %add3A_128, %mul3A_127 : i32
        %swap3A_130 = arith.index_cast %add3A_129 : i32 to index
        %swap3A_131 = tpu.vector_load %arg12[%swap3A_130] {strides = array<i32>} : memref<4096xf32, #tpu.memory_space<vmem>>, vector<16xf32>,
        tpu.vector_store %arg12[%swap3A_130], %exp3A_125 {strides = array<i32>} : memref<4096xf32, #tpu.memory_space<vmem>>, vector<16xf32>,
        %broadcast_in_dim3A_132 = arith.constant 3 : i32
        %broadcast_in_dim3A_133 = vector.broadcast %broadcast_in_dim3A_132 : i32 to vector<16xi32>
        tpu.vector_store_idx %arg16[%iota3A, %broadcast_in_dim3A_133], %exp3A_125 : memref<16x128xf32, #tpu.memory_space<vmem>>[vector<16xi32>, vector<16xi32>], vector<16xf32>,
        "tpu.region"() ({
          %run_scoped3A = tpu.sem_alloc : memref<!tpu.dma_semaphore, #tpu.memory_space<semaphore_mem>>
          %dma_start3A_134 = arith.constant 0 : i32
          %dma_start3A_135 = arith.constant 0 : i32
          %dma_start3A_136 = tpu.memref_slice %arg21[%dma_start3A_134, %dma_start3A_135] : memref<10240x128xf32, #tpu.memory_space<vmem_shared>> -> memref<10240x128xf32, #tpu.memory_space<vmem_shared>>
          tpu.enqueue_indirect_dma source(%arg16 : memref<16x128xf32, #tpu.memory_space<vmem>>) target(%dma_start3A_136 : memref<10240x128xf32, #tpu.memory_space<vmem_shared>>) offsets(%arg18 : memref<16xi32, #tpu.memory_space<vmem>>) semaphore(%run_scoped3A : memref<!tpu.dma_semaphore, #tpu.memory_space<semaphore_mem>>) {add = true}
          %dma_wait3A_137 = arith.constant 0 : i32
          %dma_wait3A_138 = arith.constant 0 : i32
          %dma_wait3A_139 = tpu.memref_slice %arg21[%dma_wait3A_137, %dma_wait3A_138] : memref<10240x128xf32, #tpu.memory_space<vmem_shared>> -> memref<10240x128xf32, #tpu.memory_space<vmem_shared>>
          tpu.wait_indirect_dma semaphore(%run_scoped3A : memref<!tpu.dma_semaphore, #tpu.memory_space<semaphore_mem>>) src(%arg16 : memref<16x128xf32, #tpu.memory_space<vmem>>) dst(%dma_wait3A_139 : memref<10240x128xf32, #tpu.memory_space<vmem_shared>>)
          tpu.yield
        }) : () -> ()
      }
      %scan3A_37 = arith.constant 64 : i32
      %add3A_38 = arith.constant 0 : i32
      %add3A_39 = arith.addi %add3A_38, %add3A_32 : i32
      "tpu.region"() ({
        %run_scoped3A = tpu.sem_alloc : memref<!tpu.dma_semaphore, #tpu.memory_space<semaphore_mem>>
        %dma_start3A = arith.constant 0 : i32
        %dma_start3A_46 = tpu.memref_slice %arg12[%dma_start3A] : memref<4096xf32, #tpu.memory_space<vmem>> -> memref<1024xf32, #tpu.memory_space<vmem>>
        %dma_start3A_47 = tpu.memref_slice %arg8[%add3A_39] : memref<655360xf32, #tpu.memory_space<hbm>> -> memref<1024xf32, #tpu.memory_space<hbm>>
        %dma_start3A_48 = tpu.memref_slice %arg8[%add3A_39] : memref<655360xf32, #tpu.memory_space<hbm>> -> memref<1024xf32, #tpu.memory_space<hbm>>
        %dma_start3A_49 = arith.constant 0 : i32
        %dma_start3A_50 = tpu.memref_slice %arg12[%dma_start3A_49] : memref<4096xf32, #tpu.memory_space<vmem>> -> memref<1024xf32, #tpu.memory_space<vmem>>
        tpu.enqueue_dma source(%dma_start3A_50 : memref<1024xf32, #tpu.memory_space<vmem>>) target(%dma_start3A_48 : memref<1024xf32, #tpu.memory_space<hbm>>) target_semaphore(%run_scoped3A : memref<!tpu.dma_semaphore, #tpu.memory_space<semaphore_mem>>)
        %dma_wait3A = arith.constant 0 : i32
        %dma_wait3A_51 = tpu.memref_slice %arg12[%dma_wait3A] : memref<4096xf32, #tpu.memory_space<vmem>> -> memref<1024xf32, #tpu.memory_space<vmem>>
        %dma_wait3A_52 = tpu.memref_slice %arg8[%add3A_39] : memref<655360xf32, #tpu.memory_space<hbm>> -> memref<1024xf32, #tpu.memory_space<hbm>>
        %dma_wait3A_53 = tpu.memref_slice %arg8[%add3A_39] : memref<655360xf32, #tpu.memory_space<hbm>> -> memref<1024xf32, #tpu.memory_space<hbm>>
        %dma_wait3A_54 = arith.constant 0 : i32
        %dma_wait3A_55 = tpu.memref_slice %arg12[%dma_wait3A_54] : memref<4096xf32, #tpu.memory_space<vmem>> -> memref<1024xf32, #tpu.memory_space<vmem>>
        tpu.wait_dma2 semaphore(%run_scoped3A : memref<!tpu.dma_semaphore, #tpu.memory_space<semaphore_mem>>) src(%dma_wait3A_55 : memref<1024xf32, #tpu.memory_space<vmem>>) dst(%dma_wait3A_53 : memref<1024xf32, #tpu.memory_space<hbm>>)
        tpu.yield
      }) : () -> ()
      %add3A_40 = arith.constant 163840 : i32
      %add3A_41 = arith.addi %add3A_40, %add3A_32 : i32
      "tpu.region"() ({
        %run_scoped3A = tpu.sem_alloc : memref<!tpu.dma_semaphore, #tpu.memory_space<semaphore_mem>>
        %dma_start3A = arith.constant 1024 : i32
        %dma_start3A_46 = tpu.memref_slice %arg12[%dma_start3A] : memref<4096xf32, #tpu.memory_space<vmem>> -> memref<1024xf32, #tpu.memory_space<vmem>>
        %dma_start3A_47 = tpu.memref_slice %arg8[%add3A_41] : memref<655360xf32, #tpu.memory_space<hbm>> -> memref<1024xf32, #tpu.memory_space<hbm>>
        %dma_start3A_48 = tpu.memref_slice %arg8[%add3A_41] : memref<655360xf32, #tpu.memory_space<hbm>> -> memref<1024xf32, #tpu.memory_space<hbm>>
        %dma_start3A_49 = arith.constant 1024 : i32
        %dma_start3A_50 = tpu.memref_slice %arg12[%dma_start3A_49] : memref<4096xf32, #tpu.memory_space<vmem>> -> memref<1024xf32, #tpu.memory_space<vmem>>
        tpu.enqueue_dma source(%dma_start3A_50 : memref<1024xf32, #tpu.memory_space<vmem>>) target(%dma_start3A_48 : memref<1024xf32, #tpu.memory_space<hbm>>) target_semaphore(%run_scoped3A : memref<!tpu.dma_semaphore, #tpu.memory_space<semaphore_mem>>)
        %dma_wait3A = arith.constant 1024 : i32
        %dma_wait3A_51 = tpu.memref_slice %arg12[%dma_wait3A] : memref<4096xf32, #tpu.memory_space<vmem>> -> memref<1024xf32, #tpu.memory_space<vmem>>
        %dma_wait3A_52 = tpu.memref_slice %arg8[%add3A_41] : memref<655360xf32, #tpu.memory_space<hbm>> -> memref<1024xf32, #tpu.memory_space<hbm>>
        %dma_wait3A_53 = tpu.memref_slice %arg8[%add3A_41] : memref<655360xf32, #tpu.memory_space<hbm>> -> memref<1024xf32, #tpu.memory_space<hbm>>
        %dma_wait3A_54 = arith.constant 1024 : i32
        %dma_wait3A_55 = tpu.memref_slice %arg12[%dma_wait3A_54] : memref<4096xf32, #tpu.memory_space<vmem>> -> memref<1024xf32, #tpu.memory_space<vmem>>
        tpu.wait_dma2 semaphore(%run_scoped3A : memref<!tpu.dma_semaphore, #tpu.memory_space<semaphore_mem>>) src(%dma_wait3A_55 : memref<1024xf32, #tpu.memory_space<vmem>>) dst(%dma_wait3A_53 : memref<1024xf32, #tpu.memory_space<hbm>>)
        tpu.yield
      }) : () -> ()
      %add3A_42 = arith.constant 327680 : i32
      %add3A_43 = arith.addi %add3A_42, %add3A_32 : i32
      "tpu.region"() ({
        %run_scoped3A = tpu.sem_alloc : memref<!tpu.dma_semaphore, #tpu.memory_space<semaphore_mem>>
        %dma_start3A = arith.constant 2048 : i32
        %dma_start3A_46 = tpu.memref_slice %arg12[%dma_start3A] : memref<4096xf32, #tpu.memory_space<vmem>> -> memref<1024xf32, #tpu.memory_space<vmem>>
        %dma_start3A_47 = tpu.memref_slice %arg8[%add3A_43] : memref<655360xf32, #tpu.memory_space<hbm>> -> memref<1024xf32, #tpu.memory_space<hbm>>
        %dma_start3A_48 = tpu.memref_slice %arg8[%add3A_43] : memref<655360xf32, #tpu.memory_space<hbm>> -> memref<1024xf32, #tpu.memory_space<hbm>>
        %dma_start3A_49 = arith.constant 2048 : i32
        %dma_start3A_50 = tpu.memref_slice %arg12[%dma_start3A_49] : memref<4096xf32, #tpu.memory_space<vmem>> -> memref<1024xf32, #tpu.memory_space<vmem>>
        tpu.enqueue_dma source(%dma_start3A_50 : memref<1024xf32, #tpu.memory_space<vmem>>) target(%dma_start3A_48 : memref<1024xf32, #tpu.memory_space<hbm>>) target_semaphore(%run_scoped3A : memref<!tpu.dma_semaphore, #tpu.memory_space<semaphore_mem>>)
        %dma_wait3A = arith.constant 2048 : i32
        %dma_wait3A_51 = tpu.memref_slice %arg12[%dma_wait3A] : memref<4096xf32, #tpu.memory_space<vmem>> -> memref<1024xf32, #tpu.memory_space<vmem>>
        %dma_wait3A_52 = tpu.memref_slice %arg8[%add3A_43] : memref<655360xf32, #tpu.memory_space<hbm>> -> memref<1024xf32, #tpu.memory_space<hbm>>
        %dma_wait3A_53 = tpu.memref_slice %arg8[%add3A_43] : memref<655360xf32, #tpu.memory_space<hbm>> -> memref<1024xf32, #tpu.memory_space<hbm>>
        %dma_wait3A_54 = arith.constant 2048 : i32
        %dma_wait3A_55 = tpu.memref_slice %arg12[%dma_wait3A_54] : memref<4096xf32, #tpu.memory_space<vmem>> -> memref<1024xf32, #tpu.memory_space<vmem>>
        tpu.wait_dma2 semaphore(%run_scoped3A : memref<!tpu.dma_semaphore, #tpu.memory_space<semaphore_mem>>) src(%dma_wait3A_55 : memref<1024xf32, #tpu.memory_space<vmem>>) dst(%dma_wait3A_53 : memref<1024xf32, #tpu.memory_space<hbm>>)
        tpu.yield
      }) : () -> ()
      %add3A_44 = arith.constant 491520 : i32
      %add3A_45 = arith.addi %add3A_44, %add3A_32 : i32
      "tpu.region"() ({
        %run_scoped3A = tpu.sem_alloc : memref<!tpu.dma_semaphore, #tpu.memory_space<semaphore_mem>>
        %dma_start3A = arith.constant 3072 : i32
        %dma_start3A_46 = tpu.memref_slice %arg12[%dma_start3A] : memref<4096xf32, #tpu.memory_space<vmem>> -> memref<1024xf32, #tpu.memory_space<vmem>>
        %dma_start3A_47 = tpu.memref_slice %arg8[%add3A_45] : memref<655360xf32, #tpu.memory_space<hbm>> -> memref<1024xf32, #tpu.memory_space<hbm>>
        %dma_start3A_48 = tpu.memref_slice %arg8[%add3A_45] : memref<655360xf32, #tpu.memory_space<hbm>> -> memref<1024xf32, #tpu.memory_space<hbm>>
        %dma_start3A_49 = arith.constant 3072 : i32
        %dma_start3A_50 = tpu.memref_slice %arg12[%dma_start3A_49] : memref<4096xf32, #tpu.memory_space<vmem>> -> memref<1024xf32, #tpu.memory_space<vmem>>
        tpu.enqueue_dma source(%dma_start3A_50 : memref<1024xf32, #tpu.memory_space<vmem>>) target(%dma_start3A_48 : memref<1024xf32, #tpu.memory_space<hbm>>) target_semaphore(%run_scoped3A : memref<!tpu.dma_semaphore, #tpu.memory_space<semaphore_mem>>)
        %dma_wait3A = arith.constant 3072 : i32
        %dma_wait3A_51 = tpu.memref_slice %arg12[%dma_wait3A] : memref<4096xf32, #tpu.memory_space<vmem>> -> memref<1024xf32, #tpu.memory_space<vmem>>
        %dma_wait3A_52 = tpu.memref_slice %arg8[%add3A_45] : memref<655360xf32, #tpu.memory_space<hbm>> -> memref<1024xf32, #tpu.memory_space<hbm>>
        %dma_wait3A_53 = tpu.memref_slice %arg8[%add3A_45] : memref<655360xf32, #tpu.memory_space<hbm>> -> memref<1024xf32, #tpu.memory_space<hbm>>
        %dma_wait3A_54 = arith.constant 3072 : i32
        %dma_wait3A_55 = tpu.memref_slice %arg12[%dma_wait3A_54] : memref<4096xf32, #tpu.memory_space<vmem>> -> memref<1024xf32, #tpu.memory_space<vmem>>
        tpu.wait_dma2 semaphore(%run_scoped3A : memref<!tpu.dma_semaphore, #tpu.memory_space<semaphore_mem>>) src(%dma_wait3A_55 : memref<1024xf32, #tpu.memory_space<vmem>>) dst(%dma_wait3A_53 : memref<1024xf32, #tpu.memory_space<hbm>>)
        tpu.yield
      }) : () -> ()
    }
    %scan3A_16 = arith.constant 5 : i32
    %barrier3A_17 = arith.constant 0 : index
    tpu.barrier barrier_id(%barrier3A_17)
    %mul3A_18 = arith.constant 640 : i32
    %mul3A_19 = arith.muli %arg1, %mul3A_18 : i32
    %mul3A_20 = arith.constant 10240 : i32
    %mul3A_21 = arith.muli %arg0, %mul3A_20 : i32
    %mul3A_22 = arith.constant 640 : i32
    %mul3A_23 = arith.muli %arg1, %mul3A_22 : i32
    %add3A_24 = arith.addi %mul3A_21, %mul3A_23 : i32
    "tpu.region"() ({
      %run_scoped3A = tpu.sem_alloc : memref<!tpu.dma_semaphore, #tpu.memory_space<semaphore_mem>>
      %dma_start3A = arith.constant 0 : i32
      %dma_start3A_25 = tpu.memref_slice %arg9[%add3A_24, %dma_start3A] : memref<20480x128xf32, #tpu.memory_space<hbm>> -> memref<640x128xf32, #tpu.memory_space<hbm>>
      %dma_start3A_26 = arith.constant 0 : i32
      %dma_start3A_27 = tpu.memref_slice %arg21[%mul3A_19, %dma_start3A_26] : memref<10240x128xf32, #tpu.memory_space<vmem_shared>> -> memref<640x128xf32, #tpu.memory_space<vmem_shared>>
      tpu.enqueue_dma source(%dma_start3A_27 : memref<640x128xf32, #tpu.memory_space<vmem_shared>>) target(%dma_start3A_25 : memref<640x128xf32, #tpu.memory_space<hbm>>) target_semaphore(%run_scoped3A : memref<!tpu.dma_semaphore, #tpu.memory_space<semaphore_mem>>)
      %dma_wait3A = arith.constant 0 : i32
      %dma_wait3A_28 = tpu.memref_slice %arg9[%add3A_24, %dma_wait3A] : memref<20480x128xf32, #tpu.memory_space<hbm>> -> memref<640x128xf32, #tpu.memory_space<hbm>>
      %dma_wait3A_29 = arith.constant 0 : i32
      %dma_wait3A_30 = tpu.memref_slice %arg21[%mul3A_19, %dma_wait3A_29] : memref<10240x128xf32, #tpu.memory_space<vmem_shared>> -> memref<640x128xf32, #tpu.memory_space<vmem_shared>>
      tpu.wait_dma2 semaphore(%run_scoped3A : memref<!tpu.dma_semaphore, #tpu.memory_space<semaphore_mem>>) src(%dma_wait3A_30 : memref<640x128xf32, #tpu.memory_space<vmem_shared>>) dst(%dma_wait3A_28 : memref<640x128xf32, #tpu.memory_space<hbm>>)
      tpu.yield
    }) : () -> ()
    return
  }
}

module attributes {stable_mosaic.version = 14 : i64} {
  func.func @_proj_body(%arg0: i32, %arg1: memref<512x256xf32, #tpu.memory_space<vmem>>, %arg2: memref<512x256xf32, #tpu.memory_space<vmem>>, %arg3: memref<256x1024xf32, #tpu.memory_space<vmem>>, %arg4: memref<1x1024xf32, #tpu.memory_space<vmem>>, %arg5: memref<256x1024xf32, #tpu.memory_space<vmem>>, %arg6: memref<1x1024xf32, #tpu.memory_space<vmem>>, %arg7: memref<256x256xf32, #tpu.memory_space<vmem>>, %arg8: memref<512x1024xf32, #tpu.memory_space<vmem>>, %arg9: memref<512x1024xf32, #tpu.memory_space<vmem>>, %arg10: memref<512x256xf32, #tpu.memory_space<vmem>>) attributes {dimension_semantics = [#tpu.dimension_semantics<arbitrary>], iteration_bounds = array<i64: 20>, scalar_prefetch = 0 : i64, scratch_operands = 0 : i64, tpu.core_type = #tpu.core_type<tc>, window_params = [{transform_indices = @transform_0, window_bounds = array<i64: 512, 256>}, {transform_indices = @transform_1, window_bounds = array<i64: 512, 256>}, {pipeline_mode = #tpu.pipeline_mode<synchronous>, transform_indices = @transform_2, window_bounds = array<i64: 256, 1024>}, {pipeline_mode = #tpu.pipeline_mode<synchronous>, transform_indices = @transform_3, window_bounds = array<i64: 1, 1024>}, {pipeline_mode = #tpu.pipeline_mode<synchronous>, transform_indices = @transform_4, window_bounds = array<i64: 256, 1024>}, {pipeline_mode = #tpu.pipeline_mode<synchronous>, transform_indices = @transform_5, window_bounds = array<i64: 1, 1024>}, {pipeline_mode = #tpu.pipeline_mode<synchronous>, transform_indices = @transform_6, window_bounds = array<i64: 256, 256>}, {transform_indices = @transform_7, window_bounds = array<i64: 512, 1024>}, {transform_indices = @transform_8, window_bounds = array<i64: 512, 1024>}, {transform_indices = @transform_9, window_bounds = array<i64: 512, 256>}]} {
    %get3A = arith.constant 0 : index
    %get3A_0 = arith.constant 0 : index
    %get3A_1 = vector.load %arg1[%get3A, %get3A_0] : memref<512x256xf32, #tpu.memory_space<vmem>>, vector<512x256xf32>
    %get3A_2 = arith.constant 0 : index
    %get3A_3 = arith.constant 0 : index
    %get3A_4 = vector.load %arg3[%get3A_2, %get3A_3] : memref<256x1024xf32, #tpu.memory_space<vmem>>, vector<256x1024xf32>
    %dot_general3A = arith.constant dense<0.000000e+00> : vector<512x1024xf32>
    %dot_general3A_5 = tpu.matmul %get3A_1, %get3A_4, %dot_general3A {dimension_numbers = #tpu.dot_dimension_numbers<[1], [0], [0], [1], [0, 0, 1, 1], [], []>, transpose_lhs_hint = false} : vector<512x256xf32>, vector<256x1024xf32>, vector<512x1024xf32> -> vector<512x1024xf32>
    %get3A_6 = arith.constant 0 : index
    %get3A_7 = arith.constant 0 : index
    %get3A_8 = vector.load %arg4[%get3A_6, %get3A_7] : memref<1x1024xf32, #tpu.memory_space<vmem>>, vector<1x1024xf32>
    %add3A = vector.broadcast %get3A_8 : vector<1x1024xf32> to vector<512x1024xf32>
    %add3A_9 = arith.addf %dot_general3A_5, %add3A : vector<512x1024xf32>
    %swap3A = arith.constant 0 : index
    %swap3A_10 = arith.constant 0 : index
    %swap3A_11 = vector.load %arg8[%swap3A, %swap3A_10] : memref<512x1024xf32, #tpu.memory_space<vmem>>, vector<512x1024xf32>
    tpu.vector_store %arg8[%swap3A, %swap3A_10], %add3A_9 {strides = array<i32>} : memref<512x1024xf32, #tpu.memory_space<vmem>>, vector<512x1024xf32>,
    %get3A_12 = arith.constant 0 : index
    %get3A_13 = arith.constant 0 : index
    %get3A_14 = vector.load %arg2[%get3A_12, %get3A_13] : memref<512x256xf32, #tpu.memory_space<vmem>>, vector<512x256xf32>
    %get3A_15 = arith.constant 0 : index
    %get3A_16 = arith.constant 0 : index
    %get3A_17 = vector.load %arg5[%get3A_15, %get3A_16] : memref<256x1024xf32, #tpu.memory_space<vmem>>, vector<256x1024xf32>
    %dot_general3A_18 = arith.constant dense<0.000000e+00> : vector<512x1024xf32>
    %dot_general3A_19 = tpu.matmul %get3A_14, %get3A_17, %dot_general3A_18 {dimension_numbers = #tpu.dot_dimension_numbers<[1], [0], [0], [1], [0, 0, 1, 1], [], []>, transpose_lhs_hint = false} : vector<512x256xf32>, vector<256x1024xf32>, vector<512x1024xf32> -> vector<512x1024xf32>
    %get3A_20 = arith.constant 0 : index
    %get3A_21 = arith.constant 0 : index
    %get3A_22 = vector.load %arg6[%get3A_20, %get3A_21] : memref<1x1024xf32, #tpu.memory_space<vmem>>, vector<1x1024xf32>
    %add3A_23 = vector.broadcast %get3A_22 : vector<1x1024xf32> to vector<512x1024xf32>
    %add3A_24 = arith.addf %dot_general3A_19, %add3A_23 : vector<512x1024xf32>
    %swap3A_25 = arith.constant 0 : index
    %swap3A_26 = arith.constant 0 : index
    %swap3A_27 = vector.load %arg9[%swap3A_25, %swap3A_26] : memref<512x1024xf32, #tpu.memory_space<vmem>>, vector<512x1024xf32>
    tpu.vector_store %arg9[%swap3A_25, %swap3A_26], %add3A_24 {strides = array<i32>} : memref<512x1024xf32, #tpu.memory_space<vmem>>, vector<512x1024xf32>,
    %get3A_28 = arith.constant 0 : index
    %get3A_29 = arith.constant 0 : index
    %get3A_30 = vector.load %arg2[%get3A_28, %get3A_29] : memref<512x256xf32, #tpu.memory_space<vmem>>, vector<512x256xf32>
    %get3A_31 = arith.constant 0 : index
    %get3A_32 = arith.constant 0 : index
    %get3A_33 = vector.load %arg7[%get3A_31, %get3A_32] : memref<256x256xf32, #tpu.memory_space<vmem>>, vector<256x256xf32>
    %dot_general3A_34 = arith.constant dense<0.000000e+00> : vector<512x256xf32>
    %dot_general3A_35 = tpu.matmul %get3A_30, %get3A_33, %dot_general3A_34 {dimension_numbers = #tpu.dot_dimension_numbers<[1], [0], [0], [1], [0, 0, 1, 1], [], []>, transpose_lhs_hint = false} : vector<512x256xf32>, vector<256x256xf32>, vector<512x256xf32> -> vector<512x256xf32>
    %swap3A_36 = arith.constant 0 : index
    %swap3A_37 = arith.constant 0 : index
    %swap3A_38 = vector.load %arg10[%swap3A_36, %swap3A_37] : memref<512x256xf32, #tpu.memory_space<vmem>>, vector<512x256xf32>
    tpu.vector_store %arg10[%swap3A_36, %swap3A_37], %dot_general3A_35 {strides = array<i32>} : memref<512x256xf32, #tpu.memory_space<vmem>>, vector<512x256xf32>,
    return
  }
  func.func @transform_0(%arg0: i32) -> (i32, i32) {
    %c0_i32 = arith.constant 0 : i32
    %c0_i32_0 = arith.constant 0 : i32
    return %arg0, %c0_i32 : i32, i32
  }
  func.func @transform_1(%arg0: i32) -> (i32, i32) {
    %c0_i32 = arith.constant 0 : i32
    %c0_i32_0 = arith.constant 0 : i32
    return %arg0, %c0_i32 : i32, i32
  }
  func.func @transform_2(%arg0: i32) -> (i32, i32) {
    %c0_i32 = arith.constant 0 : i32
    %c0_i32_0 = arith.constant 0 : i32
    %c0_i32_1 = arith.constant 0 : i32
    return %c0_i32, %c0_i32_0 : i32, i32
  }
  func.func @transform_3(%arg0: i32) -> (i32, i32) {
    %c0_i32 = arith.constant 0 : i32
    %c0_i32_0 = arith.constant 0 : i32
    %c0_i32_1 = arith.constant 0 : i32
    return %c0_i32, %c0_i32_0 : i32, i32
  }
  func.func @transform_4(%arg0: i32) -> (i32, i32) {
    %c0_i32 = arith.constant 0 : i32
    %c0_i32_0 = arith.constant 0 : i32
    %c0_i32_1 = arith.constant 0 : i32
    return %c0_i32, %c0_i32_0 : i32, i32
  }
  func.func @transform_5(%arg0: i32) -> (i32, i32) {
    %c0_i32 = arith.constant 0 : i32
    %c0_i32_0 = arith.constant 0 : i32
    %c0_i32_1 = arith.constant 0 : i32
    return %c0_i32, %c0_i32_0 : i32, i32
  }
  func.func @transform_6(%arg0: i32) -> (i32, i32) {
    %c0_i32 = arith.constant 0 : i32
    %c0_i32_0 = arith.constant 0 : i32
    %c0_i32_1 = arith.constant 0 : i32
    return %c0_i32, %c0_i32_0 : i32, i32
  }
  func.func @transform_7(%arg0: i32) -> (i32, i32) {
    %c0_i32 = arith.constant 0 : i32
    %c0_i32_0 = arith.constant 0 : i32
    return %arg0, %c0_i32 : i32, i32
  }
  func.func @transform_8(%arg0: i32) -> (i32, i32) {
    %c0_i32 = arith.constant 0 : i32
    %c0_i32_0 = arith.constant 0 : i32
    return %arg0, %c0_i32 : i32, i32
  }
  func.func @transform_9(%arg0: i32) -> (i32, i32) {
    %c0_i32 = arith.constant 0 : i32
    %c0_i32_0 = arith.constant 0 : i32
    return %arg0, %c0_i32 : i32, i32
  }
}

module attributes {stable_mosaic.version = 14 : i64} {
  func.func @_inv_body(%arg0: memref<2x10240x128xf32, #tpu.memory_space<vmem>>, %arg1: memref<10240x128xf32, #tpu.memory_space<vmem>>) attributes {dimension_semantics = [], scalar_prefetch = 0 : i64, scratch_operands = 0 : i64, tpu.core_type = #tpu.core_type<tc>} {
    %get3A = arith.constant 0 : index
    %get3A_0 = arith.constant 0 : index
    %get3A_1 = arith.constant 0 : index
    %get3A_2 = vector.load %arg0[%get3A, %get3A_0, %get3A_1] : memref<2x10240x128xf32, #tpu.memory_space<vmem>>, vector<1x10240x128xf32>
    %get3A_3 = vector.shape_cast %get3A_2 : vector<1x10240x128xf32> to vector<10240x128xf32>
    %get3A_4 = arith.constant 1 : index
    %get3A_5 = arith.constant 0 : index
    %get3A_6 = arith.constant 0 : index
    %get3A_7 = vector.load %arg0[%get3A_4, %get3A_5, %get3A_6] : memref<2x10240x128xf32, #tpu.memory_space<vmem>>, vector<1x10240x128xf32>
    %get3A_8 = vector.shape_cast %get3A_7 : vector<1x10240x128xf32> to vector<10240x128xf32>
    %add3A = arith.addf %get3A_3, %get3A_8 : vector<10240x128xf32>
    %add3A_9 = arith.constant 1.000000e-16 : f32
    %add3A_10 = vector.broadcast %add3A_9 : f32 to vector<10240x128xf32>
    %add3A_11 = arith.addf %add3A, %add3A_10 : vector<10240x128xf32>
    %div3A = arith.constant 1.000000e+00 : f32
    %div3A_12 = vector.broadcast %div3A : f32 to vector<10240x128xf32>
    %div3A_13 = arith.divf %div3A_12, %add3A_11 : vector<10240x128xf32>
    %swap3A = arith.constant 0 : index
    %swap3A_14 = arith.constant 0 : index
    %swap3A_15 = vector.load %arg1[%swap3A, %swap3A_14] : memref<10240x128xf32, #tpu.memory_space<vmem>>, vector<10240x128xf32>
    tpu.vector_store %arg1[%swap3A, %swap3A_14], %div3A_13 {strides = array<i32>} : memref<10240x128xf32, #tpu.memory_space<vmem>>, vector<10240x128xf32>,
    return
  }
}

module attributes {stable_mosaic.version = 14 : i64} {
  func.func @_post_body(%arg0: i32, %arg1: memref<2x512x128xf32, #tpu.memory_space<vmem>>, %arg2: memref<512x256xf32, #tpu.memory_space<vmem>>, %arg3: memref<1x256xf32, #tpu.memory_space<vmem>>, %arg4: memref<1x256xf32, #tpu.memory_space<vmem>>, %arg5: memref<1x256xf32, #tpu.memory_space<vmem>>, %arg6: memref<256x256xf32, #tpu.memory_space<vmem>>, %arg7: memref<1x256xf32, #tpu.memory_space<vmem>>, %arg8: memref<512x256xf32, #tpu.memory_space<vmem>>) attributes {dimension_semantics = [#tpu.dimension_semantics<arbitrary>], iteration_bounds = array<i64: 20>, scalar_prefetch = 0 : i64, scratch_operands = 0 : i64, tpu.core_type = #tpu.core_type<tc>, window_params = [{transform_indices = @transform_0, window_bounds = array<i64: 2, 512, 128>}, {transform_indices = @transform_1, window_bounds = array<i64: 512, 256>}, {pipeline_mode = #tpu.pipeline_mode<synchronous>, transform_indices = @transform_2, window_bounds = array<i64: 1, 256>}, {pipeline_mode = #tpu.pipeline_mode<synchronous>, transform_indices = @transform_3, window_bounds = array<i64: 1, 256>}, {pipeline_mode = #tpu.pipeline_mode<synchronous>, transform_indices = @transform_4, window_bounds = array<i64: 1, 256>}, {pipeline_mode = #tpu.pipeline_mode<synchronous>, transform_indices = @transform_5, window_bounds = array<i64: 256, 256>}, {pipeline_mode = #tpu.pipeline_mode<synchronous>, transform_indices = @transform_6, window_bounds = array<i64: 1, 256>}, {transform_indices = @transform_7, window_bounds = array<i64: 512, 256>}]} {
    %get3A = arith.constant 0 : index
    %get3A_0 = arith.constant 0 : index
    %get3A_1 = arith.constant 0 : index
    %get3A_2 = vector.load %arg1[%get3A, %get3A_0, %get3A_1] : memref<2x512x128xf32, #tpu.memory_space<vmem>>, vector<1x512x128xf32>
    %get3A_3 = vector.shape_cast %get3A_2 : vector<1x512x128xf32> to vector<512x128xf32>
    %get3A_4 = arith.constant 1 : index
    %get3A_5 = arith.constant 0 : index
    %get3A_6 = arith.constant 0 : index
    %get3A_7 = vector.load %arg1[%get3A_4, %get3A_5, %get3A_6] : memref<2x512x128xf32, #tpu.memory_space<vmem>>, vector<1x512x128xf32>
    %get3A_8 = vector.shape_cast %get3A_7 : vector<1x512x128xf32> to vector<512x128xf32>
    %concatenate3A = tpu.concatenate %get3A_3, %get3A_8 in 1 : vector<512x128xf32>, vector<512x128xf32> -> vector<512x256xf32>
    %get3A_9 = arith.constant 0 : index
    %get3A_10 = arith.constant 0 : index
    %get3A_11 = vector.load %arg2[%get3A_9, %get3A_10] : memref<512x256xf32, #tpu.memory_space<vmem>>, vector<512x256xf32>
    %add3A = arith.addf %concatenate3A, %get3A_11 : vector<512x256xf32>
    %get3A_12 = arith.constant 0 : index
    %get3A_13 = arith.constant 0 : index
    %get3A_14 = vector.load %arg3[%get3A_12, %get3A_13] : memref<1x256xf32, #tpu.memory_space<vmem>>, vector<1x256xf32>
    %add3A_15 = vector.broadcast %get3A_14 : vector<1x256xf32> to vector<512x256xf32>
    %add3A_16 = arith.addf %add3A, %add3A_15 : vector<512x256xf32>
    %reduce_sum3A = arith.constant dense<0.000000e+00> : vector<512xf32>
    %reduce_sum3A_17 = vector.multi_reduction <add>, %add3A_16, %reduce_sum3A [1] : vector<512x256xf32> to vector<512xf32>
    %broadcast_in_dim3A = vector.shape_cast %reduce_sum3A_17 : vector<512xf32> to vector<512x1xf32>
    %div3A = arith.constant 2.560000e+02 : f32
    %div3A_18 = vector.broadcast %div3A : f32 to vector<512x1xf32>
    %div3A_19 = arith.divf %broadcast_in_dim3A, %div3A_18 : vector<512x1xf32>
    %sub3A = vector.broadcast %div3A_19 : vector<512x1xf32> to vector<512x256xf32>
    %sub3A_20 = arith.subf %add3A_16, %sub3A : vector<512x256xf32>
    %integer_pow3A = arith.mulf %sub3A_20, %sub3A_20 : vector<512x256xf32>
    %reduce_sum3A_21 = arith.constant dense<0.000000e+00> : vector<512xf32>
    %reduce_sum3A_22 = vector.multi_reduction <add>, %integer_pow3A, %reduce_sum3A_21 [1] : vector<512x256xf32> to vector<512xf32>
    %broadcast_in_dim3A_23 = vector.shape_cast %reduce_sum3A_22 : vector<512xf32> to vector<512x1xf32>
    %div3A_24 = arith.constant 2.560000e+02 : f32
    %div3A_25 = vector.broadcast %div3A_24 : f32 to vector<512x1xf32>
    %div3A_26 = arith.divf %broadcast_in_dim3A_23, %div3A_25 : vector<512x1xf32>
    %sub3A_27 = vector.broadcast %div3A_19 : vector<512x1xf32> to vector<512x256xf32>
    %sub3A_28 = arith.subf %add3A_16, %sub3A_27 : vector<512x256xf32>
    %add3A_29 = arith.constant 9.99999974E-6 : f32
    %add3A_30 = vector.broadcast %add3A_29 : f32 to vector<512x1xf32>
    %add3A_31 = arith.addf %div3A_26, %add3A_30 : vector<512x1xf32>
    %rsqrt3A = math.rsqrt %add3A_31 : vector<512x1xf32>
    %mul3A = vector.broadcast %rsqrt3A : vector<512x1xf32> to vector<512x256xf32>
    %mul3A_32 = arith.mulf %sub3A_28, %mul3A : vector<512x256xf32>
    %get3A_33 = arith.constant 0 : index
    %get3A_34 = arith.constant 0 : index
    %get3A_35 = vector.load %arg4[%get3A_33, %get3A_34] : memref<1x256xf32, #tpu.memory_space<vmem>>, vector<1x256xf32>
    %mul3A_36 = vector.broadcast %get3A_35 : vector<1x256xf32> to vector<512x256xf32>
    %mul3A_37 = arith.mulf %mul3A_32, %mul3A_36 : vector<512x256xf32>
    %get3A_38 = arith.constant 0 : index
    %get3A_39 = arith.constant 0 : index
    %get3A_40 = vector.load %arg5[%get3A_38, %get3A_39] : memref<1x256xf32, #tpu.memory_space<vmem>>, vector<1x256xf32>
    %add3A_41 = vector.broadcast %get3A_40 : vector<1x256xf32> to vector<512x256xf32>
    %add3A_42 = arith.addf %mul3A_37, %add3A_41 : vector<512x256xf32>
    %ge3A = arith.constant 0.000000e+00 : f32
    %ge3A_43 = vector.broadcast %ge3A : f32 to vector<512x256xf32>
    %ge3A_44 = arith.cmpf oge, %add3A_42, %ge3A_43 : vector<512x256xf32>
    %mul3A_45 = arith.constant 0.00999999977 : f32
    %mul3A_46 = vector.broadcast %mul3A_45 : f32 to vector<512x256xf32>
    %mul3A_47 = arith.mulf %mul3A_46, %add3A_42 : vector<512x256xf32>
    %select_n3A = arith.select %ge3A_44, %add3A_42, %mul3A_47 : vector<512x256xi1>, vector<512x256xf32>
    %get3A_48 = arith.constant 0 : index
    %get3A_49 = arith.constant 0 : index
    %get3A_50 = vector.load %arg6[%get3A_48, %get3A_49] : memref<256x256xf32, #tpu.memory_space<vmem>>, vector<256x256xf32>
    %dot_general3A = arith.constant dense<0.000000e+00> : vector<512x256xf32>
    %dot_general3A_51 = tpu.matmul %select_n3A, %get3A_50, %dot_general3A {dimension_numbers = #tpu.dot_dimension_numbers<[1], [0], [0], [1], [0, 0, 1, 1], [], []>, transpose_lhs_hint = false} : vector<512x256xf32>, vector<256x256xf32>, vector<512x256xf32> -> vector<512x256xf32>
    %get3A_52 = arith.constant 0 : index
    %get3A_53 = arith.constant 0 : index
    %get3A_54 = vector.load %arg7[%get3A_52, %get3A_53] : memref<1x256xf32, #tpu.memory_space<vmem>>, vector<1x256xf32>
    %add3A_55 = vector.broadcast %get3A_54 : vector<1x256xf32> to vector<512x256xf32>
    %add3A_56 = arith.addf %dot_general3A_51, %add3A_55 : vector<512x256xf32>
    %swap3A = arith.constant 0 : index
    %swap3A_57 = arith.constant 0 : index
    %swap3A_58 = vector.load %arg8[%swap3A, %swap3A_57] : memref<512x256xf32, #tpu.memory_space<vmem>>, vector<512x256xf32>
    tpu.vector_store %arg8[%swap3A, %swap3A_57], %add3A_56 {strides = array<i32>} : memref<512x256xf32, #tpu.memory_space<vmem>>, vector<512x256xf32>,
    return
  }
  func.func @transform_0(%arg0: i32) -> (i32, i32, i32) {
    %c0_i32 = arith.constant 0 : i32
    %c0_i32_0 = arith.constant 0 : i32
    %c0_i32_1 = arith.constant 0 : i32
    return %c0_i32, %arg0, %c0_i32_0 : i32, i32, i32
  }
  func.func @transform_1(%arg0: i32) -> (i32, i32) {
    %c0_i32 = arith.constant 0 : i32
    %c0_i32_0 = arith.constant 0 : i32
    return %arg0, %c0_i32 : i32, i32
  }
  func.func @transform_2(%arg0: i32) -> (i32, i32) {
    %c0_i32 = arith.constant 0 : i32
    %c0_i32_0 = arith.constant 0 : i32
    %c0_i32_1 = arith.constant 0 : i32
    return %c0_i32, %c0_i32_0 : i32, i32
  }
  func.func @transform_3(%arg0: i32) -> (i32, i32) {
    %c0_i32 = arith.constant 0 : i32
    %c0_i32_0 = arith.constant 0 : i32
    %c0_i32_1 = arith.constant 0 : i32
    return %c0_i32, %c0_i32_0 : i32, i32
  }
  func.func @transform_4(%arg0: i32) -> (i32, i32) {
    %c0_i32 = arith.constant 0 : i32
    %c0_i32_0 = arith.constant 0 : i32
    %c0_i32_1 = arith.constant 0 : i32
    return %c0_i32, %c0_i32_0 : i32, i32
  }
  func.func @transform_5(%arg0: i32) -> (i32, i32) {
    %c0_i32 = arith.constant 0 : i32
    %c0_i32_0 = arith.constant 0 : i32
    %c0_i32_1 = arith.constant 0 : i32
    return %c0_i32, %c0_i32_0 : i32, i32
  }
  func.func @transform_6(%arg0: i32) -> (i32, i32) {
    %c0_i32 = arith.constant 0 : i32
    %c0_i32_0 = arith.constant 0 : i32
    %c0_i32_1 = arith.constant 0 : i32
    return %c0_i32, %c0_i32_0 : i32, i32
  }
  func.func @transform_7(%arg0: i32) -> (i32, i32) {
    %c0_i32 = arith.constant 0 : i32
    %c0_i32_0 = arith.constant 0 : i32
    return %arg0, %c0_i32 : i32, i32
  }
}

</mosaic_0001>

<sc_bundles>
// kernel: kernel.10.cloned.1.call-start
scs
__scs_entry_jumppad:
0x0: {  	(pc) =	sbr.rel $0x88, $3  }
0x1: {  	(tag) =	ssettag $0x0;
	lr =	simm.s32 $0x1  }
0x2: {  	[smem:$0x3F93] =	sst lr;
	_ =	strace $0xD0000000  }
0x3: {  	_ = 	snop  }
0x4: {  	_ = 	snop  }
0x5: {  	_ = 	snop  }
0x6: {  	_ = 	snop  }
0x7: {  	_ = 	snop  }
__scs_overlays_trampoline_lowered:
0x8: {  	[smem:$0x3FA2] =	sst s0  }
0x9: {  	[smem:$0x3FA3] =	sst s1  }
0xa: {  	[smem:$0x3FA4] =	sst s2  }
0xb: {  	[smem:$0x3FA5] =	sst s3  }
0xc: {  	[smem:$0x3FA6] =	sst s4  }
0xd: {  	[smem:$0x3FA7] =	sst s5  }
0xe: {  	[smem:$0x3FA8] =	sst s6  }
0xf: {  	[smem:$0x3FA9] =	sst s7  }
0x10: {  	[smem:$0x3FAA] =	sst s8  }
0x11: {  	[smem:$0x3FAB] =	sst s9;
	s0 =	simm.s32 @!p0 $0x0  }
0x12: {  	s1 =	sld [smem:$0x3F91];
	s0 =	simm.s32 @p0 $0x1  }
0x13: {  	[smem:$0x3FAC] =	sst s0;
	s0 =	simm.s32 @!p1 $0x0  }
0x14: {  	s2 =	sld [smem:$0x3F90];
	s0 =	simm.s32 @p1 $0x1  }
0x15: {  	[smem:$0x3FAD] =	sst s0;
	s0 =	simm.s32 @!p2 $0x0  }
0x16: {  	s3 =	sld [smem:$0x3FDB];
	s0 =	simm.s32 @p2 $0x1  }
0x17: {  	s4 =	simm.s32 $0x1BF5;
	[smem:$0x3FAF] =	sst s0  }
0x18: {  	s0 =	sld [smem:$0x3F92];
	_ =	swait.ge [sflag:s4], $0x0  }
0x19: {  	s7 =	sld [smem:$0x3F93]  }
0x1a: {  	s8 =	sadd.s32 $0xFFFFE003, lr  }
0x1b: {  	s9 =	sadd.s32 $0xFFFFFEF7, lr;
	s5 =	simm.s32 $0xFFFFFFFF;
	p2 =	slt.u32 s8, $0xFFFFF086  }
0x1c: {  	p1 =	slt.u32 s9, $0xF7A;
	s5 =	simm.s32 @!p2 $0x0  }
0x1d: {  	s5 =	simm.s32 @p1 $0x1;
	p0 =	seq.s32 s7, s2  }
0x1e: {  	s7 =	smul.u32 @!p0 $0xF7A, s2;
	p2 =	seq.s32 @!p0 s5, $0x0  }
0x1f: {  	s9 =	smul.u32 $0xF7A, s1;
	s8 =	simm.s32 @!p0 $0x1BF5;
	p2 =	por !p2, p0  }
0x20: {  	[sflag:s8] =	ssyncset.s32 @!p0 $0xFFFFF086;
	s6 =	sadd.s32 @!p0 s3, s7;
	s7 =	simm.s32 @!p0 $0x108  }
0x21: {  	s3 =	sadd.s32 s3, s9;
	s6 =	sadd.s32 @!p0 $0x88, s6;
	s7 =	simm.s32 @p2 $0x1082  }
0x22: {  	[simem:s7], [sflag:s8] =	dma.local @!p0 [hbm:s6], $0xF7A  }
0x23: {  	s9 =	sor.u32 $0xD0000000, s2;
	s6 =	simm.s32 $0x108;
	_ =	swait.ge @!p0 [sflag:s8], $0x0  }
0x24: {  	s3 =	sadd.s32 $0x88, s3;
	s6 =	simm.s32 @!p1 $0x1082;
	[sflag:s4] =	ssyncset.s32 $0xFFFFF086  }
0x25: {  	[simem:s6], [sflag:s4] =	dma.local [hbm:s3], $0xF7A  }
0x26: {  	[smem:$0x3F93] =	sst s1;
	(tag) =	ssettag s2;
	_ =	strace s9  }
0x27: {  	s1 =	sld [smem:$0x3FA3]  }
0x28: {  	s2 =	sld [smem:$0x3FA4]  }
0x29: {  	s4 =	sld [smem:$0x3FA6]  }
0x2a: {  	p0 =	seq.s32 s5, $0x0;
	s5 =	sld [smem:$0x3FA7]  }
0x2b: {  	s6 =	sld [smem:$0x3FA8]  }
0x2c: {  	s7 =	sld [smem:$0x3FA9]  }
0x2d: {  	s3 =	simm.s32 $0x108;
	s8 =	sld [smem:$0x3FAA]  }
0x2e: {  	s3 =	simm.s32 @!p0 $0x1082;
	s9 =	sld [smem:$0x3FAB]  }
0x2f: {  	lr =	sadd.s32 s0, s3;
	s0 =	sld [smem:$0x3FA2]  }
0x30: {  	s3 =	sld [smem:$0x3FA5]  }
0x31: {  	[smem:$0x3FAE] =	sst s10  }
0x32: {  	s10 =	sld [smem:$0x3FAC];
	_ =	sdelay $0x3  }
0x33: {  	p0 =	seq.s32 s10, $0x1;
	s10 =	sld [smem:$0x3FAE];
	_ =	sdelay $0x3  }
0x34: {  	[smem:$0x3FAE] =	sst s10  }
0x35: {  	s10 =	sld [smem:$0x3FAD];
	_ =	sdelay $0x3  }
0x36: {  	p1 =	seq.s32 s10, $0x1;
	s10 =	sld [smem:$0x3FAE];
	_ =	sdelay $0x3  }
0x37: {  	[smem:$0x3FAE] =	sst s10  }
0x38: {  	s10 =	sld [smem:$0x3FAF]  }
0x39: {  	_ = 	snop;
	(pc) =	sbr.ind lr, $3  }
0x3a: {  	_ = 	snop  }
0x3b: {  	_ = 	snop  }
0x3c: {  	p2 =	seq.s32 s10, $0x1;
	s10 =	sld [smem:$0x3FAE]  }
0x3d: {  	_ =	shalt  }
0x3e: {  	_ =	shalt  }
0x3f: {  	_ =	shalt  }
0x40: {  	_ =	shalt  }
0x41: {  	_ =	shalt  }
0x42: {  	_ =	shalt  }
0x43: {  	_ =	shalt  }
0x44: {  	_ =	shalt  }
0x45: {  	_ =	shalt  }
0x46: {  	_ =	shalt  }
0x47: {  	_ =	shalt  }
0x48: {  	_ =	shalt  }
0x49: {  	_ =	shalt  }
0x4a: {  	_ =	shalt  }
0x4b: {  	_ =	shalt  }
0x4c: {  	_ =	shalt  }
0x4d: {  	_ =	shalt  }
0x4e: {  	_ =	shalt  }
0x4f: {  	_ =	shalt  }
0x50: {  	_ =	shalt  }
0x51: {  	_ =	shalt  }
0x52: {  	_ =	shalt  }
0x53: {  	_ =	shalt  }
0x54: {  	_ =	shalt  }
0x55: {  	_ =	shalt  }
0x56: {  	_ =	shalt  }
0x57: {  	_ =	shalt  }
0x58: {  	_ =	shalt  }
0x59: {  	_ =	shalt  }
0x5a: {  	_ =	shalt  }
0x5b: {  	_ =	shalt  }
0x5c: {  	_ =	shalt  }
0x5d: {  	_ =	shalt  }
0x5e: {  	_ =	shalt  }
0x5f: {  	_ =	shalt  }
0x60: {  	_ =	shalt  }
0x61: {  	_ =	shalt  }
0x62: {  	_ =	shalt  }
0x63: {  	_ =	shalt  }
0x64: {  	_ =	shalt  }
0x65: {  	_ =	shalt  }
0x66: {  	_ =	shalt  }
0x67: {  	_ =	shalt  }
0x68: {  	_ =	shalt  }
0x69: {  	_ =	shalt  }
0x6a: {  	_ =	shalt  }
0x6b: {  	_ =	shalt  }
0x6c: {  	_ =	shalt  }
0x6d: {  	_ =	shalt  }
0x6e: {  	_ =	shalt  }
0x6f: {  	_ =	shalt  }
0x70: {  	_ =	shalt  }
0x71: {  	_ =	shalt  }
0x72: {  	_ =	shalt  }
0x73: {  	_ =	shalt  }
0x74: {  	_ =	shalt  }
0x75: {  	_ =	shalt  }
0x76: {  	_ =	shalt  }
0x77: {  	_ =	shalt  }
0x78: {  	_ =	shalt  }
0x79: {  	_ =	shalt  }
0x7a: {  	_ =	shalt  }
0x7b: {  	_ =	shalt  }
0x7c: {  	_ =	shalt  }
0x7d: {  	_ =	shalt  }
0x7e: {  	_ =	shalt  }
0x7f: {  	_ =	shalt  }
0x80: {  	_ =	shalt  }
0x81: {  	_ =	shalt  }
0x82: {  	_ =	shalt  }
0x83: {  	_ =	shalt  }
0x84: {  	_ =	shalt  }
0x85: {  	_ =	shalt  }
0x86: {  	_ =	shalt  }
0x87: {  	_ =	shalt  }
.Lfunc_end0:
.L_simem_size_0:
called_computation.3_lowered:
.L_overlay_start_0:
0x88: {  	s2 =	sld [smem:$0x3FD9]  }
0x89: {  	s3 =	sld [smem:$0x3FFE];
	_ =	sdelay $0x1  }
0x8a: {  	s1 =	srdreg.scid  }
0x8b: {  	s0 =	sand.u32 $0x1, s1  }
0x8c: {  	s17 =	sshll.u32 s0, $0xA;
	s2 =	sadd.s32 s3, s2  }
0x8d: {  	s2 =	sadd.s32 s2, s17  }
0x8e: {  	[smem:$0x3FBA] =	sst s2  }
0x8f: {  	_ = 	snop  }
0x90: {  	s2 =	sld [smem:$0x3FD0];
	(tm) =	ssettm $0x1  }
0x91: {  	s18 =	sld [smem:$0x3FFB];
	_ =	sdelay $0x3  }
0x92: {  	_ =	strace s18  }
0x93: {  	s3 =	sld [smem:$0x3FFC];
	_ =	sdelay $0x3  }
0x94: {  	_ =	strace s3  }
0x95: {  	s3 =	sld [smem:$0x3FFD];
	_ =	sdelay $0x3  }
0x96: {  	_ =	strace s3  }
0x97: {  	_ =	strace $0x8FFFFFFF  }
0x98: {  	s19 =	sld [smem:$0x3FDB];
	_ =	sdelay $0x1  }
0x99: {  	s4 =	simm.s32 $_scs_section_size  }
0x9a: {  	s5 =	simm.s32 $_size__tile_overlayer_lowered;
	s6 =	simm.s32 $_tile_overlayer_lowered  }
0x9b: {  	s22 =	simm.s32 $0x1BFF;
	s21 =	sshll.u32 s6, $0x1;
	s3 =	sadd.s32 s4, s19  }
0x9c: {  	s7 =	simm.s32 $0x0;
	s20 =	sshll.u32 s5, $0x1;
	s5 =	sadd.s32 s21, s3  }
0x9d: {  	[timem:s7], [sflag:s22] =	dma.local [hbm:s5], s20  }
0x9e: {  	_ =	swait.ge [sflag:s22], s20  }
0x9f: {  	s4 =	ssub.s32 $0x0, s20;
	[sflag:s22] =	ssyncset.done $0x0  }
0xa0: {  	[sflag:s22] =	ssyncadd.s32 s4;
	_ =	sdelay $0x1  }
0xa1: {  	s23 =	simm.s32 $0x1B8B  }
0xa2: {  	_ =	swait.ge [sflag:s23], $0x1  }
0xa3: {  	[sflag:s23] =	ssyncset.done $0x0  }
0xa4: {  	s25 =	simm.s32 $0x1B8E;
	s24 =	sld [smem:$0x3FFE];
	[sflag:s23] =	ssyncadd.s32 $0xFFFFFFFF  }
0xa5: {  	s26 =	simm.s32 $execute0_lowered;
	[smem:$0x3FD2] =	sst s25  }
0xa6: {  	s5 =	sshll.u32 s26, $0x1;
	_ =	strace $0x8000004F;
	[dreg:$0x1] =	wrdreg $0xFFFFFFFF  }
0xa7: {  	s28 =	simm.s32 $_size_execute0_lowered;
	s3 =	sadd.s32 s3, s5;
	[dreg:$0x0] =	wrdreg $0x0  }
0xa8: {  	s5 =	sshll.u32 s28, $0x1;
	[dreg:$0x2] =	wrdreg s3  }
0xa9: {  	[dreg:$0x3] =	wrdreg s5  }
0xaa: {  	[dreg:$0x4] =	wrdreg $0xC0  }
0xab: {  	_ =	task [dreg:s7], $0x5FFFF  }
0xac: {  	[dreg:$0x1] =	wrdreg $0xFFFFFFFF  }
0xad: {  	[dreg:$0x0] =	wrdreg $0x60  }
0xae: {  	[dreg:$0x2] =	wrdreg s24  }
0xaf: {  	[dreg:$0x3] =	wrdreg s2  }
0xb0: {  	[dreg:$0x4] =	wrdreg $0x51000  }
0xb1: {  	[dreg:$0x5] =	wrdreg $0x9  }
0xb2: {  	_ =	task.clear_ibuf [dreg:s7], $0x6FFFF;
	_ =	strace $0x9000004F  }
0xb3: {  	s29 =	simm.s32 $0x9;
	_ =	strace $0x80000051  }
0xb4: {  	_ =	swait.ge [sflag:s29], $0x1  }
0xb5: {  	[sflag:s29] =	ssyncadd.s32 $0xFFFFFFFF  }
0xb6: {  	_ =	strace $0x90000051  }
0xb7: {  	_ =	sfence  }
0xb8: {  	s30 =	sld [smem:$0x0];
	_ =	sdelay $0x2  }
0xb9: {  	s31 =	sshll.u32 s1, $0xD;
	s1 =	sshrl.u32 s1, $0x2  }
0xba: {  	s3 =	sand.u32 $0x4000, s31;
	s1 =	sadd.s32 s1, s30  }
0xbb: {  	s0 =	sor.u32 s3, s0;
	s1 =	sshll.u32 s1, $0x11  }
0xbc: {  	s0 =	sor.u32 s1, s0  }
0xbd: {  	s0 =	sadd.s32 $0x8F2B, s0  }
0xbe: {  	[sflag:s0] =	ssyncadd.remote.s32 $0x1  }
0xbf: {  	_ =	sfence.sel $0xFFFF  }
0xc0: {  	[dreg:$0x0] =	wrdreg $0xFFFFFFFF;
	(pc) =	sbr.abs _section_cstart, $3  }
0xc1: {  	[dreg:$0x1] =	wrdreg $0xFFFFFFFF  }
0xc2: {  	_ =	task.clear_ibuf [dreg:s7], $0x2FFFF;
	_ =	strace $0x9FFFFFFF  }
0xc3: {  	(tm) =	ssettm $0x7FFFFFFF  }
tec
execute0_lowered:
.L_overlay_start_1:
0x0: {  	(tag) =	ssettag $0x1  }
0x1: {  	s0 =	rddreg [dreg:$0x0]  }
0x2: {  	s2 =	rddreg [dreg:$0x1]  }
0x3: {  	s1 =	rddreg [dreg:$0x2];
	s3 =	simm.s32 $0x0;
	s4 =	srdreg.scid  }
0x4: {  	s13 =	stileid.u32;
	s15 =	simm.s32 $0x3;
	s16 =	simm.s32 $0x400  }
0x5: {  	v0 =	vlaneseq.u32;
	s17 =	simm.s32 $0x800;
	s18 =	simm.s32 $0xC00;
	s19 =	simm.s32 $0x1000  }
0x6: {  	s20 =	simm.s32 $0x1400;
	s21 =	simm.s32 $0x10;
	s22 =	simm.s32 $0x5000;
	v1 =	vmul.u32 $0x80, v0;
	v6 =	vor.u32 $0x80, v0;
	v7 =	vor.u32 $0x100, v0  }
0x7: {  	s23 =	simm.s32 $0x1800;
	s24 =	simm.s32 $0x5080;
	s28 =	simm.s32 $0x2;
	v8 =	vor.u32 $0x180, v0;
	v9 =	vor.u32 $0x10, v0;
	v10 =	vor.u32 $0x90, v0  }
0x8: {  	s29 =	simm.s32 $0x4000;
	s30 =	simm.s32 $0x4800;
	[smem:$0x7FF] =	sst s3;
	v11 =	vor.u32 $0x110, v0;
	v12 =	vor.u32 $0x190, v0;
	v13 =	vor.u32 $0x20, v0  }
0x9: {  	s9 =	sand.u32 $0x1, s4;
	s4 =	smul.u32 $0x2800, s13;
	s5 =	sadd.s32 $0x5A3800, s0;
	v14 =	vor.u32 $0xA0, v0;
	v15 =	vor.u32 $0x120, v0;
	v16 =	vor.u32 $0x1A0, v0  }
0xa: {  	s6 =	sadd.s32 $0x53800, s0;
	s7 =	sadd.s32 $0x58800, s0;
	s8 =	sadd.s32 $0xAD800, s0;
	v17 =	vor.u32 $0x30, v0;
	v18 =	vor.u32 $0xB0, v0;
	v19 =	vor.u32 $0x130, v0  }
0xb: {  	s12 =	smul.u32 $0x50000, s13;
	s31 =	sshll.u32 s13, $0x6;
	v20 =	vor.u32 $0x1B0, v0;
	v21 =	vor.u32 $0x40, v0;
	v22 =	vor.u32 $0xC0, v0;
	_ =	strace $0x80000050  }
0xc: {  	v23 =	vor.u32 $0x140, v0;
	v24 =	vor.u32 $0x1C0, v0;
	s10 =	smul.u32 $0x28000, s9;
	v2 =	vmov s9;
	s11 =	ssub.s32 $0x2, s9;
	s9 =	sadd.s32 $0x5D800, s0  }
0xd: {  	v25 =	vor.u32 $0x50, v0;
	v26 =	vor.u32 $0xD0, v0;
	v27 =	vor.u32 $0x150, v0;
	s25 =	sshrl.u32 s11, $0x1;
	s26 =	sshrl.u32 s12, $0x2;
	s2 =	sadd.s32 s2, s4  }
0xe: {  	v28 =	vor.u32 $0x1D0, v0;
	v29 =	vor.u32 $0x60, v0;
	v30 =	vor.u32 $0xE0, v0;
	s10 =	sadd.s32 s4, s10;
	s14 =	sadd.s32 s26, s1;
	[dreg:$0x4] =	wrdreg s2  }
0xf: {  	v31 =	vor.u32 $0x160, v0;
	v32 =	vor.u32 $0x1E0, v0;
	v33 =	vor.u32 $0x70, v0;
	s26 =	simm.s32 $0x1;
	s0 =	sadd.s32 s10, s0;
	s10 =	ssub.s32 s11, s25  }
0x10: {  	v34 =	vor.u32 $0xF0, v0;
	v35 =	vor.u32 $0x170, v0;
	v36 =	vor.u32 $0x1F0, v0;
	s11 =	sor.u32 $0x1C03, s31;
	s14 =	sshrl.u32 s14, $0x3;
	s0 =	sadd.s32 $0xC1800, s0  }
0x11: {  	v3 =	vor.u32 $0x1, v1;
	v4 =	vor.u32 $0x2, v1;
	v5 =	vor.u32 $0x3, v1;
	s25 =	simm.s32 $0x3800;
	s13 =	smax.u32 s10, $0x1;
	[dreg:$0x5] =	wrdreg s0  }
.LBB2_1:
0x12: {  	s0 =	rddreg [dreg:$0x4]  }
0x13: {  	[spmem:s14], [sflag:s11] =	dma.local [hbm:s0], $0x2800  }
0x14: {  	_ =	swait.ge [sflag:s15], $0x2800  }
0x15: {  	[sflag:s15] =	ssyncset.done $0x0  }
0x16: {  	[sflag:s15] =	ssyncadd.s32 $0xFFFFD800  }
0x17: {  	s31 =	simm.s32 $0x0;
	[bflag:$0x0] =	sbarrier.arrive $0xFFFF  }
.LBB2_2:
0x18: {  	s0 =	sshll.u32 s31, $0xA  }
0x19: {  	s0 =	sadd.s32 s4, s0  }
0x1a: {  	s2 =	sshrl.u32 s0, $0x3  }
0x1b: {  	s0 =	simm.s32 $0x0;
	s10 =	sadd.s32 s6, s2  }
0x1c: {  	[tilespmem:s0], [sflag:$0x3] =	stream.linear.gather [hbm4b:s10+s0], $0x400, $0x38;
	[tilespmem:$0x19100] =	vst v63  }
0x1d: {  	_ =	swait.ge [sflag:s15], $0x400  }
0x1e: {  	[sflag:s15] =	ssyncset.done $0x0  }
0x1f: {  	s12 =	sadd.s32 s7, s2;
	[sflag:s15] =	ssyncadd.s32 $0xFFFFFC00  }
0x20: {  	[tilespmem:s16], [sflag:$0x3] =	stream.linear.gather [hbm4b:s12+s0], $0x400, $0x38;
	[tilespmem:$0x19100] =	vst v63  }
0x21: {  	_ =	swait.ge [sflag:s15], $0x400  }
0x22: {  	[sflag:s15] =	ssyncset.done $0x0  }
0x23: {  	s2 =	sadd.s32 s8, s2;
	[sflag:s15] =	ssyncadd.s32 $0xFFFFFC00  }
0x24: {  	[tilespmem:s17], [sflag:$0x3] =	stream.linear.gather [hbm4b:s2+s0], $0x400, $0x38;
	[tilespmem:$0x19100] =	vst v63  }
0x25: {  	_ =	swait.ge [sflag:s15], $0x400  }
0x26: {  	[sflag:s15] =	ssyncset.done $0x0  }
0x27: {  	s12 =	sadd.s32 $0x5000, s2;
	[sflag:s15] =	ssyncadd.s32 $0xFFFFFC00  }
0x28: {  	[tilespmem:s18], [sflag:$0x3] =	stream.linear.gather [hbm4b:s12+s0], $0x400, $0x38;
	[tilespmem:$0x19100] =	vst v63  }
0x29: {  	_ =	swait.ge [sflag:s15], $0x400  }
0x2a: {  	[sflag:s15] =	ssyncset.done $0x0  }
0x2b: {  	s12 =	sadd.s32 $0xA000, s2;
	[sflag:s15] =	ssyncadd.s32 $0xFFFFFC00  }
0x2c: {  	[tilespmem:s19], [sflag:$0x3] =	stream.linear.gather [hbm4b:s12+s0], $0x400, $0x38;
	[tilespmem:$0x19100] =	vst v63  }
0x2d: {  	_ =	swait.ge [sflag:s15], $0x400  }
0x2e: {  	[sflag:s15] =	ssyncset.done $0x0  }
0x2f: {  	s2 =	sadd.s32 $0xF000, s2;
	[sflag:s15] =	ssyncadd.s32 $0xFFFFFC00  }
0x30: {  	[tilespmem:s20], [sflag:$0x3] =	stream.linear.gather [hbm4b:s2+s0], $0x400, $0x38;
	[tilespmem:$0x19100] =	vst v63  }
0x31: {  	_ =	swait.ge [sflag:s15], $0x400  }
0x32: {  	[sflag:s15] =	ssyncset.done $0x0  }
0x33: {  	s2 =	simm.s32 $0x0;
	[sflag:s15] =	ssyncadd.s32 $0xFFFFFC00  }
.LBB2_3:
0x34: {  	s10 =	sshll.u32 s2, $0x4  }
0x35: {  	v37 =	vld [tilespmem:s10+$0x0];
	_ =	sdelay $0x4  }
0x36: {  	v37 =	vshll.u32 v37, $0x1  }
0x37: {  	v37 =	vor.u32 v2, v37  }
0x38: {  	[tilespmem:$0x5000] =	vst v37  }
0x39: {  	v37 =	vld [tilespmem:s10+$0x400];
	_ =	sdelay $0x4  }
0x3a: {  	[tilespmem:$0x5080] =	vst v37  }
0x3b: {  	[tilespmem:s23], [sflag:$0x1] =	stream.indirect.gather [hbm4b:s5+s21], $0x200, s22, s21, $0xb8;
	[tilespmem:$0x19100] =	vst v63  }
0x3c: {  	_ = 	snop  }
0x3d: {  	[tilespmem:s25], [sflag:$0x2] =	stream.indirect.gather [hbm4b:s9+s21], $0x80, s24, s21, $0xb8;
	[tilespmem:$0x19100] =	vst v63  }
0x3e: {  	_ =	swait.ge [sflag:s26], $0x2000  }
0x3f: {  	[sflag:s26] =	ssyncset.done $0x0  }
0x40: {  	[sflag:s26] =	ssyncadd.s32 $0xFFFFE000  }
0x41: {  	_ =	swait.ge [sflag:s28], $0x800  }
0x42: {  	[sflag:s28] =	ssyncset.done $0x0  }
0x43: {  	[sflag:s28] =	ssyncadd.s32 $0xFFFFF800  }
0x44: {  	v52 =	vld [tilespmem:s10+$0x800]  }
0x45: {  	v38 =	vld.idx.msk [tilespmem:v1+s25+$0x0], $0xffff;
	_ =	sdelay $0x4  }
0x46: {  	v37 =	vmul.f32 v38, v52;
	_ =	sdelay $0x1  }
0x47: {  	v37 =	vmul.f32 $2.500000000e-01, v37;
	_ =	sdelay $0x1  }
0x48: {  	s10 =	sand.u32 $0x3F0, s10;
	[tilespmem:v1+s29+$0x0] =	vst.idx.msk $0xffff, v37  }
0x49: {  	v37 =	vld [tilespmem:s10+$0xC00]  }
0x4a: {  	v53 =	vld.idx.msk [tilespmem:v3+s25+$0x0], $0xffff;
	_ =	sdelay $0x4  }
0x4b: {  	v37 =	vmul.f32 v53, v37;
	_ =	sdelay $0x1  }
0x4c: {  	v37 =	vmul.f32 $2.500000000e-01, v37;
	_ =	sdelay $0x1  }
0x4d: {  	[tilespmem:v3+s29+$0x0] =	vst.idx.msk $0xffff, v37  }
0x4e: {  	v37 =	vld [tilespmem:s10+$0x1000]  }
0x4f: {  	v54 =	vld.idx.msk [tilespmem:v4+s25+$0x0], $0xffff;
	_ =	sdelay $0x4  }
0x50: {  	v37 =	vmul.f32 v54, v37;
	_ =	sdelay $0x1  }
0x51: {  	v37 =	vmul.f32 $2.500000000e-01, v37;
	_ =	sdelay $0x1  }
0x52: {  	[tilespmem:v4+s29+$0x0] =	vst.idx.msk $0xffff, v37  }
0x53: {  	v37 =	vld [tilespmem:s10+$0x1400]  }
0x54: {  	v55 =	vld.idx.msk [tilespmem:v5+s25+$0x0], $0xffff;
	_ =	sdelay $0x3  }
0x55: {  	v39 =	vmov s0  }
0x56: {  	v42 =	vshll.u32 v39, $0x9;
	v38 =	vmul.f32 v55, v37;
	v37 =	vshll.u32 v39, $0x7  }
0x57: {  	v39 =	vor.u32 v6, v42  }
0x58: {  	v41 =	vor.u32 v0, v42;
	v38 =	vmul.f32 $2.500000000e-01, v38  }
0x59: {  	v40 =	vor.u32 $0x1, v37  }
0x5a: {  	v43 =	vor.u32 v7, v42;
	[tilespmem:v5+s29+$0x0] =	vst.idx.msk $0xffff, v38  }
0x5b: {  	v44 =	vor.u32 $0x2, v37;
	v38 =	vld.idx.msk [tilespmem:v37+s29+$0x0], $0xffff  }
0x5c: {  	v45 =	vor.u32 v8, v42;
	v46 =	vld.idx.msk [tilespmem:v39+s23+$0x0], $0xffff  }
0x5d: {  	v47 =	vor.u32 $0x3, v37;
	v48 =	vld.idx.msk [tilespmem:v41+s23+$0x0], $0xffff  }
0x5e: {  	v39 =	vld.idx.msk [tilespmem:v40+s29+$0x0], $0xffff  }
0x5f: {  	v43 =	vld.idx.msk [tilespmem:v43+s23+$0x0], $0xffff  }
0x60: {  	v40 =	vld.idx.msk [tilespmem:v44+s29+$0x0], $0xffff  }
0x61: {  	v56 =	vld.idx.msk [tilespmem:v45+s23+$0x0], $0xffff  }
0x62: {  	v41 =	vld.idx.msk [tilespmem:v47+s29+$0x0], $0xffff  }
0x63: {  	v58 =	vmul.f32 v48, v38;
	v57 =	vmul.f32 v46, v39;
	_ =	sdelay $0x1  }
0x64: {  	v43 =	vmul.f32 v43, v40;
	v45 =	vadd.f32 v57, v58  }
0x65: {  	v59 =	vor.u32 v0, v37  }
0x66: {  	v60 =	vor.u32 v9, v42;
	v44 =	vmul.f32 v56, v41;
	v43 =	vadd.f32 v43, v45  }
0x67: {  	v61 =	vor.u32 v10, v42  }
0x68: {  	v43 =	vadd.f32 v44, v43  }
0x69: {  	v62 =	vor.u32 v11, v42  }
0x6a: {  	[tilespmem:v59+s30+$0x0] =	vst.idx.msk $0xffff, v43  }
0x6b: {  	v63 =	vor.u32 v12, v42;
	v43 =	vld.idx.msk [tilespmem:v60+s23+$0x0], $0xffff  }
0x6c: {  	v46 =	vld.idx.msk [tilespmem:v61+s23+$0x0], $0xffff;
	_ =	sdelay $0x1  }
0x6d: {  	v44 =	vld.idx.msk [tilespmem:v62+s23+$0x0], $0xffff;
	_ =	sdelay $0x1  }
0x6e: {  	v45 =	vld.idx.msk [tilespmem:v63+s23+$0x0], $0xffff  }
0x6f: {  	v43 =	vmul.f32 v43, v38;
	v46 =	vmul.f32 v46, v39;
	_ =	sdelay $0x1  }
0x70: {  	v44 =	vmul.f32 v44, v40;
	v43 =	vadd.f32 v46, v43  }
0x71: {  	v48 =	vor.u32 v9, v37  }
0x72: {  	v50 =	vor.u32 v13, v42;
	v49 =	vmul.f32 v45, v41;
	v43 =	vadd.f32 v44, v43  }
0x73: {  	v51 =	vor.u32 v14, v42  }
0x74: {  	v43 =	vadd.f32 v49, v43  }
0x75: {  	v52 =	vor.u32 v15, v42  }
0x76: {  	[tilespmem:v48+s30+$0x0] =	vst.idx.msk $0xffff, v43  }
0x77: {  	v53 =	vor.u32 v16, v42;
	v43 =	vld.idx.msk [tilespmem:v50+s23+$0x0], $0xffff  }
0x78: {  	v46 =	vld.idx.msk [tilespmem:v51+s23+$0x0], $0xffff;
	_ =	sdelay $0x1  }
0x79: {  	v44 =	vld.idx.msk [tilespmem:v52+s23+$0x0], $0xffff;
	_ =	sdelay $0x1  }
0x7a: {  	v45 =	vld.idx.msk [tilespmem:v53+s23+$0x0], $0xffff  }
0x7b: {  	v43 =	vmul.f32 v43, v38;
	v46 =	vmul.f32 v46, v39;
	_ =	sdelay $0x1  }
0x7c: {  	v44 =	vmul.f32 v44, v40;
	v43 =	vadd.f32 v46, v43  }
0x7d: {  	v54 =	vor.u32 v13, v37  }
0x7e: {  	v56 =	vor.u32 v17, v42;
	v55 =	vmul.f32 v45, v41;
	v43 =	vadd.f32 v44, v43  }
0x7f: {  	v57 =	vor.u32 v18, v42  }
0x80: {  	v43 =	vadd.f32 v55, v43  }
0x81: {  	v58 =	vor.u32 v19, v42  }
0x82: {  	[tilespmem:v54+s30+$0x0] =	vst.idx.msk $0xffff, v43  }
0x83: {  	v59 =	vor.u32 v20, v42;
	v43 =	vld.idx.msk [tilespmem:v56+s23+$0x0], $0xffff  }
0x84: {  	v46 =	vld.idx.msk [tilespmem:v57+s23+$0x0], $0xffff;
	_ =	sdelay $0x1  }
0x85: {  	v44 =	vld.idx.msk [tilespmem:v58+s23+$0x0], $0xffff;
	_ =	sdelay $0x1  }
0x86: {  	v45 =	vld.idx.msk [tilespmem:v59+s23+$0x0], $0xffff  }
0x87: {  	v43 =	vmul.f32 v43, v38;
	v46 =	vmul.f32 v46, v39;
	_ =	sdelay $0x1  }
0x88: {  	v44 =	vmul.f32 v44, v40;
	v43 =	vadd.f32 v46, v43  }
0x89: {  	v60 =	vor.u32 v17, v37  }
0x8a: {  	v62 =	vor.u32 v21, v42;
	v61 =	vmul.f32 v45, v41;
	v43 =	vadd.f32 v44, v43  }
0x8b: {  	v63 =	vor.u32 v22, v42  }
0x8c: {  	v43 =	vadd.f32 v61, v43  }
0x8d: {  	v48 =	vor.u32 v23, v42  }
0x8e: {  	[tilespmem:v60+s30+$0x0] =	vst.idx.msk $0xffff, v43  }
0x8f: {  	v49 =	vor.u32 v24, v42;
	v45 =	vld.idx.msk [tilespmem:v62+s23+$0x0], $0xffff  }
0x90: {  	v46 =	vld.idx.msk [tilespmem:v63+s23+$0x0], $0xffff;
	_ =	sdelay $0x1  }
0x91: {  	v44 =	vld.idx.msk [tilespmem:v48+s23+$0x0], $0xffff;
	_ =	sdelay $0x1  }
0x92: {  	v43 =	vld.idx.msk [tilespmem:v49+s23+$0x0], $0xffff  }
0x93: {  	v45 =	vmul.f32 v45, v38;
	v46 =	vmul.f32 v46, v39;
	_ =	sdelay $0x1  }
0x94: {  	v44 =	vmul.f32 v44, v40;
	v45 =	vadd.f32 v46, v45  }
0x95: {  	v50 =	vor.u32 v21, v37  }
0x96: {  	v51 =	vor.u32 v25, v42;
	v43 =	vmul.f32 v43, v41;
	v44 =	vadd.f32 v44, v45  }
0x97: {  	v52 =	vor.u32 v26, v42  }
0x98: {  	v43 =	vadd.f32 v43, v44  }
0x99: {  	v53 =	vor.u32 v27, v42  }
0x9a: {  	[tilespmem:v50+s30+$0x0] =	vst.idx.msk $0xffff, v43  }
0x9b: {  	v54 =	vor.u32 v28, v42;
	v45 =	vld.idx.msk [tilespmem:v51+s23+$0x0], $0xffff  }
0x9c: {  	v46 =	vld.idx.msk [tilespmem:v52+s23+$0x0], $0xffff;
	_ =	sdelay $0x1  }
0x9d: {  	v44 =	vld.idx.msk [tilespmem:v53+s23+$0x0], $0xffff;
	_ =	sdelay $0x1  }
0x9e: {  	v43 =	vld.idx.msk [tilespmem:v54+s23+$0x0], $0xffff  }
0x9f: {  	v45 =	vmul.f32 v45, v38;
	v46 =	vmul.f32 v46, v39;
	_ =	sdelay $0x1  }
0xa0: {  	v44 =	vmul.f32 v44, v40;
	v45 =	vadd.f32 v46, v45  }
0xa1: {  	v55 =	vor.u32 v25, v37  }
0xa2: {  	v56 =	vor.u32 v29, v42;
	v43 =	vmul.f32 v43, v41;
	v44 =	vadd.f32 v44, v45  }
0xa3: {  	v57 =	vor.u32 v30, v42  }
0xa4: {  	v43 =	vadd.f32 v43, v44  }
0xa5: {  	v58 =	vor.u32 v31, v42  }
0xa6: {  	[tilespmem:v55+s30+$0x0] =	vst.idx.msk $0xffff, v43  }
0xa7: {  	v59 =	vor.u32 v32, v42;
	v45 =	vld.idx.msk [tilespmem:v56+s23+$0x0], $0xffff  }
0xa8: {  	v46 =	vld.idx.msk [tilespmem:v57+s23+$0x0], $0xffff;
	_ =	sdelay $0x1  }
0xa9: {  	v44 =	vld.idx.msk [tilespmem:v58+s23+$0x0], $0xffff;
	_ =	sdelay $0x1  }
0xaa: {  	v43 =	vld.idx.msk [tilespmem:v59+s23+$0x0], $0xffff  }
0xab: {  	v45 =	vmul.f32 v45, v38;
	v46 =	vmul.f32 v46, v39;
	_ =	sdelay $0x1  }
0xac: {  	v44 =	vmul.f32 v44, v40;
	v45 =	vadd.f32 v46, v45  }
0xad: {  	v60 =	vor.u32 v29, v37  }
0xae: {  	v61 =	vor.u32 v33, v42;
	v43 =	vmul.f32 v43, v41;
	v44 =	vadd.f32 v44, v45  }
0xaf: {  	v62 =	vor.u32 v34, v42  }
0xb0: {  	v63 =	vor.u32 v35, v42;
	v43 =	vadd.f32 v43, v44  }
0xb1: {  	v42 =	vor.u32 v36, v42  }
0xb2: {  	[tilespmem:v60+s30+$0x0] =	vst.idx.msk $0xffff, v43  }
0xb3: {  	v44 =	vld.idx.msk [tilespmem:v61+s23+$0x0], $0xffff  }
0xb4: {  	v45 =	vld.idx.msk [tilespmem:v62+s23+$0x0], $0xffff  }
0xb5: {  	v43 =	vld.idx.msk [tilespmem:v63+s23+$0x0], $0xffff  }
0xb6: {  	s10 =	simm.s32 $0x1;
	v42 =	vld.idx.msk [tilespmem:v42+s23+$0x0], $0xffff  }
.LBB2_4:
0xb7: {  	p0 =	sne.s32 s10, $0xF;
	s12 =	smov.u32 s10;
	s10 =	sadd.s32 $0x1, s10  }
0xb8: {  	v38 =	vmul.f32 v44, v38  }
0xb9: {  	v39 =	vmul.f32 v45, v39;
	_ =	sdelay $0x1  }
0xba: {  	v38 =	vadd.f32 v39, v38;
	v39 =	vmul.f32 v43, v40  }
0xbb: {  	v40 =	vmov s12;
	v41 =	vmul.f32 v42, v41;
	v43 =	vor.u32 v33, v37  }
0xbc: {  	v37 =	vshll.u32 v40, $0x7;
	v42 =	vshll.u32 v40, $0x9;
	v38 =	vadd.f32 v39, v38  }
0xbd: {  	v39 =	vor.u32 $0x1, v37;
	v40 =	vor.u32 v0, v42;
	v44 =	vor.u32 v6, v42  }
0xbe: {  	v45 =	vor.u32 $0x2, v37;
	v46 =	vor.u32 v7, v42;
	v38 =	vadd.f32 v41, v38  }
0xbf: {  	v47 =	vor.u32 v8, v42;
	v41 =	vor.u32 $0x3, v37  }
0xc0: {  	[tilespmem:v43+s30+$0x0] =	vst.idx.msk $0xffff, v38  }
0xc1: {  	v38 =	vld.idx.msk [tilespmem:v37+s29+$0x0], $0xffff  }
0xc2: {  	v43 =	vld.idx.msk [tilespmem:v44+s23+$0x0], $0xffff  }
0xc3: {  	v39 =	vld.idx.msk [tilespmem:v39+s29+$0x0], $0xffff  }
0xc4: {  	v44 =	vld.idx.msk [tilespmem:v40+s23+$0x0], $0xffff  }
0xc5: {  	v46 =	vld.idx.msk [tilespmem:v46+s23+$0x0], $0xffff  }
0xc6: {  	v40 =	vld.idx.msk [tilespmem:v45+s29+$0x0], $0xffff  }
0xc7: {  	v45 =	vld.idx.msk [tilespmem:v47+s23+$0x0], $0xffff  }
0xc8: {  	v41 =	vld.idx.msk [tilespmem:v41+s29+$0x0], $0xffff  }
0xc9: {  	v43 =	vmul.f32 v43, v39  }
0xca: {  	v44 =	vmul.f32 v44, v38;
	_ =	sdelay $0x1  }
0xcb: {  	v43 =	vadd.f32 v43, v44;
	v44 =	vmul.f32 v46, v40  }
0xcc: {  	v46 =	vor.u32 v0, v37  }
0xcd: {  	v43 =	vadd.f32 v44, v43;
	v44 =	vmul.f32 v45, v41;
	v45 =	vor.u32 v9, v42  }
0xce: {  	v47 =	vor.u32 v10, v42  }
0xcf: {  	v43 =	vadd.f32 v44, v43  }
0xd0: {  	v44 =	vor.u32 v11, v42  }
0xd1: {  	[tilespmem:v46+s30+$0x0] =	vst.idx.msk $0xffff, v43  }
0xd2: {  	v43 =	vld.idx.msk [tilespmem:v45+s23+$0x0], $0xffff;
	v45 =	vor.u32 v12, v42  }
0xd3: {  	v46 =	vld.idx.msk [tilespmem:v47+s23+$0x0], $0xffff;
	_ =	sdelay $0x1  }
0xd4: {  	v44 =	vld.idx.msk [tilespmem:v44+s23+$0x0], $0xffff;
	_ =	sdelay $0x1  }
0xd5: {  	v45 =	vld.idx.msk [tilespmem:v45+s23+$0x0], $0xffff;
	_ =	sdelay $0x1  }
0xd6: {  	v43 =	vmul.f32 v43, v38;
	v46 =	vmul.f32 v46, v39;
	_ =	sdelay $0x1  }
0xd7: {  	v43 =	vadd.f32 v46, v43;
	v44 =	vmul.f32 v44, v40  }
0xd8: {  	v46 =	vor.u32 v9, v37  }
0xd9: {  	v43 =	vadd.f32 v44, v43;
	v44 =	vmul.f32 v45, v41;
	v45 =	vor.u32 v13, v42  }
0xda: {  	v47 =	vor.u32 v14, v42  }
0xdb: {  	v43 =	vadd.f32 v44, v43  }
0xdc: {  	v44 =	vor.u32 v15, v42  }
0xdd: {  	[tilespmem:v46+s30+$0x0] =	vst.idx.msk $0xffff, v43  }
0xde: {  	v43 =	vld.idx.msk [tilespmem:v45+s23+$0x0], $0xffff;
	v45 =	vor.u32 v16, v42  }
0xdf: {  	v46 =	vld.idx.msk [tilespmem:v47+s23+$0x0], $0xffff;
	_ =	sdelay $0x1  }
0xe0: {  	v44 =	vld.idx.msk [tilespmem:v44+s23+$0x0], $0xffff;
	_ =	sdelay $0x1  }
0xe1: {  	v45 =	vld.idx.msk [tilespmem:v45+s23+$0x0], $0xffff  }
0xe2: {  	v43 =	vmul.f32 v43, v38  }
0xe3: {  	v46 =	vmul.f32 v46, v39;
	_ =	sdelay $0x1  }
0xe4: {  	v43 =	vadd.f32 v46, v43;
	v44 =	vmul.f32 v44, v40  }
0xe5: {  	v46 =	vor.u32 v13, v37  }
0xe6: {  	v43 =	vadd.f32 v44, v43;
	v44 =	vmul.f32 v45, v41;
	v45 =	vor.u32 v17, v42  }
0xe7: {  	v47 =	vor.u32 v18, v42  }
0xe8: {  	v43 =	vadd.f32 v44, v43  }
0xe9: {  	v44 =	vor.u32 v19, v42  }
0xea: {  	[tilespmem:v46+s30+$0x0] =	vst.idx.msk $0xffff, v43  }
0xeb: {  	v43 =	vld.idx.msk [tilespmem:v45+s23+$0x0], $0xffff;
	v45 =	vor.u32 v20, v42  }
0xec: {  	v46 =	vld.idx.msk [tilespmem:v47+s23+$0x0], $0xffff;
	_ =	sdelay $0x1  }
0xed: {  	v44 =	vld.idx.msk [tilespmem:v44+s23+$0x0], $0xffff;
	_ =	sdelay $0x1  }
0xee: {  	v45 =	vld.idx.msk [tilespmem:v45+s23+$0x0], $0xffff;
	_ =	sdelay $0x1  }
0xef: {  	v43 =	vmul.f32 v43, v38;
	v46 =	vmul.f32 v46, v39;
	_ =	sdelay $0x1  }
0xf0: {  	v43 =	vadd.f32 v46, v43;
	v44 =	vmul.f32 v44, v40  }
0xf1: {  	v47 =	vor.u32 v22, v42;
	v46 =	vor.u32 v17, v37  }
0xf2: {  	v43 =	vadd.f32 v44, v43;
	v44 =	vmul.f32 v45, v41;
	v45 =	vor.u32 v21, v42;
	_ =	sdelay $0x1  }
0xf3: {  	v43 =	vadd.f32 v44, v43;
	v44 =	vor.u32 v23, v42;
	_ =	sdelay $0x1  }
0xf4: {  	[tilespmem:v46+s30+$0x0] =	vst.idx.msk $0xffff, v43;
	v43 =	vor.u32 v24, v42  }
0xf5: {  	v45 =	vld.idx.msk [tilespmem:v45+s23+$0x0], $0xffff  }
0xf6: {  	v46 =	vld.idx.msk [tilespmem:v47+s23+$0x0], $0xffff  }
0xf7: {  	v44 =	vld.idx.msk [tilespmem:v44+s23+$0x0], $0xffff;
	_ =	sdelay $0x1  }
0xf8: {  	v47 =	vor.u32 v21, v37;
	v43 =	vld.idx.msk [tilespmem:v43+s23+$0x0], $0xffff;
	_ =	sdelay $0x1  }
0xf9: {  	v45 =	vmul.f32 v45, v38  }
0xfa: {  	v46 =	vmul.f32 v46, v39  }
0xfb: {  	v44 =	vmul.f32 v44, v40  }
0xfc: {  	v45 =	vadd.f32 v46, v45;
	v46 =	vor.u32 v28, v42  }
0xfd: {  	v43 =	vmul.f32 v43, v41  }
0xfe: {  	v44 =	vadd.f32 v44, v45  }
0xff: {  	v45 =	vor.u32 v25, v42  }
0x100: {  	v43 =	vadd.f32 v43, v44;
	v44 =	vor.u32 v26, v42  }
0x101: {  	v48 =	vor.u32 v27, v42  }
0x102: {  	[tilespmem:v47+s30+$0x0] =	vst.idx.msk $0xffff, v43  }
0x103: {  	v43 =	vld.idx.msk [tilespmem:v46+s23+$0x0], $0xffff  }
0x104: {  	v45 =	vld.idx.msk [tilespmem:v45+s23+$0x0], $0xffff  }
0x105: {  	v44 =	vld.idx.msk [tilespmem:v44+s23+$0x0], $0xffff  }
0x106: {  	v46 =	vld.idx.msk [tilespmem:v48+s23+$0x0], $0xffff;
	_ =	sdelay $0x2  }
0x107: {  	v43 =	vmul.f32 v43, v41  }
0x108: {  	v45 =	vmul.f32 v45, v38  }
0x109: {  	v44 =	vmul.f32 v44, v39  }
0x10a: {  	v46 =	vmul.f32 v46, v40  }
0x10b: {  	v44 =	vadd.f32 v44, v45  }
0x10c: {  	v45 =	vor.u32 v25, v37  }
0x10d: {  	v44 =	vadd.f32 v46, v44;
	v46 =	vor.u32 v29, v42  }
0x10e: {  	v47 =	vor.u32 v30, v42  }
0x10f: {  	v43 =	vadd.f32 v43, v44;
	v44 =	vor.u32 v31, v42  }
0x110: {  	v48 =	vor.u32 v32, v42  }
0x111: {  	[tilespmem:v45+s30+$0x0] =	vst.idx.msk $0xffff, v43  }
0x112: {  	v43 =	vld.idx.msk [tilespmem:v46+s23+$0x0], $0xffff  }
0x113: {  	v45 =	vld.idx.msk [tilespmem:v47+s23+$0x0], $0xffff  }
0x114: {  	v44 =	vld.idx.msk [tilespmem:v44+s23+$0x0], $0xffff  }
0x115: {  	v46 =	vld.idx.msk [tilespmem:v48+s23+$0x0], $0xffff;
	_ =	sdelay $0x3  }
0x116: {  	v43 =	vmul.f32 v43, v38;
	v45 =	vmul.f32 v45, v39;
	_ =	sdelay $0x1  }
0x117: {  	v44 =	vmul.f32 v44, v40;
	v43 =	vadd.f32 v45, v43  }
0x118: {  	v45 =	vor.u32 v29, v37  }
0x119: {  	v43 =	vadd.f32 v44, v43;
	v44 =	vmul.f32 v46, v41;
	v46 =	vor.u32 v33, v42  }
0x11a: {  	v47 =	vor.u32 v34, v42  }
0x11b: {  	v48 =	vor.u32 v35, v42;
	v43 =	vadd.f32 v44, v43  }
0x11c: {  	v42 =	vor.u32 v36, v42  }
.Ltmp0:
0x11d: {  	[tilespmem:v45+s30+$0x0] =	vst.idx.msk $0xffff, v43;
	(pc) =	sbr.rel @p0 .LBB2_4-.Ltmp0, $4  }
0x11e: {  	v44 =	vld.idx.msk [tilespmem:v46+s23+$0x0], $0xffff  }
0x11f: {  	v45 =	vld.idx.msk [tilespmem:v47+s23+$0x0], $0xffff  }
0x120: {  	v43 =	vld.idx.msk [tilespmem:v48+s23+$0x0], $0xffff  }
0x121: {  	v42 =	vld.idx.msk [tilespmem:v42+s23+$0x0], $0xffff  }
0x122: {  	_ =	sdelay $0x1  }
0x123: {  	v38 =	vmul.f32 v44, v38;
	v39 =	vmul.f32 v45, v39;
	_ =	sdelay $0x1  }
0x124: {  	v62 =	vmul.f32 v43, v40;
	v38 =	vadd.f32 v39, v38  }
0x125: {  	v37 =	vor.u32 v33, v37  }
0x126: {  	v63 =	vmul.f32 v42, v41;
	v38 =	vadd.f32 v62, v38;
	_ =	sdelay $0x1  }
0x127: {  	s2 =	sadd.s32 $0x1, s2;
	v38 =	vadd.f32 v63, v38  }
0x128: {  	p0 =	sne.s32 s2, $0x40  }
.Ltmp1:
0x129: {  	[tilespmem:v37+s30+$0x0] =	vst.idx.msk $0xffff, v38;
	(pc) =	sbr.rel @p0 .LBB2_3-.Ltmp1, $4  }
0x12a: {  	[spmem:s1] =	stream.indirect.scatter.add.f32 [tilespmem:s30], [sflag:$0x3], $0x80, s24, s21, $0xb8;
	[tilespmem:$0x19100] =	vst v63  }
0x12b: {  	_ =	swait.ge [sflag:s15], $0x800  }
0x12c: {  	[sflag:s15] =	ssyncset.done $0x0  }
0x12d: {  	[sflag:s15] =	ssyncadd.s32 $0xFFFFF800  }
0x12e: {  	s31 =	sadd.s32 $0x1, s31  }
0x12f: {  	p0 =	sne.s32 s31, $0xA  }
.Ltmp2:
0x130: {  	_ = 	snop;
	(pc) =	sbr.rel @p0 .LBB2_2-.Ltmp2, $1  }
0x131: {  	_ =	sdelay $0x3  }
0x132: {  	s3 =	sadd.s32 $0x1, s3  }
0x133: {  	[bflag:$0x0] =	sbarrier.arrive $0xFFFF;
	p0 =	sne.s32 s3, s13  }
.Ltmp3:
0x134: {  	s0 =	rddreg [dreg:$0x5];
	(pc) =	sbr.rel @p0 .LBB2_1-.Ltmp3, $4  }
0x135: {  	[hbm:s0], [sflag:s11] =	dma.local [spmem:s14], $0x2800  }
0x136: {  	_ =	swait.ge [sflag:s15], $0x2800  }
0x137: {  	[sflag:s15] =	ssyncset.done $0x0  }
0x138: {  	[sflag:s15] =	ssyncadd.s32 $0xFFFFD800  }
0x139: {  	_ =	sfence.sel $0x180000  }
0x13a: {  	[bflag:$0x0] =	sbarrier.arrive $0xFFFF  }
0x13b: {  	_ =	strace $0x90000050  }
0x13c: {  	s0 =	stileid.u32;
	[bflag:$0x2] =	sbarrier.arrive $0xFFFF  }
0x13d: {  	p0 =	sne.s32 s0, $0x0;
	s0 =	rddreg [dreg:$0x3]  }
0x13e: {  	s0 =	sadd.s32 @!p0 $0x100000, s0  }
0x13f: {  	[sflag:s0] =	ssyncadd.tile.s32 @!p0 $0x1;
	_ =	shalt  }
.Lfunc_end2:
_tile_overlayer_lowered:
.L_overlay_start_2:
0x140: {  	(tag) =	ssettag $0x2  }
0x141: {  	s0 =	rddreg [dreg:$0x0];
	s2 =	stileid.u32  }
0x142: {  	s1 =	rddreg [dreg:$0x1];
	p0 =	sne.s32 s2, $0x0  }
0x143: {  	s3 =	rddreg [dreg:$0x2];
	[bflag:$0x3] =	sbarrier.arrive $0xFFFF;
	s2 =	simm.s32 @!p0 $0x1C03  }
0x144: {  	[timem:s3], [sflag:s2] =	dma.local @!p0 [hbm:s0], s1  }
0x145: {  	s0 =	simm.s32 @!p0 $0x3  }
0x146: {  	_ =	swait.ge @!p0 [sflag:s0], s1  }
0x147: {  	s1 =	ssub.s32 @!p0 $0x0, s1;
	[sflag:s0] =	ssyncset.done @!p0 $0x0  }
0x148: {  	[sflag:s0] =	ssyncadd.s32 @!p0 s1  }
0x149: {  	[bflag:$0x3] =	sbarrier.arrive $0xFFFF  }
0x14a: {  	_ =	shalt  }

// kernel: kernel.7.cloned.1.call-start
scs
__scs_entry_jumppad:
0x0: {  	(pc) =	sbr.rel $0x88, $3  }
0x1: {  	(tag) =	ssettag $0x0;
	lr =	simm.s32 $0x1  }
0x2: {  	[smem:$0x3F93] =	sst lr;
	_ =	strace $0xD0000000  }
0x3: {  	_ = 	snop  }
0x4: {  	_ = 	snop  }
0x5: {  	_ = 	snop  }
0x6: {  	_ = 	snop  }
0x7: {  	_ = 	snop  }
__scs_overlays_trampoline_lowered:
0x8: {  	[smem:$0x3FA2] =	sst s0  }
0x9: {  	[smem:$0x3FA3] =	sst s1  }
0xa: {  	[smem:$0x3FA4] =	sst s2  }
0xb: {  	[smem:$0x3FA5] =	sst s3  }
0xc: {  	[smem:$0x3FA6] =	sst s4  }
0xd: {  	[smem:$0x3FA7] =	sst s5  }
0xe: {  	[smem:$0x3FA8] =	sst s6  }
0xf: {  	[smem:$0x3FA9] =	sst s7  }
0x10: {  	[smem:$0x3FAA] =	sst s8  }
0x11: {  	[smem:$0x3FAB] =	sst s9;
	s0 =	simm.s32 @!p0 $0x0  }
0x12: {  	s1 =	sld [smem:$0x3F91];
	s0 =	simm.s32 @p0 $0x1  }
0x13: {  	[smem:$0x3FAC] =	sst s0;
	s0 =	simm.s32 @!p1 $0x0  }
0x14: {  	s2 =	sld [smem:$0x3F90];
	s0 =	simm.s32 @p1 $0x1  }
0x15: {  	[smem:$0x3FAD] =	sst s0;
	s0 =	simm.s32 @!p2 $0x0  }
0x16: {  	s3 =	sld [smem:$0x3FDB];
	s0 =	simm.s32 @p2 $0x1  }
0x17: {  	s4 =	simm.s32 $0x1BF5;
	[smem:$0x3FAF] =	sst s0  }
0x18: {  	s0 =	sld [smem:$0x3F92];
	_ =	swait.ge [sflag:s4], $0x0  }
0x19: {  	s7 =	sld [smem:$0x3F93]  }
0x1a: {  	s8 =	sadd.s32 $0xFFFFE003, lr  }
0x1b: {  	s9 =	sadd.s32 $0xFFFFFEF7, lr;
	s5 =	simm.s32 $0xFFFFFFFF;
	p2 =	slt.u32 s8, $0xFFFFF086  }
0x1c: {  	p1 =	slt.u32 s9, $0xF7A;
	s5 =	simm.s32 @!p2 $0x0  }
0x1d: {  	s5 =	simm.s32 @p1 $0x1;
	p0 =	seq.s32 s7, s2  }
0x1e: {  	s7 =	smul.u32 @!p0 $0xF7A, s2;
	p2 =	seq.s32 @!p0 s5, $0x0  }
0x1f: {  	s9 =	smul.u32 $0xF7A, s1;
	s8 =	simm.s32 @!p0 $0x1BF5;
	p2 =	por !p2, p0  }
0x20: {  	[sflag:s8] =	ssyncset.s32 @!p0 $0xFFFFF086;
	s6 =	sadd.s32 @!p0 s3, s7;
	s7 =	simm.s32 @!p0 $0x108  }
0x21: {  	s3 =	sadd.s32 s3, s9;
	s6 =	sadd.s32 @!p0 $0x88, s6;
	s7 =	simm.s32 @p2 $0x1082  }
0x22: {  	[simem:s7], [sflag:s8] =	dma.local @!p0 [hbm:s6], $0xF7A  }
0x23: {  	s9 =	sor.u32 $0xD0000000, s2;
	s6 =	simm.s32 $0x108;
	_ =	swait.ge @!p0 [sflag:s8], $0x0  }
0x24: {  	s3 =	sadd.s32 $0x88, s3;
	s6 =	simm.s32 @!p1 $0x1082;
	[sflag:s4] =	ssyncset.s32 $0xFFFFF086  }
0x25: {  	[simem:s6], [sflag:s4] =	dma.local [hbm:s3], $0xF7A  }
0x26: {  	[smem:$0x3F93] =	sst s1;
	(tag) =	ssettag s2;
	_ =	strace s9  }
0x27: {  	s1 =	sld [smem:$0x3FA3]  }
0x28: {  	s2 =	sld [smem:$0x3FA4]  }
0x29: {  	s4 =	sld [smem:$0x3FA6]  }
0x2a: {  	p0 =	seq.s32 s5, $0x0;
	s5 =	sld [smem:$0x3FA7]  }
0x2b: {  	s6 =	sld [smem:$0x3FA8]  }
0x2c: {  	s7 =	sld [smem:$0x3FA9]  }
0x2d: {  	s3 =	simm.s32 $0x108;
	s8 =	sld [smem:$0x3FAA]  }
0x2e: {  	s3 =	simm.s32 @!p0 $0x1082;
	s9 =	sld [smem:$0x3FAB]  }
0x2f: {  	lr =	sadd.s32 s0, s3;
	s0 =	sld [smem:$0x3FA2]  }
0x30: {  	s3 =	sld [smem:$0x3FA5]  }
0x31: {  	[smem:$0x3FAE] =	sst s10  }
0x32: {  	s10 =	sld [smem:$0x3FAC];
	_ =	sdelay $0x3  }
0x33: {  	p0 =	seq.s32 s10, $0x1;
	s10 =	sld [smem:$0x3FAE];
	_ =	sdelay $0x3  }
0x34: {  	[smem:$0x3FAE] =	sst s10  }
0x35: {  	s10 =	sld [smem:$0x3FAD];
	_ =	sdelay $0x3  }
0x36: {  	p1 =	seq.s32 s10, $0x1;
	s10 =	sld [smem:$0x3FAE];
	_ =	sdelay $0x3  }
0x37: {  	[smem:$0x3FAE] =	sst s10  }
0x38: {  	s10 =	sld [smem:$0x3FAF]  }
0x39: {  	_ = 	snop;
	(pc) =	sbr.ind lr, $3  }
0x3a: {  	_ = 	snop  }
0x3b: {  	_ = 	snop  }
0x3c: {  	p2 =	seq.s32 s10, $0x1;
	s10 =	sld [smem:$0x3FAE]  }
0x3d: {  	_ =	shalt  }
0x3e: {  	_ =	shalt  }
0x3f: {  	_ =	shalt  }
0x40: {  	_ =	shalt  }
0x41: {  	_ =	shalt  }
0x42: {  	_ =	shalt  }
0x43: {  	_ =	shalt  }
0x44: {  	_ =	shalt  }
0x45: {  	_ =	shalt  }
0x46: {  	_ =	shalt  }
0x47: {  	_ =	shalt  }
0x48: {  	_ =	shalt  }
0x49: {  	_ =	shalt  }
0x4a: {  	_ =	shalt  }
0x4b: {  	_ =	shalt  }
0x4c: {  	_ =	shalt  }
0x4d: {  	_ =	shalt  }
0x4e: {  	_ =	shalt  }
0x4f: {  	_ =	shalt  }
0x50: {  	_ =	shalt  }
0x51: {  	_ =	shalt  }
0x52: {  	_ =	shalt  }
0x53: {  	_ =	shalt  }
0x54: {  	_ =	shalt  }
0x55: {  	_ =	shalt  }
0x56: {  	_ =	shalt  }
0x57: {  	_ =	shalt  }
0x58: {  	_ =	shalt  }
0x59: {  	_ =	shalt  }
0x5a: {  	_ =	shalt  }
0x5b: {  	_ =	shalt  }
0x5c: {  	_ =	shalt  }
0x5d: {  	_ =	shalt  }
0x5e: {  	_ =	shalt  }
0x5f: {  	_ =	shalt  }
0x60: {  	_ =	shalt  }
0x61: {  	_ =	shalt  }
0x62: {  	_ =	shalt  }
0x63: {  	_ =	shalt  }
0x64: {  	_ =	shalt  }
0x65: {  	_ =	shalt  }
0x66: {  	_ =	shalt  }
0x67: {  	_ =	shalt  }
0x68: {  	_ =	shalt  }
0x69: {  	_ =	shalt  }
0x6a: {  	_ =	shalt  }
0x6b: {  	_ =	shalt  }
0x6c: {  	_ =	shalt  }
0x6d: {  	_ =	shalt  }
0x6e: {  	_ =	shalt  }
0x6f: {  	_ =	shalt  }
0x70: {  	_ =	shalt  }
0x71: {  	_ =	shalt  }
0x72: {  	_ =	shalt  }
0x73: {  	_ =	shalt  }
0x74: {  	_ =	shalt  }
0x75: {  	_ =	shalt  }
0x76: {  	_ =	shalt  }
0x77: {  	_ =	shalt  }
0x78: {  	_ =	shalt  }
0x79: {  	_ =	shalt  }
0x7a: {  	_ =	shalt  }
0x7b: {  	_ =	shalt  }
0x7c: {  	_ =	shalt  }
0x7d: {  	_ =	shalt  }
0x7e: {  	_ =	shalt  }
0x7f: {  	_ =	shalt  }
0x80: {  	_ =	shalt  }
0x81: {  	_ =	shalt  }
0x82: {  	_ =	shalt  }
0x83: {  	_ =	shalt  }
0x84: {  	_ =	shalt  }
0x85: {  	_ =	shalt  }
0x86: {  	_ =	shalt  }
0x87: {  	_ =	shalt  }
.Lfunc_end0:
.L_simem_size_0:
called_computation.2_lowered:
.L_overlay_start_0:
0x88: {  	s2 =	sld [smem:$0x3FD9]  }
0x89: {  	s3 =	sld [smem:$0x3FFE];
	_ =	sdelay $0x1  }
0x8a: {  	s1 =	srdreg.scid  }
0x8b: {  	s0 =	sand.u32 $0x1, s1  }
0x8c: {  	s17 =	sshll.u32 s0, $0xA;
	s2 =	sadd.s32 s3, s2  }
0x8d: {  	s2 =	sadd.s32 s2, s17  }
0x8e: {  	[smem:$0x3FBA] =	sst s2  }
0x8f: {  	_ = 	snop  }
0x90: {  	s2 =	sld [smem:$0x3FC2]  }
0x91: {  	s18 =	sld [smem:$0x3FD0];
	(tm) =	ssettm $0x1  }
0x92: {  	s4 =	sld [smem:$0x3FFB];
	_ =	sdelay $0x3  }
0x93: {  	_ =	strace s4  }
0x94: {  	s4 =	sld [smem:$0x3FFC];
	_ =	sdelay $0x3  }
0x95: {  	_ =	strace s4  }
0x96: {  	s4 =	sld [smem:$0x3FFD];
	_ =	sdelay $0x3  }
0x97: {  	_ =	strace s4  }
0x98: {  	_ =	strace $0x8FFFFFFF  }
0x99: {  	s19 =	sld [smem:$0x3FDB];
	_ =	sdelay $0x1  }
0x9a: {  	s5 =	simm.s32 $_scs_section_size  }
0x9b: {  	s6 =	simm.s32 $_size__tile_overlayer_lowered;
	s7 =	simm.s32 $_tile_overlayer_lowered  }
0x9c: {  	s22 =	simm.s32 $0x1BFF;
	s21 =	sshll.u32 s7, $0x1;
	s4 =	sadd.s32 s5, s19  }
0x9d: {  	s8 =	simm.s32 $0x0;
	s20 =	sshll.u32 s6, $0x1;
	s6 =	sadd.s32 s21, s4  }
0x9e: {  	[timem:s8], [sflag:s22] =	dma.local [hbm:s6], s20  }
0x9f: {  	_ =	swait.ge [sflag:s22], s20  }
0xa0: {  	s5 =	ssub.s32 $0x0, s20;
	[sflag:s22] =	ssyncset.done $0x0  }
0xa1: {  	[sflag:s22] =	ssyncadd.s32 s5;
	_ =	sdelay $0x1  }
0xa2: {  	s23 =	simm.s32 $0x1B8B  }
0xa3: {  	_ =	swait.ge [sflag:s23], $0x1  }
0xa4: {  	[sflag:s23] =	ssyncset.done $0x0  }
0xa5: {  	s25 =	simm.s32 $0x1B8E;
	s24 =	sld [smem:$0x3FFE];
	[sflag:s23] =	ssyncadd.s32 $0xFFFFFFFF  }
0xa6: {  	s26 =	simm.s32 $execute0_lowered;
	[smem:$0x3FD2] =	sst s25  }
0xa7: {  	s6 =	sshll.u32 s26, $0x1;
	_ =	strace $0x8000004C;
	[dreg:$0x1] =	wrdreg $0xFFFFFFFF  }
0xa8: {  	s28 =	simm.s32 $_size_execute0_lowered;
	s4 =	sadd.s32 s4, s6;
	[dreg:$0x0] =	wrdreg $0x0  }
0xa9: {  	s6 =	sshll.u32 s28, $0x1;
	[dreg:$0x2] =	wrdreg s4  }
0xaa: {  	[dreg:$0x3] =	wrdreg s6  }
0xab: {  	[dreg:$0x4] =	wrdreg $0xC0  }
0xac: {  	_ =	task [dreg:s8], $0x5FFFF  }
0xad: {  	[dreg:$0x1] =	wrdreg $0xFFFFFFFF  }
0xae: {  	[dreg:$0x0] =	wrdreg $0x60  }
0xaf: {  	[dreg:$0x2] =	wrdreg s24  }
0xb0: {  	[dreg:$0x3] =	wrdreg s2  }
0xb1: {  	[dreg:$0x4] =	wrdreg s18  }
0xb2: {  	[dreg:$0x5] =	wrdreg $0xA5000  }
0xb3: {  	[dreg:$0x6] =	wrdreg $0x9  }
0xb4: {  	_ =	task.clear_ibuf [dreg:s8], $0x7FFFF;
	_ =	strace $0x9000004C  }
0xb5: {  	s29 =	simm.s32 $0x9;
	_ =	strace $0x8000004E  }
0xb6: {  	_ =	swait.ge [sflag:s29], $0x1  }
0xb7: {  	[sflag:s29] =	ssyncadd.s32 $0xFFFFFFFF  }
0xb8: {  	_ =	strace $0x9000004E  }
0xb9: {  	_ =	sfence  }
0xba: {  	s30 =	sld [smem:$0x0];
	_ =	sdelay $0x2  }
0xbb: {  	s31 =	sshll.u32 s1, $0xD;
	s1 =	sshrl.u32 s1, $0x2  }
0xbc: {  	s3 =	sand.u32 $0x4000, s31;
	s1 =	sadd.s32 s1, s30  }
0xbd: {  	s0 =	sor.u32 s3, s0;
	s1 =	sshll.u32 s1, $0x11  }
0xbe: {  	s0 =	sor.u32 s1, s0  }
0xbf: {  	s0 =	sadd.s32 $0x8F2B, s0  }
0xc0: {  	[sflag:s0] =	ssyncadd.remote.s32 $0x1  }
0xc1: {  	_ =	sfence.sel $0xFFFF  }
0xc2: {  	[dreg:$0x0] =	wrdreg $0xFFFFFFFF;
	(pc) =	sbr.abs _section_cstart, $3  }
0xc3: {  	[dreg:$0x1] =	wrdreg $0xFFFFFFFF  }
0xc4: {  	_ =	task.clear_ibuf [dreg:s8], $0x2FFFF;
	_ =	strace $0x9FFFFFFF  }
0xc5: {  	(tm) =	ssettm $0x7FFFFFFF  }
tec
execute0_lowered:
.L_overlay_start_1:
0x0: {  	(tag) =	ssettag $0x1  }
0x1: {  	s0 =	rddreg [dreg:$0x0]  }
0x2: {  	s1 =	rddreg [dreg:$0x2]  }
0x3: {  	s2 =	rddreg [dreg:$0x3];
	s4 =	simm.s32 $0x0  }
0x4: {  	s3 =	srdreg.scid;
	s15 =	stileid.u32;
	s19 =	simm.s32 $0x10  }
0x5: {  	s20 =	simm.s32 $0xA400;
	s21 =	simm.s32 $0x1800;
	s22 =	simm.s32 $0xA480  }
0x6: {  	s23 =	simm.s32 $0x5800;
	s29 =	simm.s32 $0xC00;
	s30 =	simm.s32 $0x1000  }
0x7: {  	s31 =	simm.s32 $0x1400;
	[smem:$0x7FF] =	sst s4;
	s5 =	sadd.s32 $0x323800, s0  }
0x8: {  	s3 =	sand.u32 $0x1, s3;
	s11 =	smul.u32 $0x2800, s15;
	s6 =	sadd.s32 $0x463800, s0  }
0x9: {  	s7 =	sadd.s32 $0x53800, s0;
	s8 =	sadd.s32 $0x58800, s0;
	s9 =	sadd.s32 $0xAD800, s0  }
0xa: {  	s13 =	smul.u32 $0x50000, s15;
	s14 =	sshll.u32 s15, $0x1;
	s28 =	sshll.u32 s15, $0x6  }
0xb: {  	s15 =	simm.s32 $0x3;
	_ =	strace $0x8000004D;
	s10 =	smul.u32 $0x28000, s3  }
0xc: {  	s12 =	ssub.s32 $0x2, s3;
	s3 =	sor.u32 s3, s14;
	s14 =	simm.s32 $0x9800  }
0xd: {  	v1 =	vlaneseq.u32;
	s24 =	sshrl.u32 s12, $0x1;
	s13 =	sshrl.u32 s13, $0x2;
	s1 =	sadd.s32 s1, s11  }
0xe: {  	v0 =	vmul.u32 $0x400, v1;
	s10 =	sadd.s32 s11, s10;
	s12 =	ssub.s32 s12, s24;
	s25 =	sadd.s32 s13, s2  }
0xf: {  	v1 =	vmul.u32 $0x80, v1;
	[dreg:$0x5] =	wrdreg s1;
	s1 =	sor.u32 $0x1C03, s28;
	s24 =	simm.s32 $0x1  }
0x10: {  	v2 =	vimm.f32 $0.0e+00;
	v3 =	vor.u32 $0x200, v0;
	s0 =	sadd.s32 s10, s0;
	s26 =	smax.u32 s12, $0x1;
	[dreg:$0x8] =	wrdreg s1  }
0x11: {  	v4 =	vor.u32 $0x80, v0;
	v5 =	vor.u32 $0x280, v0;
	v6 =	vor.u32 $0x1, v1;
	s10 =	smul.u32 $0x1400, s3;
	s3 =	sshrl.u32 s25, $0x3;
	[dreg:$0x7] =	wrdreg s26  }
0x12: {  	v7 =	vor.u32 $0x100, v0;
	v8 =	vor.u32 $0x300, v0;
	v9 =	vor.u32 $0x2, v1;
	s11 =	simm.s32 $0x0;
	s0 =	sadd.s32 $0x5D800, s0;
	[dreg:$0x9] =	wrdreg s3  }
0x13: {  	v10 =	vor.u32 $0x180, v0;
	v11 =	vor.u32 $0x380, v0;
	v12 =	vor.u32 $0x3, v1;
	s25 =	simm.s32 $0x2;
	s26 =	simm.s32 $0x9C00;
	[dreg:$0x6] =	wrdreg s0  }
.LBB2_1:
0x14: {  	[dreg:$0xa] =	wrdreg s11  }
0x15: {  	s0 =	rddreg [dreg:$0x1]  }
0x16: {  	[tilespmem:s14], [sflag:$0x3] =	stream.linear.gather [hbm4b:s0+s4], $0x400, $0x38;
	[tilespmem:$0x1E500] =	vst v63  }
0x17: {  	_ =	swait.ge [sflag:s15], $0x400  }
0x18: {  	[sflag:s15] =	ssyncset.done $0x0  }
0x19: {  	s28 =	rddreg [dreg:$0x5];
	[sflag:s15] =	ssyncadd.s32 $0xFFFFFC00  }
0x1a: {  	[spmem:s3], [sflag:s1] =	dma.local [hbm:s28], $0x2800  }
0x1b: {  	_ =	swait.ge [sflag:s15], $0x2800  }
0x1c: {  	[sflag:s15] =	ssyncset.done $0x0  }
0x1d: {  	s0 =	simm.s32 $0x0;
	s1 =	simm.s32 $0x200;
	[sflag:s15] =	ssyncadd.s32 $0xFFFFD800  }
.LBB2_2:
0x1e: {  	p0 =	sne.s32 s1, $0x1E00;
	[tilespmem:s0+$0x9C70] =	vst v2  }
0x1f: {  	[tilespmem:s0+$0x9C00] =	vst v2  }
0x20: {  	[tilespmem:s0+$0x9C10] =	vst v2  }
.Ltmp0:
0x21: {  	[tilespmem:s0+$0x9C20] =	vst v2;
	(pc) =	sbr.rel @p0 .LBB2_2-.Ltmp0, $4  }
0x22: {  	[tilespmem:s0+$0x9C30] =	vst v2  }
0x23: {  	[tilespmem:s0+$0x9C40] =	vst v2  }
0x24: {  	[tilespmem:s0+$0x9C50] =	vst v2  }
0x25: {  	[tilespmem:s0+$0x9C60] =	vst v2;
	s0 =	sshra.s32 s1, $0x2;
	s1 =	sadd.s32 $0x200, s1  }
0x26: {  	[tilespmem:s0+$0x9C70] =	vst v2  }
0x27: {  	[tilespmem:s0+$0x9C00] =	vst v2  }
0x28: {  	[tilespmem:s0+$0x9C10] =	vst v2  }
0x29: {  	[tilespmem:s0+$0x9C20] =	vst v2  }
0x2a: {  	[tilespmem:s0+$0x9C30] =	vst v2  }
0x2b: {  	[tilespmem:s0+$0x9C40] =	vst v2  }
0x2c: {  	[tilespmem:s0+$0x9C50] =	vst v2  }
0x2d: {  	[tilespmem:s0+$0x9C60] =	vst v2  }
0x2e: {  	s3 =	simm.s32 $0x0;
	s1 =	simm.s32 $0x0;
	[bflag:$0x0] =	sbarrier.arrive $0xFFFF  }
.LBB2_4:
0x2f: {  	s0 =	sshll.u32 s1, $0xA  }
0x30: {  	s0 =	sadd.s32 s10, s0  }
0x31: {  	s11 =	sshrl.u32 s0, $0x3  }
0x32: {  	s0 =	sadd.s32 s7, s11  }
0x33: {  	[tilespmem:s3], [sflag:$0x3] =	stream.linear.gather [hbm4b:s0+s3], $0x400, $0x38;
	[tilespmem:$0x1E500] =	vst v63  }
0x34: {  	_ =	swait.ge [sflag:s15], $0x400  }
0x35: {  	[sflag:s15] =	ssyncset.done $0x0  }
0x36: {  	s12 =	simm.s32 $0x400;
	s28 =	sadd.s32 s8, s11;
	[sflag:s15] =	ssyncadd.s32 $0xFFFFFC00  }
0x37: {  	[tilespmem:s12], [sflag:$0x3] =	stream.linear.gather [hbm4b:s28+s3], $0x400, $0x38;
	[tilespmem:$0x1E500] =	vst v63  }
0x38: {  	_ =	swait.ge [sflag:s15], $0x400  }
0x39: {  	[sflag:s15] =	ssyncset.done $0x0  }
0x3a: {  	s12 =	simm.s32 $0x0;
	[sflag:s15] =	ssyncadd.s32 $0xFFFFFC00  }
.LBB2_5:
0x3b: {  	s13 =	sshll.u32 s12, $0x4  }
0x3c: {  	v13 =	vld [tilespmem:s13+$0x0];
	_ =	sdelay $0x4  }
0x3d: {  	[tilespmem:$0xA400] =	vst v13  }
0x3e: {  	v13 =	vld [tilespmem:s13+$0x400];
	_ =	sdelay $0x4  }
0x3f: {  	[tilespmem:$0xA480] =	vst v13  }
0x40: {  	[tilespmem:s21], [sflag:$0x1] =	stream.indirect.gather [hbm4b:s5+s19], $0x400, s20, s19, $0xb8;
	[tilespmem:$0x1E500] =	vst v63  }
0x41: {  	_ = 	snop  }
0x42: {  	[tilespmem:s23], [sflag:$0x2] =	stream.indirect.gather [hbm4b:s6+s19], $0x400, s22, s19, $0xb8;
	[tilespmem:$0x1E500] =	vst v63  }
0x43: {  	s0 =	simm.s32 $0x0;
	_ =	swait.ge [sflag:s24], $0x4000  }
0x44: {  	v13 =	vor.u32 s0, v3;
	[sflag:s24] =	ssyncset.done $0x0  }
0x45: {  	v14 =	vor.u32 s0, v0;
	[sflag:s24] =	ssyncadd.s32 $0xFFFFC000  }
0x46: {  	_ =	swait.ge [sflag:s25], $0x4000  }
0x47: {  	[sflag:s25] =	ssyncset.done $0x0  }
0x48: {  	s17 =	simm.s32 $0x1;
	v15 =	vmov s0;
	[sflag:s25] =	ssyncadd.s32 $0xFFFFC000  }
0x49: {  	v17 =	vor.u32 s17, v3;
	v21 =	vld.idx.msk [tilespmem:v13+s21+$0x0], $0xffff  }
0x4a: {  	v20 =	vor.u32 s17, v0;
	v22 =	vld.idx.msk [tilespmem:v14+s21+$0x0], $0xffff  }
0x4b: {  	v14 =	vld.idx.msk [tilespmem:v14+s23+$0x0], $0xffff  }
0x4c: {  	s18 =	simm.s32 $0x200;
	v23 =	vld.idx.msk [tilespmem:v13+s23+$0x0], $0xffff  }
0x4d: {  	v13 =	vmov s18;
	v26 =	vld.idx.msk [tilespmem:v15+s14+$0x0], $0xffff  }
0x4e: {  	s16 =	simm.s32 $0x2;
	v15 =	vmov s17;
	v19 =	vld.idx.msk [tilespmem:v17+s21+$0x0], $0xffff  }
0x4f: {  	v16 =	vor.u32 s16, v3;
	v18 =	vld.idx.msk [tilespmem:v20+s21+$0x0], $0xffff  }
0x50: {  	v24 =	vor.u32 s16, v0;
	v20 =	vld.idx.msk [tilespmem:v20+s23+$0x0], $0xffff;
	v27 =	vadd.f32 v14, v22  }
0x51: {  	s28 =	simm.s32 $0x201;
	v17 =	vld.idx.msk [tilespmem:v17+s23+$0x0], $0xffff  }
0x52: {  	v13 =	vld.idx.msk [tilespmem:v13+s14+$0x0], $0xffff;
	v25 =	vadd.f32 v23, v21;
	v22 =	vmov s28;
	v28 =	vmul.f32 $2.000000030e-01, v27  }
0x53: {  	v23 =	vimm.f32 $0.0e+00;
	v15 =	vld.idx.msk [tilespmem:v15+s14+$0x0], $0xffff  }
0x54: {  	s0 =	simm.s32 $0x3;
	v21 =	vmov s16;
	v14 =	vld.idx.msk [tilespmem:v16+s21+$0x0], $0xffff;
	v28 =	vmax.f32 v27, v28;
	v27 =	vmul.f32 $2.000000030e-01, v25  }
.LBB2_6:
0x55: {  	v29 =	vor.u32 s0, v3;
	v26 =	vmul.f32 v28, v26;
	v28 =	vmov v18;
	v18 =	vld.idx.msk [tilespmem:v24+s21+$0x0], $0xffff;
	s17 =	smov.u32 s0;
	p0 =	sne.s32 s0, $0x7F  }
.Ltmp1:
0x56: {  	v28 =	vadd.f32 v20, v28;
	v20 =	vld.idx.msk [tilespmem:v24+s23+$0x0], $0xffff;
	v24 =	vor.u32 s0, v0;
	v25 =	vmax.f32 v25, v27;
	(pc) =	sbr.rel @p0 .LBB2_6-.Ltmp1, $4  }
0x57: {  	s16 =	sadd.s32 $0x200, s16;
	s0 =	sadd.s32 $0x1, s0;
	v23 =	vadd.f32 v26, v23;
	v30 =	vmul.f32 v25, v13;
	v13 =	vld.idx.msk [tilespmem:v22+s14+$0x0], $0xffff  }
0x58: {  	v22 =	vmov s16;
	v25 =	vadd.f32 v17, v19;
	s16 =	smov.u32 s17;
	v27 =	vmul.f32 $2.000000030e-01, v28;
	v17 =	vld.idx.msk [tilespmem:v16+s23+$0x0], $0xffff;
	v16 =	vmovc v29  }
0x59: {  	v23 =	vadd.f32 v30, v23;
	v26 =	vmov v15;
	v15 =	vld.idx.msk [tilespmem:v21+s14+$0x0], $0xffff  }
0x5a: {  	v21 =	vmov s16;
	v19 =	vmovc v14;
	v28 =	vmax.f32 v28, v27;
	v27 =	vmul.f32 $2.000000030e-01, v25;
	v14 =	vld.idx.msk [tilespmem:v29+s21+$0x0], $0xffff  }
0x5b: {  	_ =	sdelay $0x3  }
0x5c: {  	v29 =	vld.idx.msk [tilespmem:v24+s21+$0x0], $0xffff  }
0x5d: {  	v24 =	vld.idx.msk [tilespmem:v24+s23+$0x0], $0xffff  }
0x5e: {  	v18 =	vadd.f32 v20, v18;
	s0 =	sadd.s32 $0x200, s16  }
0x5f: {  	v20 =	vmul.f32 v28, v26;
	v16 =	vld.idx.msk [tilespmem:v16+s23+$0x0], $0xffff;
	v26 =	vmov s0  }
0x60: {  	v22 =	vld.idx.msk [tilespmem:v22+s14+$0x0], $0xffff;
	v25 =	vmax.f32 v25, v27;
	v27 =	vmul.f32 $2.000000030e-01, v18;
	v17 =	vadd.f32 v17, v19  }
0x61: {  	v19 =	vadd.f32 v20, v23;
	v13 =	vmul.f32 v25, v13  }
0x62: {  	v20 =	vld.idx.msk [tilespmem:v21+s14+$0x0], $0xffff;
	v18 =	vmax.f32 v18, v27;
	v21 =	vmul.f32 $2.000000030e-01, v17;
	v23 =	vadd.f32 v24, v29  }
0x63: {  	v13 =	vadd.f32 v13, v19;
	v15 =	vmul.f32 v18, v15  }
0x64: {  	v14 =	vadd.f32 v16, v14;
	v17 =	vmax.f32 v17, v21;
	v18 =	vld.idx.msk [tilespmem:v26+s14+$0x0], $0xffff;
	v19 =	vmul.f32 $2.000000030e-01, v23  }
0x65: {  	v13 =	vadd.f32 v15, v13;
	v15 =	vmul.f32 v17, v22  }
0x66: {  	v17 =	vmul.f32 $2.000000030e-01, v14;
	v16 =	vmax.f32 v23, v19  }
0x67: {  	v13 =	vadd.f32 v15, v13;
	v15 =	vmul.f32 v16, v20  }
0x68: {  	v14 =	vmax.f32 v14, v17  }
0x69: {  	v14 =	vmul.f32 v14, v18;
	v13 =	vadd.f32 v15, v13;
	_ =	sdelay $0x1  }
0x6a: {  	v13 =	vadd.f32 v14, v13;
	_ =	sdelay $0x1  }
0x6b: {  	v13 =	vmul.f32 $1.442695020e+00, v13;
	_ =	sdelay $0x1  }
0x6c: {  	(erf) = vpow2.f32 v13;
	_ =	sdelay $0x1  }
0x6d: {  	s16 =	simm.s32 $0x0  }
0x6e: {  	v13 =	vmov s16  }
0x6f: {  	v13 =	vand.u32 $0x7F, v13  }
0x70: {  	v13 =	vbroadcast v13, $0x0;
	_ =	sdelay $0x1  }
0x71: {  	s17 =	simm.s32 $0x1;
	v14 =	vor.u32 v4, v13  }
0x72: {  	v16 =	vmov s17  }
0x73: {  	v16 =	vand.u32 $0x7F, v16;
	v13 =	vor.u32 v5, v13;
	v15 =	vpop (erf)  }
0x74: {  	s28 =	simm.s32 $0x80;
	v16 =	vbroadcast v16, $0x0;
	[tilespmem:s13+$0x800] =	vst v15  }
0x75: {  	v18 =	vmov s28;
	[tilespmem:v1+s26+$0x0] =	vst.idx.msk $0xffff, v15  }
0x76: {  	v19 =	vor.u32 v4, v16;
	v17 =	vld.idx.msk [tilespmem:v14+s21+$0x0], $0xffff  }
0x77: {  	v14 =	vld.idx.msk [tilespmem:v14+s23+$0x0], $0xffff  }
0x78: {  	s18 =	simm.s32 $0x280;
	v16 =	vor.u32 v5, v16;
	s16 =	simm.s32 $0x2;
	v20 =	vld.idx.msk [tilespmem:v13+s21+$0x0], $0xffff  }
0x79: {  	v21 =	vmov s16;
	v15 =	vmov s18;
	v13 =	vld.idx.msk [tilespmem:v13+s23+$0x0], $0xffff  }
0x7a: {  	s17 =	simm.s32 $0x281;
	v21 =	vand.u32 $0x7F, v21;
	v26 =	vld.idx.msk [tilespmem:v18+s14+$0x0], $0xffff  }
0x7b: {  	v22 =	vmov s17;
	v21 =	vbroadcast v21, $0x0;
	s18 =	simm.s32 $0x81;
	v28 =	vld.idx.msk [tilespmem:v19+s21+$0x0], $0xffff  }
0x7c: {  	v24 =	vmov s18;
	v30 =	vld.idx.msk [tilespmem:v19+s23+$0x0], $0xffff  }
0x7d: {  	s16 =	simm.s32 $0x3;
	v29 =	vor.u32 v4, v21;
	v18 =	vld.idx.msk [tilespmem:v16+s23+$0x0], $0xffff;
	v19 =	vadd.f32 v14, v17  }
0x7e: {  	v15 =	vld.idx.msk [tilespmem:v15+s14+$0x0], $0xffff;
	v14 =	vmov s16;
	v31 =	vadd.f32 v13, v20  }
0x7f: {  	v17 =	vld.idx.msk [tilespmem:v16+s21+$0x0], $0xffff;
	v20 =	vor.u32 v5, v21;
	v14 =	vand.u32 $0x7F, v14;
	v16 =	vmul.f32 $2.000000030e-01, v19  }
0x80: {  	s28 =	simm.s32 $0x282;
	v13 =	vld.idx.msk [tilespmem:v22+s14+$0x0], $0xffff;
	v25 =	vbroadcast v14, $0x0  }
0x81: {  	s17 =	simm.s32 $0x82;
	v14 =	vld.idx.msk [tilespmem:v24+s14+$0x0], $0xffff;
	v32 =	vmul.f32 $2.000000030e-01, v31;
	v21 =	vmax.f32 v19, v16;
	v16 =	vmov s28  }
0x82: {  	v23 =	vimm.f32 $0.0e+00;
	v24 =	vmov s17;
	v19 =	vld.idx.msk [tilespmem:v29+s21+$0x0], $0xffff;
	v27 =	vmul.f32 v21, v26  }
0x83: {  	s17 =	simm.s32 $0x4;
	v22 =	vor.u32 v4, v25;
	v21 =	vld.idx.msk [tilespmem:v29+s23+$0x0], $0xffff;
	v26 =	vadd.f32 v30, v28;
	v28 =	vmax.f32 v31, v32  }
.LBB2_8:
0x84: {  	v29 =	vmov s17;
	v23 =	vadd.f32 v27, v23;
	v31 =	vmul.f32 v28, v15;
	v27 =	vmovc v17;
	v17 =	vld.idx.msk [tilespmem:v20+s21+$0x0], $0xffff;
	s0 =	smov.u32 s17;
	p0 =	sne.s32 s17, $0x7F  }
.Ltmp2:
0x85: {  	s18 =	sadd.s32 $0x280, s16;
	v28 =	vmul.f32 $2.000000030e-01, v26;
	v30 =	vadd.f32 v18, v27;
	v18 =	vld.idx.msk [tilespmem:v20+s23+$0x0], $0xffff;
	v20 =	vor.u32 v5, v25;
	(pc) =	sbr.rel @p0 .LBB2_8-.Ltmp2, $4  }
0x86: {  	s17 =	sadd.s32 $0x1, s17;
	v25 =	vand.u32 $0x7F, v29;
	v15 =	vmovc v13;
	v23 =	vadd.f32 v31, v23;
	v13 =	vld.idx.msk [tilespmem:v16+s14+$0x0], $0xffff;
	v16 =	vmov s18  }
0x87: {  	v25 =	vbroadcast v25, $0x0;
	s18 =	sadd.s32 $0x80, s16;
	s16 =	smov.u32 s0;
	v29 =	vmax.f32 v26, v28;
	v28 =	vmul.f32 $2.000000030e-01, v30;
	v27 =	vmovc v14;
	v14 =	vld.idx.msk [tilespmem:v24+s14+$0x0], $0xffff  }
0x88: {  	v24 =	vmov s18;
	v26 =	vmov v19;
	v27 =	vmul.f32 v29, v27;
	v19 =	vld.idx.msk [tilespmem:v22+s21+$0x0], $0xffff  }
0x89: {  	v26 =	vadd.f32 v21, v26;
	v21 =	vld.idx.msk [tilespmem:v22+s23+$0x0], $0xffff;
	v22 =	vor.u32 v4, v25;
	v28 =	vmax.f32 v30, v28  }
0x8a: {  	_ =	sdelay $0x3  }
0x8b: {  	v29 =	vld.idx.msk [tilespmem:v20+s21+$0x0], $0xffff;
	v25 =	vor.u32 v5, v25  }
0x8c: {  	v20 =	vld.idx.msk [tilespmem:v20+s23+$0x0], $0xffff  }
0x8d: {  	v24 =	vld.idx.msk [tilespmem:v24+s14+$0x0], $0xffff  }
0x8e: {  	v17 =	vadd.f32 v18, v17;
	s0 =	sadd.s32 $0x80, s16;
	v18 =	vld.idx.msk [tilespmem:v22+s21+$0x0], $0xffff;
	v30 =	vmul.f32 $2.000000030e-01, v26  }
0x8f: {  	v23 =	vadd.f32 v27, v23;
	v15 =	vmul.f32 v28, v15;
	v22 =	vld.idx.msk [tilespmem:v22+s23+$0x0], $0xffff;
	v27 =	vmov s0  }
0x90: {  	s17 =	sadd.s32 $0x280, s16;
	v28 =	vmul.f32 $2.000000030e-01, v17;
	v26 =	vmax.f32 v26, v30;
	v19 =	vadd.f32 v21, v19;
	v21 =	vld.idx.msk [tilespmem:v25+s21+$0x0], $0xffff  }
0x91: {  	v15 =	vadd.f32 v15, v23;
	v30 =	vmov s17;
	v14 =	vmul.f32 v26, v14;
	v23 =	vld.idx.msk [tilespmem:v25+s23+$0x0], $0xffff  }
0x92: {  	v16 =	vld.idx.msk [tilespmem:v16+s14+$0x0], $0xffff;
	v17 =	vmax.f32 v17, v28;
	v20 =	vadd.f32 v20, v29;
	v25 =	vmul.f32 $2.000000030e-01, v19  }
0x93: {  	v13 =	vmul.f32 v17, v13;
	v14 =	vadd.f32 v14, v15  }
0x94: {  	v18 =	vadd.f32 v22, v18;
	v15 =	vld.idx.msk [tilespmem:v27+s14+$0x0], $0xffff;
	v17 =	vmax.f32 v19, v25;
	v19 =	vmul.f32 $2.000000030e-01, v20  }
0x95: {  	v13 =	vadd.f32 v13, v14;
	v14 =	vmul.f32 v17, v24  }
0x96: {  	v17 =	vld.idx.msk [tilespmem:v30+s14+$0x0], $0xffff;
	v19 =	vmax.f32 v20, v19;
	v20 =	vmul.f32 $2.000000030e-01, v18;
	v21 =	vadd.f32 v23, v21  }
0x97: {  	v13 =	vadd.f32 v14, v13;
	v14 =	vmul.f32 v19, v16  }
0x98: {  	v16 =	vmax.f32 v18, v20;
	v18 =	vmul.f32 $2.000000030e-01, v21  }
0x99: {  	v13 =	vadd.f32 v14, v13;
	v14 =	vmul.f32 v16, v15  }
0x9a: {  	v15 =	vmax.f32 v21, v18  }
0x9b: {  	v13 =	vadd.f32 v14, v13;
	v14 =	vmul.f32 v15, v17;
	_ =	sdelay $0x1  }
0x9c: {  	v13 =	vadd.f32 v14, v13;
	_ =	sdelay $0x1  }
0x9d: {  	v13 =	vmul.f32 $1.442695020e+00, v13;
	_ =	sdelay $0x1  }
0x9e: {  	(erf) = vpow2.f32 v13;
	_ =	sdelay $0x1  }
0x9f: {  	s18 =	simm.s32 $0x0  }
0xa0: {  	v13 =	vmov s18  }
0xa1: {  	v13 =	vand.u32 $0x7F, v13  }
0xa2: {  	v13 =	vbroadcast v13, $0x0;
	_ =	sdelay $0x1  }
0xa3: {  	s28 =	simm.s32 $0x1;
	v14 =	vor.u32 v7, v13  }
0xa4: {  	s16 =	sand.u32 $0x380, s13;
	s13 =	sand.u32 $0x70, s13;
	v16 =	vmov s28  }
0xa5: {  	s17 =	sor.u32 s13, s16;
	v16 =	vand.u32 $0x7F, v16;
	v13 =	vor.u32 v8, v13;
	v15 =	vpop (erf)  }
0xa6: {  	v16 =	vbroadcast v16, $0x0;
	s18 =	simm.s32 $0x100;
	[tilespmem:s17+$0xC00] =	vst v15  }
0xa7: {  	v18 =	vmov s18;
	[tilespmem:v6+s26+$0x0] =	vst.idx.msk $0xffff, v15  }
0xa8: {  	v19 =	vor.u32 v7, v16;
	v17 =	vld.idx.msk [tilespmem:v14+s21+$0x0], $0xffff  }
0xa9: {  	v14 =	vld.idx.msk [tilespmem:v14+s23+$0x0], $0xffff  }
0xaa: {  	s28 =	simm.s32 $0x2;
	v16 =	vor.u32 v8, v16;
	s17 =	simm.s32 $0x300;
	v20 =	vld.idx.msk [tilespmem:v13+s21+$0x0], $0xffff  }
0xab: {  	v21 =	vmov s28;
	v15 =	vmov s17;
	v13 =	vld.idx.msk [tilespmem:v13+s23+$0x0], $0xffff  }
0xac: {  	v21 =	vand.u32 $0x7F, v21;
	s17 =	simm.s32 $0x301;
	v26 =	vld.idx.msk [tilespmem:v18+s14+$0x0], $0xffff  }
0xad: {  	v21 =	vbroadcast v21, $0x0;
	s18 =	simm.s32 $0x101;
	v22 =	vmov s17;
	v28 =	vld.idx.msk [tilespmem:v19+s21+$0x0], $0xffff  }
0xae: {  	v24 =	vmov s18;
	v30 =	vld.idx.msk [tilespmem:v19+s23+$0x0], $0xffff  }
0xaf: {  	v29 =	vor.u32 v7, v21;
	s17 =	simm.s32 $0x3;
	v18 =	vld.idx.msk [tilespmem:v16+s23+$0x0], $0xffff;
	v19 =	vadd.f32 v14, v17  }
0xb0: {  	v15 =	vld.idx.msk [tilespmem:v15+s14+$0x0], $0xffff;
	v14 =	vmov s17;
	v31 =	vadd.f32 v13, v20  }
0xb1: {  	v17 =	vld.idx.msk [tilespmem:v16+s21+$0x0], $0xffff;
	v20 =	vor.u32 v8, v21;
	v14 =	vand.u32 $0x7F, v14;
	v16 =	vmul.f32 $2.000000030e-01, v19  }
0xb2: {  	s28 =	simm.s32 $0x302;
	v13 =	vld.idx.msk [tilespmem:v22+s14+$0x0], $0xffff;
	v25 =	vbroadcast v14, $0x0  }
0xb3: {  	s18 =	simm.s32 $0x102;
	v14 =	vld.idx.msk [tilespmem:v24+s14+$0x0], $0xffff;
	v32 =	vmul.f32 $2.000000030e-01, v31;
	v21 =	vmax.f32 v19, v16;
	v16 =	vmov s28  }
0xb4: {  	v23 =	vimm.f32 $0.0e+00;
	v24 =	vmov s18;
	v19 =	vld.idx.msk [tilespmem:v29+s21+$0x0], $0xffff;
	v27 =	vmul.f32 v21, v26  }
0xb5: {  	s0 =	simm.s32 $0x4;
	v22 =	vor.u32 v7, v25;
	v21 =	vld.idx.msk [tilespmem:v29+s23+$0x0], $0xffff;
	v26 =	vadd.f32 v30, v28;
	v28 =	vmax.f32 v31, v32  }
.LBB2_10:
0xb6: {  	v29 =	vmov s0;
	v23 =	vadd.f32 v27, v23;
	v31 =	vmul.f32 v28, v15;
	v27 =	vmovc v17;
	v17 =	vld.idx.msk [tilespmem:v20+s21+$0x0], $0xffff;
	s18 =	smov.u32 s0;
	p0 =	sne.s32 s0, $0x7F  }
.Ltmp3:
0xb7: {  	s28 =	sadd.s32 $0x300, s17;
	v28 =	vmul.f32 $2.000000030e-01, v26;
	v30 =	vadd.f32 v18, v27;
	v18 =	vld.idx.msk [tilespmem:v20+s23+$0x0], $0xffff;
	v20 =	vor.u32 v8, v25;
	(pc) =	sbr.rel @p0 .LBB2_10-.Ltmp3, $4  }
0xb8: {  	s0 =	sadd.s32 $0x1, s0;
	v25 =	vand.u32 $0x7F, v29;
	v15 =	vmovc v13;
	v23 =	vadd.f32 v31, v23;
	v13 =	vld.idx.msk [tilespmem:v16+s14+$0x0], $0xffff;
	v16 =	vmov s28  }
0xb9: {  	v25 =	vbroadcast v25, $0x0;
	s28 =	sadd.s32 $0x100, s17;
	s17 =	smov.u32 s18;
	v29 =	vmax.f32 v26, v28;
	v28 =	vmul.f32 $2.000000030e-01, v30;
	v27 =	vmovc v14;
	v14 =	vld.idx.msk [tilespmem:v24+s14+$0x0], $0xffff  }
0xba: {  	v24 =	vmov s28;
	v26 =	vmov v19;
	v27 =	vmul.f32 v29, v27;
	v19 =	vld.idx.msk [tilespmem:v22+s21+$0x0], $0xffff  }
0xbb: {  	v26 =	vadd.f32 v21, v26;
	v21 =	vld.idx.msk [tilespmem:v22+s23+$0x0], $0xffff;
	v22 =	vor.u32 v7, v25;
	v28 =	vmax.f32 v30, v28  }
0xbc: {  	_ =	sdelay $0x3  }
0xbd: {  	v29 =	vld.idx.msk [tilespmem:v20+s21+$0x0], $0xffff;
	v25 =	vor.u32 v8, v25  }
0xbe: {  	v20 =	vld.idx.msk [tilespmem:v20+s23+$0x0], $0xffff  }
0xbf: {  	v24 =	vld.idx.msk [tilespmem:v24+s14+$0x0], $0xffff  }
0xc0: {  	v17 =	vadd.f32 v18, v17;
	s0 =	sadd.s32 $0x100, s17;
	v18 =	vld.idx.msk [tilespmem:v22+s21+$0x0], $0xffff;
	v30 =	vmul.f32 $2.000000030e-01, v26  }
0xc1: {  	v23 =	vadd.f32 v27, v23;
	v15 =	vmul.f32 v28, v15;
	v22 =	vld.idx.msk [tilespmem:v22+s23+$0x0], $0xffff;
	v27 =	vmov s0  }
0xc2: {  	s17 =	sadd.s32 $0x300, s17;
	v28 =	vmul.f32 $2.000000030e-01, v17;
	v26 =	vmax.f32 v26, v30;
	v19 =	vadd.f32 v21, v19;
	v21 =	vld.idx.msk [tilespmem:v25+s21+$0x0], $0xffff  }
0xc3: {  	v15 =	vadd.f32 v15, v23;
	v30 =	vmov s17;
	v14 =	vmul.f32 v26, v14;
	v23 =	vld.idx.msk [tilespmem:v25+s23+$0x0], $0xffff  }
0xc4: {  	v16 =	vld.idx.msk [tilespmem:v16+s14+$0x0], $0xffff;
	v17 =	vmax.f32 v17, v28;
	v20 =	vadd.f32 v20, v29;
	v25 =	vmul.f32 $2.000000030e-01, v19  }
0xc5: {  	v13 =	vmul.f32 v17, v13;
	v14 =	vadd.f32 v14, v15  }
0xc6: {  	v18 =	vadd.f32 v22, v18;
	v15 =	vld.idx.msk [tilespmem:v27+s14+$0x0], $0xffff;
	v17 =	vmax.f32 v19, v25;
	v19 =	vmul.f32 $2.000000030e-01, v20  }
0xc7: {  	v13 =	vadd.f32 v13, v14;
	v14 =	vmul.f32 v17, v24  }
0xc8: {  	v17 =	vld.idx.msk [tilespmem:v30+s14+$0x0], $0xffff;
	v19 =	vmax.f32 v20, v19;
	v20 =	vmul.f32 $2.000000030e-01, v18;
	v21 =	vadd.f32 v23, v21  }
0xc9: {  	v13 =	vadd.f32 v14, v13;
	v14 =	vmul.f32 v19, v16  }
0xca: {  	v16 =	vmax.f32 v18, v20;
	v18 =	vmul.f32 $2.000000030e-01, v21  }
0xcb: {  	v13 =	vadd.f32 v14, v13;
	v14 =	vmul.f32 v16, v15  }
0xcc: {  	v15 =	vmax.f32 v21, v18  }
0xcd: {  	v13 =	vadd.f32 v14, v13;
	v14 =	vmul.f32 v15, v17;
	_ =	sdelay $0x1  }
0xce: {  	v13 =	vadd.f32 v14, v13;
	_ =	sdelay $0x1  }
0xcf: {  	v13 =	vmul.f32 $1.442695020e+00, v13;
	_ =	sdelay $0x1  }
0xd0: {  	(erf) = vpow2.f32 v13;
	_ =	sdelay $0x1  }
0xd1: {  	s18 =	simm.s32 $0x0  }
0xd2: {  	v13 =	vmov s18  }
0xd3: {  	v13 =	vand.u32 $0x7F, v13  }
0xd4: {  	v13 =	vbroadcast v13, $0x0;
	_ =	sdelay $0x1  }
0xd5: {  	s28 =	simm.s32 $0x1;
	v14 =	vor.u32 v10, v13  }
0xd6: {  	v16 =	vmov s28  }
0xd7: {  	s13 =	sadd.s32 s13, s16;
	v16 =	vand.u32 $0x7F, v16;
	v13 =	vor.u32 v11, v13;
	v15 =	vpop (erf)  }
0xd8: {  	v16 =	vbroadcast v16, $0x0;
	s18 =	simm.s32 $0x180;
	[tilespmem:s13+$0x1000] =	vst v15  }
0xd9: {  	v18 =	vmov s18;
	[tilespmem:v9+s26+$0x0] =	vst.idx.msk $0xffff, v15  }
0xda: {  	v19 =	vor.u32 v10, v16;
	v17 =	vld.idx.msk [tilespmem:v14+s21+$0x0], $0xffff  }
0xdb: {  	v14 =	vld.idx.msk [tilespmem:v14+s23+$0x0], $0xffff  }
0xdc: {  	s17 =	simm.s32 $0x380;
	s28 =	simm.s32 $0x2;
	v16 =	vor.u32 v11, v16;
	v20 =	vld.idx.msk [tilespmem:v13+s21+$0x0], $0xffff  }
0xdd: {  	v21 =	vmov s28;
	v15 =	vmov s17;
	v13 =	vld.idx.msk [tilespmem:v13+s23+$0x0], $0xffff  }
0xde: {  	s16 =	simm.s32 $0x381;
	v21 =	vand.u32 $0x7F, v21;
	v26 =	vld.idx.msk [tilespmem:v18+s14+$0x0], $0xffff  }
0xdf: {  	v22 =	vmov s16;
	v21 =	vbroadcast v21, $0x0;
	s17 =	simm.s32 $0x181;
	v28 =	vld.idx.msk [tilespmem:v19+s21+$0x0], $0xffff  }
0xe0: {  	v24 =	vmov s17;
	v30 =	vld.idx.msk [tilespmem:v19+s23+$0x0], $0xffff  }
0xe1: {  	s16 =	simm.s32 $0x3;
	v29 =	vor.u32 v10, v21;
	v18 =	vld.idx.msk [tilespmem:v16+s23+$0x0], $0xffff;
	v19 =	vadd.f32 v14, v17  }
0xe2: {  	v15 =	vld.idx.msk [tilespmem:v15+s14+$0x0], $0xffff;
	v14 =	vmov s16;
	v31 =	vadd.f32 v13, v20  }
0xe3: {  	v17 =	vld.idx.msk [tilespmem:v16+s21+$0x0], $0xffff;
	v20 =	vor.u32 v11, v21;
	v14 =	vand.u32 $0x7F, v14;
	v16 =	vmul.f32 $2.000000030e-01, v19  }
0xe4: {  	s18 =	simm.s32 $0x382;
	v13 =	vld.idx.msk [tilespmem:v22+s14+$0x0], $0xffff;
	v25 =	vbroadcast v14, $0x0  }
0xe5: {  	s28 =	simm.s32 $0x182;
	v14 =	vld.idx.msk [tilespmem:v24+s14+$0x0], $0xffff;
	v32 =	vmul.f32 $2.000000030e-01, v31;
	v21 =	vmax.f32 v19, v16;
	v16 =	vmov s18  }
0xe6: {  	v23 =	vimm.f32 $0.0e+00;
	v24 =	vmov s28;
	v19 =	vld.idx.msk [tilespmem:v29+s21+$0x0], $0xffff;
	v27 =	vmul.f32 v21, v26  }
0xe7: {  	s0 =	simm.s32 $0x4;
	v22 =	vor.u32 v10, v25;
	v21 =	vld.idx.msk [tilespmem:v29+s23+$0x0], $0xffff;
	v26 =	vadd.f32 v30, v28;
	v28 =	vmax.f32 v31, v32  }
.LBB2_12:
0xe8: {  	v29 =	vmov s0;
	v23 =	vadd.f32 v27, v23;
	v31 =	vmul.f32 v28, v15;
	v27 =	vmovc v17;
	v17 =	vld.idx.msk [tilespmem:v20+s21+$0x0], $0xffff;
	s17 =	smov.u32 s0;
	p0 =	sne.s32 s0, $0x7F  }
.Ltmp4:
0xe9: {  	s18 =	sadd.s32 $0x380, s16;
	v28 =	vmul.f32 $2.000000030e-01, v26;
	v30 =	vadd.f32 v18, v27;
	v18 =	vld.idx.msk [tilespmem:v20+s23+$0x0], $0xffff;
	v20 =	vor.u32 v11, v25;
	(pc) =	sbr.rel @p0 .LBB2_12-.Ltmp4, $4  }
0xea: {  	s0 =	sadd.s32 $0x1, s0;
	v25 =	vand.u32 $0x7F, v29;
	v15 =	vmovc v13;
	v23 =	vadd.f32 v31, v23;
	v13 =	vld.idx.msk [tilespmem:v16+s14+$0x0], $0xffff;
	v16 =	vmov s18  }
0xeb: {  	v25 =	vbroadcast v25, $0x0;
	s18 =	sadd.s32 $0x180, s16;
	s16 =	smov.u32 s17;
	v29 =	vmax.f32 v26, v28;
	v28 =	vmul.f32 $2.000000030e-01, v30;
	v27 =	vmovc v14;
	v14 =	vld.idx.msk [tilespmem:v24+s14+$0x0], $0xffff  }
0xec: {  	v24 =	vmov s18;
	v26 =	vmov v19;
	v27 =	vmul.f32 v29, v27;
	v19 =	vld.idx.msk [tilespmem:v22+s21+$0x0], $0xffff  }
0xed: {  	v26 =	vadd.f32 v21, v26;
	v21 =	vld.idx.msk [tilespmem:v22+s23+$0x0], $0xffff;
	v22 =	vor.u32 v10, v25;
	v28 =	vmax.f32 v30, v28  }
0xee: {  	_ =	sdelay $0x3  }
0xef: {  	v29 =	vld.idx.msk [tilespmem:v20+s21+$0x0], $0xffff;
	v25 =	vor.u32 v11, v25  }
0xf0: {  	v50 =	vld.idx.msk [tilespmem:v20+s23+$0x0], $0xffff  }
0xf1: {  	v24 =	vld.idx.msk [tilespmem:v24+s14+$0x0], $0xffff  }
0xf2: {  	v17 =	vadd.f32 v18, v17;
	s0 =	sadd.s32 $0x180, s16;
	v51 =	vld.idx.msk [tilespmem:v22+s21+$0x0], $0xffff;
	v30 =	vmul.f32 $2.000000030e-01, v26  }
0xf3: {  	v23 =	vadd.f32 v27, v23;
	v15 =	vmul.f32 v28, v15;
	v53 =	vld.idx.msk [tilespmem:v22+s23+$0x0], $0xffff;
	v52 =	vmov s0  }
0xf4: {  	s28 =	sadd.s32 $0x380, s16;
	v54 =	vmul.f32 $2.000000030e-01, v17;
	v26 =	vmax.f32 v26, v30;
	v19 =	vadd.f32 v21, v19;
	v55 =	vld.idx.msk [tilespmem:v25+s21+$0x0], $0xffff  }
0xf5: {  	v56 =	vmov s28;
	v15 =	vadd.f32 v15, v23;
	v14 =	vmul.f32 v26, v14;
	v25 =	vld.idx.msk [tilespmem:v25+s23+$0x0], $0xffff  }
0xf6: {  	v16 =	vld.idx.msk [tilespmem:v16+s14+$0x0], $0xffff;
	v17 =	vmax.f32 v17, v54;
	v20 =	vadd.f32 v50, v29;
	v57 =	vmul.f32 $2.000000030e-01, v19  }
0xf7: {  	v13 =	vmul.f32 v17, v13;
	v14 =	vadd.f32 v14, v15  }
0xf8: {  	v18 =	vadd.f32 v53, v51;
	v15 =	vld.idx.msk [tilespmem:v52+s14+$0x0], $0xffff;
	v59 =	vmul.f32 $2.000000030e-01, v20;
	v58 =	vmax.f32 v19, v57  }
0xf9: {  	v13 =	vadd.f32 v13, v14;
	v14 =	vmul.f32 v58, v24  }
0xfa: {  	v60 =	vld.idx.msk [tilespmem:v56+s14+$0x0], $0xffff;
	v61 =	vmul.f32 $2.000000030e-01, v18;
	v19 =	vmax.f32 v20, v59;
	v21 =	vadd.f32 v25, v55  }
0xfb: {  	v13 =	vadd.f32 v14, v13;
	v14 =	vmul.f32 v19, v16  }
0xfc: {  	v62 =	vmax.f32 v18, v61;
	v63 =	vmul.f32 $2.000000030e-01, v21  }
0xfd: {  	v13 =	vadd.f32 v14, v13;
	v14 =	vmul.f32 v62, v15  }
0xfe: {  	v15 =	vmax.f32 v21, v63  }
0xff: {  	v13 =	vadd.f32 v14, v13;
	v14 =	vmul.f32 v15, v60;
	_ =	sdelay $0x1  }
0x100: {  	v13 =	vadd.f32 v14, v13;
	_ =	sdelay $0x1  }
0x101: {  	v13 =	vmul.f32 $1.442695020e+00, v13;
	_ =	sdelay $0x1  }
0x102: {  	(erf) = vpow2.f32 v13;
	_ =	sdelay $0x8  }
0x103: {  	s12 =	sadd.s32 $0x1, s12;
	v13 =	vpop (erf)  }
0x104: {  	p0 =	sne.s32 s12, $0x40;
	[tilespmem:s13+$0x1400] =	vst v13  }
.Ltmp5:
0x105: {  	[tilespmem:v12+s26+$0x0] =	vst.idx.msk $0xffff, v13;
	(pc) =	sbr.rel @p0 .LBB2_5-.Ltmp5, $4  }
0x106: {  	[spmem:s2] =	stream.indirect.scatter.add.f32 [tilespmem:s26], [sflag:$0x3], $0x80, s22, s19, $0xb8;
	[tilespmem:$0x1E500] =	vst v63  }
0x107: {  	_ =	swait.ge [sflag:s15], $0x800  }
0x108: {  	[sflag:s15] =	ssyncset.done $0x0  }
0x109: {  	[sflag:s15] =	ssyncadd.s32 $0xFFFFF800  }
0x10a: {  	s0 =	sadd.s32 s9, s11;
	s17 =	simm.s32 $0x800  }
0x10b: {  	[hbm4b:s0+s4] =	stream.linear.scatter [tilespmem:s17], [sflag:$0x3], $0x400, $0x38;
	[tilespmem:$0x1E500] =	vst v63  }
0x10c: {  	_ =	swait.ge [sflag:s15], $0x400  }
0x10d: {  	[sflag:s15] =	ssyncset.done $0x0  }
0x10e: {  	s18 =	sadd.s32 $0x5000, s0;
	[sflag:s15] =	ssyncadd.s32 $0xFFFFFC00  }
0x10f: {  	[hbm4b:s18+s4] =	stream.linear.scatter [tilespmem:s29], [sflag:$0x3], $0x400, $0x38;
	[tilespmem:$0x1E500] =	vst v63  }
0x110: {  	_ =	swait.ge [sflag:s15], $0x400  }
0x111: {  	[sflag:s15] =	ssyncset.done $0x0  }
0x112: {  	s28 =	sadd.s32 $0xA000, s0;
	[sflag:s15] =	ssyncadd.s32 $0xFFFFFC00  }
0x113: {  	[hbm4b:s28+s4] =	stream.linear.scatter [tilespmem:s30], [sflag:$0x3], $0x400, $0x38;
	[tilespmem:$0x1E500] =	vst v63  }
0x114: {  	s1 =	sadd.s32 $0x1, s1;
	_ =	swait.ge [sflag:s15], $0x400  }
0x115: {  	p0 =	sne.s32 s1, $0x5;
	[sflag:s15] =	ssyncset.done $0x0  }
.Ltmp6:
0x116: {  	s0 =	sadd.s32 $0xF000, s0;
	[sflag:s15] =	ssyncadd.s32 $0xFFFFFC00;
	(pc) =	sbr.rel @p0 .LBB2_4-.Ltmp6, $4  }
0x117: {  	[hbm4b:s0+s4] =	stream.linear.scatter [tilespmem:s31], [sflag:$0x3], $0x400, $0x38;
	[tilespmem:$0x1E500] =	vst v63  }
0x118: {  	_ =	swait.ge [sflag:s15], $0x400  }
0x119: {  	[sflag:s15] =	ssyncset.done $0x0  }
0x11a: {  	[sflag:s15] =	ssyncadd.s32 $0xFFFFFC00  }
0x11b: {  	[bflag:$0x0] =	sbarrier.arrive $0xFFFF  }
0x11c: {  	s0 =	rddreg [dreg:$0x6]  }
0x11d: {  	s1 =	rddreg [dreg:$0x8]  }
0x11e: {  	s3 =	rddreg [dreg:$0x9]  }
0x11f: {  	[hbm:s0], [sflag:s1] =	dma.local [spmem:s3], $0x2800  }
0x120: {  	_ =	swait.ge [sflag:s15], $0x2800  }
0x121: {  	s11 =	rddreg [dreg:$0xa]  }
0x122: {  	s28 =	rddreg [dreg:$0x7];
	s11 =	sadd.s32 $0x1, s11  }
0x123: {  	p0 =	sne.s32 s11, s28  }
.Ltmp7:
0x124: {  	_ = 	snop;
	(pc) =	sbr.rel @p0 .LBB2_1-.Ltmp7, $3  }
0x125: {  	_ =	sdelay $0x1  }
0x126: {  	[sflag:s15] =	ssyncset.done $0x0  }
0x127: {  	[sflag:s15] =	ssyncadd.s32 $0xFFFFD800  }
0x128: {  	_ =	sfence.sel $0x180000  }
0x129: {  	[bflag:$0x0] =	sbarrier.arrive $0xFFFF  }
0x12a: {  	_ =	strace $0x9000004D  }
0x12b: {  	s0 =	stileid.u32;
	[bflag:$0x2] =	sbarrier.arrive $0xFFFF  }
0x12c: {  	p0 =	sne.s32 s0, $0x0;
	s0 =	rddreg [dreg:$0x4]  }
0x12d: {  	s0 =	sadd.s32 @!p0 $0x100000, s0  }
0x12e: {  	[sflag:s0] =	ssyncadd.tile.s32 @!p0 $0x1;
	_ =	shalt  }
.Lfunc_end2:
_tile_overlayer_lowered:
.L_overlay_start_2:
0x12f: {  	(tag) =	ssettag $0x2  }
0x130: {  	s0 =	rddreg [dreg:$0x0];
	s2 =	stileid.u32  }
0x131: {  	s1 =	rddreg [dreg:$0x1];
	p0 =	sne.s32 s2, $0x0  }
0x132: {  	s3 =	rddreg [dreg:$0x2];
	[bflag:$0x3] =	sbarrier.arrive $0xFFFF;
	s2 =	simm.s32 @!p0 $0x1C03  }
0x133: {  	[timem:s3], [sflag:s2] =	dma.local @!p0 [hbm:s0], s1  }
0x134: {  	s0 =	simm.s32 @!p0 $0x3  }
0x135: {  	_ =	swait.ge @!p0 [sflag:s0], s1  }
0x136: {  	s1 =	ssub.s32 @!p0 $0x0, s1;
	[sflag:s0] =	ssyncset.done @!p0 $0x0  }
0x137: {  	[sflag:s0] =	ssyncadd.s32 @!p0 s1  }
0x138: {  	[bflag:$0x3] =	sbarrier.arrive $0xFFFF  }
0x139: {  	_ =	shalt  }

// kernel: sparse-core-data-format-call.1.cloned.1.call-start
scs
called_computation.1_lowered:
.L_overlay_start_0:
0x0: {  	s1 =	sld [smem:$0x3FD9]  }
0x1: {  	s2 =	sld [smem:$0x3FFE];
	_ =	sdelay $0x1  }
0x2: {  	s3 =	srdreg.scid  }
0x3: {  	s0 =	sand.u32 $0x1, s3  }
0x4: {  	s17 =	sshll.u32 s0, $0xA;
	s1 =	sadd.s32 s2, s1  }
0x5: {  	s1 =	sadd.s32 s1, s17  }
0x6: {  	[smem:$0x3FBA] =	sst s1  }
0x7: {  	_ = 	snop  }
0x8: {  	(tm) =	ssettm $0x1  }
0x9: {  	s18 =	sld [smem:$0x3FFB];
	_ =	sdelay $0x3  }
0xa: {  	_ =	strace s18  }
0xb: {  	s1 =	sld [smem:$0x3FFC];
	_ =	sdelay $0x3  }
0xc: {  	_ =	strace s1  }
0xd: {  	s1 =	sld [smem:$0x3FFD];
	_ =	sdelay $0x3  }
0xe: {  	_ =	strace s1  }
0xf: {  	_ =	strace $0x8FFFFFFF  }
0x10: {  	s19 =	sld [smem:$0x3FDB];
	_ =	sdelay $0x1  }
0x11: {  	s20 =	simm.s32 $_scs_section_size  }
0x12: {  	s4 =	simm.s32 $_size__tile_overlayer_lowered;
	s5 =	simm.s32 $_tile_overlayer_lowered  }
0x13: {  	s23 =	simm.s32 $0x1BFF;
	s22 =	sshll.u32 s5, $0x1;
	s1 =	sadd.s32 s20, s19  }
0x14: {  	s6 =	simm.s32 $0x0;
	s21 =	sshll.u32 s4, $0x1;
	s4 =	sadd.s32 s22, s1  }
0x15: {  	[timem:s6], [sflag:s23] =	dma.local [hbm:s4], s21  }
0x16: {  	_ =	swait.ge [sflag:s23], s21  }
0x17: {  	s2 =	ssub.s32 $0x0, s21;
	[sflag:s23] =	ssyncset.done $0x0  }
0x18: {  	[sflag:s23] =	ssyncadd.s32 s2;
	_ =	sdelay $0x1  }
0x19: {  	s24 =	simm.s32 $0x1B8B  }
0x1a: {  	_ =	swait.ge [sflag:s24], $0x1  }
0x1b: {  	[sflag:s24] =	ssyncset.done $0x0  }
0x1c: {  	s26 =	simm.s32 $0x1B8E;
	s25 =	sld [smem:$0x3FFE];
	[sflag:s24] =	ssyncadd.s32 $0xFFFFFFFF  }
0x1d: {  	s27 =	simm.s32 $execute0_lowered;
	[smem:$0x3FD2] =	sst s26  }
0x1e: {  	s4 =	sshll.u32 s27, $0x1;
	_ =	strace $0x80000046;
	[dreg:$0x1] =	wrdreg $0xFFFFFFFF  }
0x1f: {  	s28 =	simm.s32 $_size_execute0_lowered;
	s1 =	sadd.s32 s1, s4;
	[dreg:$0x0] =	wrdreg $0x0  }
0x20: {  	s4 =	sshll.u32 s28, $0x1;
	[dreg:$0x2] =	wrdreg s1  }
0x21: {  	[dreg:$0x3] =	wrdreg s4  }
0x22: {  	[dreg:$0x4] =	wrdreg $0xC0  }
0x23: {  	_ =	task [dreg:s6], $0x5FFFF  }
0x24: {  	[dreg:$0x1] =	wrdreg $0xFFFFFFFF  }
0x25: {  	[dreg:$0x0] =	wrdreg $0x60  }
0x26: {  	[dreg:$0x2] =	wrdreg s25  }
0x27: {  	[dreg:$0x3] =	wrdreg $0xA  }
0x28: {  	_ =	task.clear_ibuf [dreg:s6], $0x4FFFF;
	_ =	strace $0x90000046  }
0x29: {  	s29 =	simm.s32 $0xA;
	_ =	strace $0x80000048  }
0x2a: {  	_ =	swait.ge [sflag:s29], $0x1  }
0x2b: {  	[sflag:s29] =	ssyncadd.s32 $0xFFFFFFFF  }
0x2c: {  	_ =	strace $0x90000048  }
0x2d: {  	_ =	sfence  }
0x2e: {  	s30 =	sld [smem:$0x0];
	_ =	sdelay $0x2  }
0x2f: {  	s31 =	sshll.u32 s3, $0xD;
	s3 =	sshrl.u32 s3, $0x2  }
0x30: {  	s2 =	sand.u32 $0x4000, s31;
	s1 =	sadd.s32 s3, s30  }
0x31: {  	s0 =	sor.u32 s2, s0;
	s1 =	sshll.u32 s1, $0x11  }
0x32: {  	s0 =	sor.u32 s1, s0  }
0x33: {  	s0 =	sadd.s32 $0x8F2B, s0  }
0x34: {  	[sflag:s0] =	ssyncadd.remote.s32 $0x1  }
0x35: {  	_ =	sfence.sel $0xFFFF  }
0x36: {  	[dreg:$0x0] =	wrdreg $0xFFFFFFFF;
	(pc) =	sbr.abs _section_cstart, $3  }
0x37: {  	[dreg:$0x1] =	wrdreg $0xFFFFFFFF  }
0x38: {  	_ =	task.clear_ibuf [dreg:s6], $0x2FFFF;
	_ =	strace $0x9FFFFFFF  }
0x39: {  	(tm) =	ssettm $0x7FFFFFFF  }
tec
execute0_lowered:
.L_overlay_start_1:
0x0: {  	(tag) =	ssettag $0x1  }
0x1: {  	s0 =	srdreg.scid  }
0x2: {  	s1 =	sshll.u32 s0, $0x4  }
0x3: {  	s4 =	rddreg [dreg:$0x0];
	s0 =	stileid.u32;
	s1 =	sand.u32 $0x10, s1  }
0x4: {  	s7 =	simm.s32 $0x1;
	s8 =	simm.s32 $0x2;
	s2 =	sor.u32 s0, s1  }
0x5: {  	s9 =	simm.s32 $0x0;
	s12 =	simm.s32 $0x0;
	s2 =	sshll.u32 s2, $0x1  }
0x6: {  	s11 =	simm.s32 $0x0;
	s3 =	sadd.s32 $0x1E3800, s4;
	s6 =	ssub.s32 $0x500, s2  }
.Ltmp0:
0x7: {  	s4 =	sadd.s32 $0x323800, s4;
	s5 =	sand.u32 $0x3E, s6;
	(pc) =	sbr.rel .LBB1_1-.Ltmp0, $4  }
0x8: {  	s1 =	rddreg [dreg:$0x1];
	_ =	strace $0x80000047;
	p0 =	sne.s32 s5, $0x0  }
0x9: {  	s6 =	sshrl.u32 s6, $0x6;
	s5 =	simm.s32 $0x1;
	s7 =	simm.s32 @!p0 $0x0  }
0xa: {  	s10 =	smov.u32 s2;
	[sflag:s5] =	ssyncpa.u1 $0x0;
	s6 =	sadd.s32 s7, s6  }
0xb: {  	[sflag:s8] =	ssyncpa.u1 $0x0;
	s8 =	simm.s32 $0x0;
	s7 =	sadd.s32 $0x1, s6  }
.LBB1_9:
0xc: {  	s14 =	sadd.s32 $0x40, s10  }
0xd: {  	p1 =	sgt.s32 s14, $0x4FF  }
0xe: {  	s14 =	smov.u32 @p1 s2;
	p1 =	sne.s32 s11, s7  }
.Ltmp1:
0xf: {  	p0 =	slt.u32 s11, $0x2;
	(pc) =	sbr.rel @!p1 .LBB1_10-.Ltmp1, $4  }
0x10: {  	s13 =	simm.s32 @!p0 $0x2  }
0x11: {  	s15 =	sadd.s32 $0x1, s11;
	_ =	swait.ge @!p0 [sflag:s13], $0x4000  }
0x12: {  	s12 =	smov.u32 s10;
	s9 =	sadd.s32 $0x4000, s9;
	[sflag:s13] =	ssyncset.done @!p0 $0x0  }
0x13: {  	s11 =	smov.u32 s15;
	s10 =	smov.u32 s14;
	[sflag:s13] =	ssyncadd.s32 @!p0 $0xFFFFC000  }
.LBB1_1:
0x14: {  	p0 =	sge.u32 s11, s6  }
0x15: {  	s13 =	sxor.u32 @!p0 $0xFFFFFFFF, s11  }
0x16: {  	s31 =	sadd.s32 $0xFFFFFFFF, s11;
	s14 =	sshll.u32 @!p0 s10, $0xA;
	s13 =	sshll.u32 @!p0 s13, $0xE  }
0x17: {  	s15 =	simm.s32 @!p0 $0x0;
	s14 =	sadd.s32 @!p0 s3, s14;
	s13 =	sand.u32 @!p0 $0x4000, s13  }
0x18: {  	[tilespmem:s13], [sflag:$0x1] =	stream.linear.gather @!p0 [hbm4b:s14+s15], $0x4000, $0x38;
	[tilespmem:$0x10000] =	vst v63  }
0x19: {  	p0 =	sge.u32 s31, s6  }
.Ltmp2:
0x1a: {  	_ = 	snop;
	(pc) =	sbr.rel @p0 .LBB1_9-.Ltmp2, $1  }
0x1b: {  	_ =	sdelay $0x3  }
0x1c: {  	s13 =	sshll.u32 s9, $0x2  }
0x1d: {  	_ =	swait.ge [sflag:s5], $0x4000;
	s14 =	sshll.u32 s11, $0xE;
	s16 =	simm.s32 $0x0  }
0x1e: {  	p1 =	por $0x1, $0x1;
	s13 =	sand.u32 $0x10000, s13;
	[sflag:s5] =	ssyncset.done $0x0  }
0x1f: {  	s14 =	sand.u32 $0x4000, s14;
	s15 =	sshrl.u32 s13, $0x2;
	[sflag:s5] =	ssyncadd.s32 $0xFFFFC000  }
0x20: {  	s13 =	sor.u32 $0x8000, s14;
	s14 =	sadd.s32 $0x8040, s15;
	s15 =	sadd.s32 $0x40, s15  }
.LBB1_3:
0x21: {  	s16 =	sshll.u32 s16, $0x2  }
0x22: {  	p0 =	por p1, p1;
	s17 =	sshra.s32 s16, $0x2  }
0x23: {  	s18 =	simm.s32 $0x0;
	s16 =	sadd.s32 s17, s14;
	s17 =	sadd.s32 s17, s15  }
.LBB1_4:
0x24: {  	v0 =	vmov s17;
	_ =	sdelay $0x3  }
0x25: {  	s20 =	simm.s32 $0x0  }
0x26: {  	v6 =	vld.idx.msk [tilespmem:v0+s20+$0x30 ss:$0x1], $0xffff  }
0x27: {  	v7 =	vld.idx.msk [tilespmem:v0+s20+$0xFFFFFFC0 ss:$0x1], $0xffff  }
0x28: {  	v5 =	vld.idx.msk [tilespmem:v0+s20+$0xFFFFFFD0 ss:$0x1], $0xffff  }
0x29: {  	v4 =	vld.idx.msk [tilespmem:v0+s20+$0xFFFFFFE0 ss:$0x1], $0xffff  }
0x2a: {  	v3 =	vld.idx.msk [tilespmem:v0+s20+$0xFFFFFFF0 ss:$0x1], $0xffff  }
0x2b: {  	v1 =	vld.idx.msk [tilespmem:v0+s20+$0x0 ss:$0x1], $0xffff  }
0x2c: {  	v2 =	vld.idx.msk [tilespmem:v0+s20+$0x10 ss:$0x1], $0xffff;
	[tilespmem:s16+$0x30] =	vst v6  }
0x2d: {  	s19 =	simm.s32 $0x80;
	s21 =	simm.s32 $0x400;
	[tilespmem:s16+$0xFFFFFFC0] =	vst v7;
	v6 =	vld.idx.msk [tilespmem:v0+s20+$0x20 ss:$0x1], $0xffff;
	s20 =	smov.u32 s16  }
.LBB1_5:
0x2e: {  	p1 =	sne.s32 s21, $0xE00;
	v7 =	vld.idx.msk [tilespmem:v0+s19+$0x30 ss:$0x1], $0xffff;
	[tilespmem:s20+$0xFFFFFFD0] =	vst v5  }
0x2f: {  	v8 =	vld.idx.msk [tilespmem:v0+s19+$0xFFFFFFC0 ss:$0x1], $0xffff;
	[tilespmem:s20+$0xFFFFFFE0] =	vst v4  }
0x30: {  	v5 =	vld.idx.msk [tilespmem:v0+s19+$0xFFFFFFD0 ss:$0x1], $0xffff;
	[tilespmem:s20+$0xFFFFFFF0] =	vst v3  }
.Ltmp3:
0x31: {  	v4 =	vld.idx.msk [tilespmem:v0+s19+$0xFFFFFFE0 ss:$0x1], $0xffff;
	[tilespmem:s20+$0x0] =	vst v1;
	(pc) =	sbr.rel @p1 .LBB1_5-.Ltmp3, $4  }
0x32: {  	v3 =	vld.idx.msk [tilespmem:v0+s19+$0xFFFFFFF0 ss:$0x1], $0xffff;
	[tilespmem:s20+$0x10] =	vst v2  }
0x33: {  	v1 =	vld.idx.msk [tilespmem:v0+s19+$0x0 ss:$0x1], $0xffff;
	[tilespmem:s20+$0x20] =	vst v6;
	s20 =	sadd.s32 $0x400, s20  }
0x34: {  	v2 =	vld.idx.msk [tilespmem:v0+s19+$0x10 ss:$0x1], $0xffff;
	[tilespmem:s20+$0x30] =	vst v7  }
0x35: {  	[tilespmem:s20+$0xFFFFFFC0] =	vst v8;
	v6 =	vld.idx.msk [tilespmem:v0+s19+$0x20 ss:$0x1], $0xffff;
	s19 =	sshra.s32 s21, $0x2;
	s21 =	sadd.s32 $0x200, s21  }
0x36: {  	_ =	sdelay $0x2  }
0x37: {  	[tilespmem:s20+$0xFFFFFFD0] =	vst v5  }
0x38: {  	v56 =	vld.idx.msk [tilespmem:v0+s19+$0x30 ss:$0x1], $0xffff;
	[tilespmem:s20+$0xFFFFFFE0] =	vst v4  }
0x39: {  	v57 =	vld.idx.msk [tilespmem:v0+s19+$0xFFFFFFC0 ss:$0x1], $0xffff;
	[tilespmem:s20+$0xFFFFFFF0] =	vst v3  }
0x3a: {  	v58 =	vld.idx.msk [tilespmem:v0+s19+$0xFFFFFFD0 ss:$0x1], $0xffff;
	[tilespmem:s20+$0x0] =	vst v1  }
0x3b: {  	v59 =	vld.idx.msk [tilespmem:v0+s19+$0xFFFFFFE0 ss:$0x1], $0xffff;
	[tilespmem:s20+$0x10] =	vst v2  }
0x3c: {  	v60 =	vld.idx.msk [tilespmem:v0+s19+$0xFFFFFFF0 ss:$0x1], $0xffff;
	s31 =	sadd.s32 $0x400, s20;
	[tilespmem:s20+$0x20] =	vst v6  }
0x3d: {  	v61 =	vld.idx.msk [tilespmem:v0+s19+$0x0 ss:$0x1], $0xffff;
	[tilespmem:s31+$0x30] =	vst v56  }
0x3e: {  	v62 =	vld.idx.msk [tilespmem:v0+s19+$0x10 ss:$0x1], $0xffff;
	s18 =	sadd.s32 $0x1, s18;
	[tilespmem:s31+$0xFFFFFFC0] =	vst v57  }
0x3f: {  	v63 =	vld.idx.msk [tilespmem:v0+s19+$0x20 ss:$0x1], $0xffff;
	p1 =	sne.s32 s18, $0x8;
	[tilespmem:s31+$0xFFFFFFD0] =	vst v58  }
.Ltmp4:
0x40: {  	[tilespmem:s31+$0xFFFFFFE0] =	vst v59;
	(pc) =	sbr.rel @p1 .LBB1_4-.Ltmp4, $4  }
0x41: {  	[tilespmem:s31+$0xFFFFFFF0] =	vst v60  }
0x42: {  	[tilespmem:s31+$0x0] =	vst v61  }
0x43: {  	[tilespmem:s31+$0x10] =	vst v62  }
0x44: {  	s16 =	sadd.s32 $0x80, s16;
	s17 =	sadd.s32 $0x400, s17;
	[tilespmem:s31+$0x20] =	vst v63  }
.Ltmp5:
0x45: {  	(pc) =	sbr.rel @p0 .LBB1_3-.Ltmp5, $2  }
0x46: {  	_ =	sdelay $0x2  }
0x47: {  	s16 =	simm.s32 $0x2000;
	p1 =	por $0x0, $0x0  }
.Ltmp6:
0x48: {  	(pc) =	sbr.rel .LBB1_9-.Ltmp6, $4  }
0x49: {  	_ = 	snop  }
0x4a: {  	s12 =	sshll.u32 s12, $0xA  }
0x4b: {  	s12 =	sadd.s32 s4, s12  }
0x4c: {  	[hbm4b:s12+s8] =	stream.linear.scatter [tilespmem:s13], [sflag:$0x2], $0x4000, $0x38;
	[tilespmem:$0x10000] =	vst v63  }
.LBB1_10:
0x4d: {  	_ =	sfence.sel $0x180000  }
0x4e: {  	s2 =	simm.s32 $0x1;
	[bflag:$0x0] =	sbarrier.arrive $0xFFFF  }
0x4f: {  	s31 =	simm.s32 $0x2;
	[sflag:s2] =	ssyncpa.u1 $0x1  }
0x50: {  	[sflag:s31] =	ssyncpa.u1 $0x1  }
0x51: {  	p0 =	sne.s32 s0, $0x0;
	_ =	strace $0x90000047  }
0x52: {  	s0 =	sadd.s32 @!p0 $0x100000, s1;
	[bflag:$0x2] =	sbarrier.arrive $0xFFFF  }
0x53: {  	[sflag:s0] =	ssyncadd.tile.s32 @!p0 $0x1;
	_ =	shalt  }
.Lfunc_end1:
_tile_overlayer_lowered:
.L_overlay_start_2:
0x54: {  	(tag) =	ssettag $0x2  }
0x55: {  	s0 =	rddreg [dreg:$0x0];
	s2 =	stileid.u32  }
0x56: {  	s1 =	rddreg [dreg:$0x1];
	p0 =	sne.s32 s2, $0x0  }
0x57: {  	s3 =	rddreg [dreg:$0x2];
	[bflag:$0x3] =	sbarrier.arrive $0xFFFF;
	s2 =	simm.s32 @!p0 $0x1C01  }
0x58: {  	[timem:s3], [sflag:s2] =	dma.local @!p0 [hbm:s0], s1  }
0x59: {  	s0 =	simm.s32 @!p0 $0x1  }
0x5a: {  	_ =	swait.ge @!p0 [sflag:s0], s1  }
0x5b: {  	s1 =	ssub.s32 @!p0 $0x0, s1;
	[sflag:s0] =	ssyncset.done @!p0 $0x0  }
0x5c: {  	[sflag:s0] =	ssyncadd.s32 @!p0 s1  }
0x5d: {  	[bflag:$0x3] =	sbarrier.arrive $0xFFFF  }
0x5e: {  	_ =	shalt  }

// kernel: sparse-core-data-format-call.cloned.1.call-start
scs
called_computation_lowered:
.L_overlay_start_0:
0x0: {  	s2 =	sld [smem:$0x3FD9]  }
0x1: {  	s3 =	sld [smem:$0x3FFE];
	_ =	sdelay $0x1  }
0x2: {  	s1 =	srdreg.scid  }
0x3: {  	s0 =	sand.u32 $0x1, s1  }
0x4: {  	s18 =	sshll.u32 s0, $0xA;
	s2 =	sadd.s32 s3, s2  }
0x5: {  	s2 =	sadd.s32 s2, s18  }
0x6: {  	[smem:$0x3FBA] =	sst s2  }
0x7: {  	_ = 	snop  }
0x8: {  	(tm) =	ssettm $0x1  }
0x9: {  	s19 =	sld [smem:$0x3FFB];
	_ =	sdelay $0x3  }
0xa: {  	_ =	strace s19  }
0xb: {  	s2 =	sld [smem:$0x3FFC];
	_ =	sdelay $0x3  }
0xc: {  	_ =	strace s2  }
0xd: {  	s2 =	sld [smem:$0x3FFD];
	_ =	sdelay $0x3  }
0xe: {  	_ =	strace s2  }
0xf: {  	_ =	strace $0x8FFFFFFF  }
0x10: {  	s20 =	sld [smem:$0x3FDB];
	_ =	sdelay $0x1  }
0x11: {  	s21 =	simm.s32 $_scs_section_size  }
0x12: {  	s4 =	simm.s32 $_size__tile_overlayer_lowered;
	s5 =	simm.s32 $_tile_overlayer_lowered  }
0x13: {  	s6 =	simm.s32 $0x1BFF;
	s22 =	sshll.u32 s5, $0x1;
	s3 =	sadd.s32 s21, s20  }
0x14: {  	s23 =	simm.s32 $0x0;
	s4 =	sshll.u32 s4, $0x1;
	s5 =	sadd.s32 s22, s3  }
0x15: {  	[timem:s23], [sflag:s6] =	dma.local [hbm:s5], s4  }
0x16: {  	_ =	swait.ge [sflag:s6], s4  }
0x17: {  	s4 =	ssub.s32 $0x0, s4;
	[sflag:s6] =	ssyncset.done $0x0  }
0x18: {  	[sflag:s6] =	ssyncadd.s32 s4;
	_ =	sdelay $0x1  }
0x19: {  	s24 =	simm.s32 $0x1B8B  }
0x1a: {  	_ =	swait.ge [sflag:s24], $0x1  }
0x1b: {  	[sflag:s24] =	ssyncset.done $0x0  }
0x1c: {  	[sflag:s24] =	ssyncadd.s32 $0xFFFFFFFF  }
0x1d: {  	s4 =	sld [smem:$0x0]  }
0x1e: {  	s5 =	sand.u32 $0xFFFFFFFE, s1  }
0x1f: {  	p0 =	sne.s32 s1, s5  }
0x20: {  	s5 =	sshll.u32 @p0 s5, $0xE  }
0x21: {  	s5 =	sadd.s32 @p0 $0x11B8D, s5;
	s6 =	sshll.u32 @p0 s4, $0x11  }
0x22: {  	s5 =	sor.u32 @p0 s6, s5  }
0x23: {  	[sflag:s5] =	ssyncadd.remote.s32 @p0 $0x1;
	_ =	sdelay $0x1  }
0x24: {  	s5 =	simm.s32 @p0 $0x1B8D  }
0x25: {  	_ =	swait.eq @p0 [sflag:s5], $0x1  }
0x26: {  	[sflag:s5] =	ssyncadd.s32 @p0 $0xFFFFFFFF  }
0x27: {  	s6 =	sshll.u32 @!p0 s1, $0xE  }
0x28: {  	s6 =	sor.u32 @!p0 $0x4000, s6;
	s5 =	simm.s32 @!p0 $0x1B8D  }
0x29: {  	s4 =	sshll.u32 @!p0 s4, $0x11;
	s6 =	sadd.s32 @!p0 $0x11B8D, s6;
	_ =	swait.eq @!p0 [sflag:s5], $0x1  }
0x2a: {  	s4 =	sor.u32 @!p0 s4, s6;
	[sflag:s5] =	ssyncadd.s32 @!p0 $0xFFFFFFFF  }
0x2b: {  	s26 =	simm.s32 $0x1B8E;
	s25 =	sld [smem:$0x3FFE];
	[sflag:s4] =	ssyncadd.remote.s32 @!p0 $0x1  }
0x2c: {  	s27 =	simm.s32 $execute0_lowered;
	[smem:$0x3FD2] =	sst s26  }
0x2d: {  	s5 =	sshll.u32 s27, $0x1;
	_ =	strace $0x80000049;
	[dreg:$0x1] =	wrdreg $0xFFFFFFFF  }
0x2e: {  	s28 =	simm.s32 $_size_execute0_lowered;
	s3 =	sadd.s32 s3, s5;
	[dreg:$0x0] =	wrdreg $0x0  }
0x2f: {  	s5 =	sshll.u32 s28, $0x1;
	[dreg:$0x2] =	wrdreg s3  }
0x30: {  	[dreg:$0x3] =	wrdreg s5  }
0x31: {  	[dreg:$0x4] =	wrdreg $0xC0  }
0x32: {  	_ =	task [dreg:s23], $0x5FFFF  }
0x33: {  	[dreg:$0x1] =	wrdreg $0xFFFFFFFF  }
0x34: {  	[dreg:$0x0] =	wrdreg $0x60  }
0x35: {  	[dreg:$0x2] =	wrdreg s25  }
0x36: {  	[dreg:$0x3] =	wrdreg $0x9  }
0x37: {  	_ =	task.clear_ibuf [dreg:s23], $0x4FFFF;
	_ =	strace $0x90000049  }
0x38: {  	s29 =	simm.s32 $0x9;
	_ =	strace $0x8000004B  }
0x39: {  	_ =	swait.ge [sflag:s29], $0x1  }
0x3a: {  	[sflag:s29] =	ssyncadd.s32 $0xFFFFFFFF  }
0x3b: {  	_ =	strace $0x9000004B  }
0x3c: {  	_ =	sfence  }
0x3d: {  	s30 =	sld [smem:$0x0];
	_ =	sdelay $0x2  }
0x3e: {  	s31 =	sshll.u32 s1, $0xD;
	s1 =	sshrl.u32 s1, $0x2  }
0x3f: {  	s4 =	sand.u32 $0x4000, s31;
	s1 =	sadd.s32 s1, s30  }
0x40: {  	s0 =	sor.u32 s4, s0;
	s1 =	sshll.u32 s1, $0x11  }
0x41: {  	s0 =	sor.u32 s1, s0  }
0x42: {  	s0 =	sadd.s32 $0x8F2B, s0  }
0x43: {  	[sflag:s0] =	ssyncadd.remote.s32 $0x1  }
0x44: {  	_ =	sfence.sel $0xFFFF  }
0x45: {  	[dreg:$0x0] =	wrdreg $0xFFFFFFFF;
	(pc) =	sbr.abs _section_cstart, $3  }
0x46: {  	[dreg:$0x1] =	wrdreg $0xFFFFFFFF  }
0x47: {  	_ =	task.clear_ibuf [dreg:s23], $0x2FFFF;
	_ =	strace $0x9FFFFFFF  }
0x48: {  	(tm) =	ssettm $0x7FFFFFFF  }
0x49: {  	_ =	shalt  }
tec
execute0_lowered:
.L_overlay_start_1:
0x0: {  	(tag) =	ssettag $0x1  }
0x1: {  	s0 =	srdreg.scid  }
0x2: {  	s1 =	sshll.u32 s0, $0x4  }
0x3: {  	s4 =	rddreg [dreg:$0x0];
	s0 =	stileid.u32;
	s1 =	sand.u32 $0x10, s1  }
0x4: {  	s7 =	simm.s32 $0x1;
	s8 =	simm.s32 $0x2;
	s1 =	sor.u32 s0, s1  }
0x5: {  	s9 =	simm.s32 $0x0;
	s12 =	simm.s32 $0x0;
	s2 =	sshll.u32 s1, $0x1  }
0x6: {  	s11 =	simm.s32 $0x0;
	s3 =	sadd.s32 $0xA3800, s4;
	s6 =	ssub.s32 $0x500, s2  }
.Ltmp0:
0x7: {  	s4 =	sadd.s32 $0x463800, s4;
	s5 =	sand.u32 $0x3E, s6;
	(pc) =	sbr.rel .LBB1_1-.Ltmp0, $4  }
0x8: {  	s1 =	rddreg [dreg:$0x1];
	_ =	strace $0x8000004A;
	p0 =	sne.s32 s5, $0x0  }
0x9: {  	s6 =	sshrl.u32 s6, $0x6;
	s5 =	simm.s32 $0x1;
	s7 =	simm.s32 @!p0 $0x0  }
0xa: {  	s10 =	smov.u32 s2;
	[sflag:s5] =	ssyncpa.u1 $0x0;
	s6 =	sadd.s32 s7, s6  }
0xb: {  	[sflag:s8] =	ssyncpa.u1 $0x0;
	s8 =	simm.s32 $0x0;
	s7 =	sadd.s32 $0x1, s6  }
.LBB1_9:
0xc: {  	s14 =	sadd.s32 $0x40, s10  }
0xd: {  	p1 =	sgt.s32 s14, $0x4FF  }
0xe: {  	s14 =	smov.u32 @p1 s2;
	p1 =	sne.s32 s11, s7  }
.Ltmp1:
0xf: {  	p0 =	slt.u32 s11, $0x2;
	(pc) =	sbr.rel @!p1 .LBB1_10-.Ltmp1, $4  }
0x10: {  	s13 =	simm.s32 @!p0 $0x2  }
0x11: {  	s15 =	sadd.s32 $0x1, s11;
	_ =	swait.ge @!p0 [sflag:s13], $0x4000  }
0x12: {  	s12 =	smov.u32 s10;
	s9 =	sadd.s32 $0x4000, s9;
	[sflag:s13] =	ssyncset.done @!p0 $0x0  }
0x13: {  	s11 =	smov.u32 s15;
	s10 =	smov.u32 s14;
	[sflag:s13] =	ssyncadd.s32 @!p0 $0xFFFFC000  }
.LBB1_1:
0x14: {  	p0 =	sge.u32 s11, s6  }
0x15: {  	s13 =	sxor.u32 @!p0 $0xFFFFFFFF, s11  }
0x16: {  	s31 =	sadd.s32 $0xFFFFFFFF, s11;
	s14 =	sshll.u32 @!p0 s10, $0xA;
	s13 =	sshll.u32 @!p0 s13, $0xE  }
0x17: {  	s15 =	simm.s32 @!p0 $0x0;
	s14 =	sadd.s32 @!p0 s3, s14;
	s13 =	sand.u32 @!p0 $0x4000, s13  }
0x18: {  	[tilespmem:s13], [sflag:$0x1] =	stream.linear.gather @!p0 [hbm4b:s14+s15], $0x4000, $0x38;
	[tilespmem:$0x10000] =	vst v63  }
0x19: {  	p0 =	sge.u32 s31, s6  }
.Ltmp2:
0x1a: {  	_ = 	snop;
	(pc) =	sbr.rel @p0 .LBB1_9-.Ltmp2, $1  }
0x1b: {  	_ =	sdelay $0x3  }
0x1c: {  	s13 =	sshll.u32 s9, $0x2  }
0x1d: {  	_ =	swait.ge [sflag:s5], $0x4000;
	s14 =	sshll.u32 s11, $0xE;
	s16 =	simm.s32 $0x0  }
0x1e: {  	p1 =	por $0x1, $0x1;
	s13 =	sand.u32 $0x10000, s13;
	[sflag:s5] =	ssyncset.done $0x0  }
0x1f: {  	s14 =	sand.u32 $0x4000, s14;
	s15 =	sshrl.u32 s13, $0x2;
	[sflag:s5] =	ssyncadd.s32 $0xFFFFC000  }
0x20: {  	s13 =	sor.u32 $0x8000, s14;
	s14 =	sadd.s32 $0x8040, s15;
	s15 =	sadd.s32 $0x40, s15  }
.LBB1_3:
0x21: {  	s16 =	sshll.u32 s16, $0x2  }
0x22: {  	p0 =	por p1, p1;
	s17 =	sshra.s32 s16, $0x2  }
0x23: {  	s18 =	simm.s32 $0x0;
	s16 =	sadd.s32 s17, s14;
	s17 =	sadd.s32 s17, s15  }
.LBB1_4:
0x24: {  	v0 =	vmov s17;
	_ =	sdelay $0x3  }
0x25: {  	s20 =	simm.s32 $0x0  }
0x26: {  	v6 =	vld.idx.msk [tilespmem:v0+s20+$0x30 ss:$0x1], $0xffff  }
0x27: {  	v7 =	vld.idx.msk [tilespmem:v0+s20+$0xFFFFFFC0 ss:$0x1], $0xffff  }
0x28: {  	v5 =	vld.idx.msk [tilespmem:v0+s20+$0xFFFFFFD0 ss:$0x1], $0xffff  }
0x29: {  	v4 =	vld.idx.msk [tilespmem:v0+s20+$0xFFFFFFE0 ss:$0x1], $0xffff  }
0x2a: {  	v3 =	vld.idx.msk [tilespmem:v0+s20+$0xFFFFFFF0 ss:$0x1], $0xffff  }
0x2b: {  	v1 =	vld.idx.msk [tilespmem:v0+s20+$0x0 ss:$0x1], $0xffff  }
0x2c: {  	v2 =	vld.idx.msk [tilespmem:v0+s20+$0x10 ss:$0x1], $0xffff;
	[tilespmem:s16+$0x30] =	vst v6  }
0x2d: {  	s19 =	simm.s32 $0x80;
	s21 =	simm.s32 $0x400;
	[tilespmem:s16+$0xFFFFFFC0] =	vst v7;
	v6 =	vld.idx.msk [tilespmem:v0+s20+$0x20 ss:$0x1], $0xffff;
	s20 =	smov.u32 s16  }
.LBB1_5:
0x2e: {  	p1 =	sne.s32 s21, $0xE00;
	v7 =	vld.idx.msk [tilespmem:v0+s19+$0x30 ss:$0x1], $0xffff;
	[tilespmem:s20+$0xFFFFFFD0] =	vst v5  }
0x2f: {  	v8 =	vld.idx.msk [tilespmem:v0+s19+$0xFFFFFFC0 ss:$0x1], $0xffff;
	[tilespmem:s20+$0xFFFFFFE0] =	vst v4  }
0x30: {  	v5 =	vld.idx.msk [tilespmem:v0+s19+$0xFFFFFFD0 ss:$0x1], $0xffff;
	[tilespmem:s20+$0xFFFFFFF0] =	vst v3  }
.Ltmp3:
0x31: {  	v4 =	vld.idx.msk [tilespmem:v0+s19+$0xFFFFFFE0 ss:$0x1], $0xffff;
	[tilespmem:s20+$0x0] =	vst v1;
	(pc) =	sbr.rel @p1 .LBB1_5-.Ltmp3, $4  }
0x32: {  	v3 =	vld.idx.msk [tilespmem:v0+s19+$0xFFFFFFF0 ss:$0x1], $0xffff;
	[tilespmem:s20+$0x10] =	vst v2  }
0x33: {  	v1 =	vld.idx.msk [tilespmem:v0+s19+$0x0 ss:$0x1], $0xffff;
	[tilespmem:s20+$0x20] =	vst v6;
	s20 =	sadd.s32 $0x400, s20  }
0x34: {  	v2 =	vld.idx.msk [tilespmem:v0+s19+$0x10 ss:$0x1], $0xffff;
	[tilespmem:s20+$0x30] =	vst v7  }
0x35: {  	[tilespmem:s20+$0xFFFFFFC0] =	vst v8;
	v6 =	vld.idx.msk [tilespmem:v0+s19+$0x20 ss:$0x1], $0xffff;
	s19 =	sshra.s32 s21, $0x2;
	s21 =	sadd.s32 $0x200, s21  }
0x36: {  	_ =	sdelay $0x2  }
0x37: {  	[tilespmem:s20+$0xFFFFFFD0] =	vst v5  }
0x38: {  	v56 =	vld.idx.msk [tilespmem:v0+s19+$0x30 ss:$0x1], $0xffff;
	[tilespmem:s20+$0xFFFFFFE0] =	vst v4  }
0x39: {  	v57 =	vld.idx.msk [tilespmem:v0+s19+$0xFFFFFFC0 ss:$0x1], $0xffff;
	[tilespmem:s20+$0xFFFFFFF0] =	vst v3  }
0x3a: {  	v58 =	vld.idx.msk [tilespmem:v0+s19+$0xFFFFFFD0 ss:$0x1], $0xffff;
	[tilespmem:s20+$0x0] =	vst v1  }
0x3b: {  	v59 =	vld.idx.msk [tilespmem:v0+s19+$0xFFFFFFE0 ss:$0x1], $0xffff;
	[tilespmem:s20+$0x10] =	vst v2  }
0x3c: {  	v60 =	vld.idx.msk [tilespmem:v0+s19+$0xFFFFFFF0 ss:$0x1], $0xffff;
	s31 =	sadd.s32 $0x400, s20;
	[tilespmem:s20+$0x20] =	vst v6  }
0x3d: {  	v61 =	vld.idx.msk [tilespmem:v0+s19+$0x0 ss:$0x1], $0xffff;
	[tilespmem:s31+$0x30] =	vst v56  }
0x3e: {  	v62 =	vld.idx.msk [tilespmem:v0+s19+$0x10 ss:$0x1], $0xffff;
	s18 =	sadd.s32 $0x1, s18;
	[tilespmem:s31+$0xFFFFFFC0] =	vst v57  }
0x3f: {  	v63 =	vld.idx.msk [tilespmem:v0+s19+$0x20 ss:$0x1], $0xffff;
	p1 =	sne.s32 s18, $0x8;
	[tilespmem:s31+$0xFFFFFFD0] =	vst v58  }
.Ltmp4:
0x40: {  	[tilespmem:s31+$0xFFFFFFE0] =	vst v59;
	(pc) =	sbr.rel @p1 .LBB1_4-.Ltmp4, $4  }
0x41: {  	[tilespmem:s31+$0xFFFFFFF0] =	vst v60  }
0x42: {  	[tilespmem:s31+$0x0] =	vst v61  }
0x43: {  	[tilespmem:s31+$0x10] =	vst v62  }
0x44: {  	s16 =	sadd.s32 $0x80, s16;
	s17 =	sadd.s32 $0x400, s17;
	[tilespmem:s31+$0x20] =	vst v63  }
.Ltmp5:
0x45: {  	(pc) =	sbr.rel @p0 .LBB1_3-.Ltmp5, $2  }
0x46: {  	_ =	sdelay $0x2  }
0x47: {  	s16 =	simm.s32 $0x2000;
	p1 =	por $0x0, $0x0  }
.Ltmp6:
0x48: {  	(pc) =	sbr.rel .LBB1_9-.Ltmp6, $4  }
0x49: {  	_ = 	snop  }
0x4a: {  	s12 =	sshll.u32 s12, $0xA  }
0x4b: {  	s12 =	sadd.s32 s4, s12  }
0x4c: {  	[hbm4b:s12+s8] =	stream.linear.scatter [tilespmem:s13], [sflag:$0x2], $0x4000, $0x38;
	[tilespmem:$0x10000] =	vst v63  }
.LBB1_10:
0x4d: {  	_ =	sfence.sel $0x180000  }
0x4e: {  	s2 =	simm.s32 $0x1;
	[bflag:$0x0] =	sbarrier.arrive $0xFFFF  }
0x4f: {  	s31 =	simm.s32 $0x2;
	[sflag:s2] =	ssyncpa.u1 $0x1  }
0x50: {  	[sflag:s31] =	ssyncpa.u1 $0x1  }
0x51: {  	p0 =	sne.s32 s0, $0x0;
	_ =	strace $0x9000004A  }
0x52: {  	s0 =	sadd.s32 @!p0 $0x100000, s1;
	[bflag:$0x2] =	sbarrier.arrive $0xFFFF  }
0x53: {  	[sflag:s0] =	ssyncadd.tile.s32 @!p0 $0x1;
	_ =	shalt  }
.Lfunc_end1:
_tile_overlayer_lowered:
.L_overlay_start_2:
0x54: {  	(tag) =	ssettag $0x2  }
0x55: {  	s0 =	rddreg [dreg:$0x0];
	s2 =	stileid.u32  }
0x56: {  	s1 =	rddreg [dreg:$0x1];
	p0 =	sne.s32 s2, $0x0  }
0x57: {  	s3 =	rddreg [dreg:$0x2];
	[bflag:$0x3] =	sbarrier.arrive $0xFFFF;
	s2 =	simm.s32 @!p0 $0x1C01  }
0x58: {  	[timem:s3], [sflag:s2] =	dma.local @!p0 [hbm:s0], s1  }
0x59: {  	s0 =	simm.s32 @!p0 $0x1  }
0x5a: {  	_ =	swait.ge @!p0 [sflag:s0], s1  }
0x5b: {  	s1 =	ssub.s32 @!p0 $0x0, s1;
	[sflag:s0] =	ssyncset.done @!p0 $0x0  }
0x5c: {  	[sflag:s0] =	ssyncadd.s32 @!p0 s1  }
0x5d: {  	[bflag:$0x3] =	sbarrier.arrive $0xFFFF  }
0x5e: {  	_ =	shalt  }

</sc_bundles>
